<compile_context>
chip_gen: v7x
topology: tpu7x:2x2x1
jax: 0.10.2.dev20260603
libtpu: 0.0.44.dev20260713+nightly
codegen_flags: <defaults>
</compile_context>

<pallas_src>
import functools

import jax
import jax.numpy as jnp
from jax import lax
from jax.experimental import pallas as pl
from jax.experimental.pallas import tpu as pltpu
from jax.experimental.pallas import tpu_sc as plsc

_R, _C = 128, 32768
_N = _R * _C
_POS = 0.75 * (_N - 1)
_K = int(_POS)
_FRAC = _POS - _K
_MIN32 = -2147483648
_MAX32 = 2147483647

_NC, _NS, _L = 2, 16, 16
_NW = _NC * _NS
_PER_W = _N // _NW
_CHUNK = 4096
_NCHUNKS = _PER_W // _CHUNK
_VPC = _CHUNK // _L
_BINS = 65536

_mesh = plsc.VectorSubcoreMesh(core_axis_name="c", subcore_axis_name="s")
_sc_params = pltpu.CompilerParams(needs_layout_passes=False)


def _upattern(xv):
    bits = lax.bitcast_convert_type(xv, jnp.int32)
    return jnp.where(bits >= 0, bits | jnp.int32(_MIN32), ~bits)


def _zero_hist(hist):
    def zero(i, carry):
        hist[pl.ds(i * _L, _L)] = jnp.zeros((_L,), jnp.int32)
        return carry

    lax.fori_loop(0, _BINS // _L, zero, 0, unroll=8)



_HALF = _BINS // 2
_SEG = _HALF // _NS


def _merge_hist(hist, shared, seg2d, accbuf, hist_out, cid, sid):
    for h in range(2):
        off = h * _HALF
        pltpu.sync_copy(hist.at[pl.ds(off, _HALF)], shared.at[sid])
        plsc.subcore_barrier()
        for g in range(2):
            pltpu.sync_copy(
                shared.at[pl.ds(g * 8, 8), pl.ds(sid * _SEG, _SEG)], seg2d)

            @plsc.parallel_loop(0, _SEG // _L, step=1, unroll=4)
            def _(i):
                sl = pl.ds(i * _L, _L)
                v = seg2d[0, sl]
                for t in range(1, 8):
                    v = v + seg2d[t, sl]
                if g == 0:
                    accbuf[sl] = v
                else:
                    accbuf[sl] = accbuf[sl] + v

        pltpu.sync_copy(
            accbuf, hist_out.at[cid, pl.ds(off + sid * _SEG, _SEG)])
        plsc.subcore_barrier()



def _sc1_body(x_hbm, hist_out, sums_out,
              buf0, buf1, hist, sumbuf, shared, seg2d, accbuf, sem0, sem1):
    cid = lax.axis_index("c")
    sid = lax.axis_index("s")
    wid = sid * _NC + cid
    row0 = wid * (_R // _NW)
    bufs = (buf0, buf1)
    sems = (sem0, sem1)

    _zero_hist(hist)

    def dma(j, b):
        r = row0 + (j >> 3)
        c = (j & 7) * _CHUNK
        return pltpu.make_async_copy(
            x_hbm.at[r, pl.ds(c, _CHUNK)], bufs[b], sems[b])

    dma(0, 0).start()
    dma(1, 1).start()

    ones = jnp.ones((_L,), jnp.int32)

    def process(buf, sums):
        @plsc.parallel_loop(0, _VPC, step=1, unroll=8, carry=sums)
        def vec(i, sums):
            s0, s1 = sums
            xv = buf[pl.ds(i * _L, _L)]
            hb = lax.shift_right_logical(_upattern(xv), 16)
            plsc.addupdate_scatter(hist, [hb], ones)
            return (s1 + xv, s0)

        return vec

    def outer(j2, sums):
        for b in range(2):
            j = j2 * 2 + b
            dma(j, b).wait()
            sums = process(bufs[b], sums)

            @pl.when(j + 2 < _NCHUNKS)
            def _():
                dma(j + 2, b).start()

        return sums

    zero = jnp.zeros((_L,), jnp.float32)
    s0, s1 = lax.fori_loop(0, _NCHUNKS // 2, outer, (zero, zero))
    sumbuf[...] = s0 + s1
    pltpu.sync_copy(sumbuf, sums_out.at[wid])
    _merge_hist(hist, shared, seg2d, accbuf, hist_out, cid, sid)


_sc_pass1 = functools.partial(
    pl.kernel,
    out_type=[
        jax.ShapeDtypeStruct((_NC, _BINS), jnp.int32),
        jax.ShapeDtypeStruct((_NW, _L), jnp.float32),
    ],
    mesh=_mesh,
    compiler_params=_sc_params,
    scratch_types=[
        pltpu.VMEM((_CHUNK,), jnp.float32),
        pltpu.VMEM((_CHUNK,), jnp.float32),
        pltpu.VMEM((_BINS,), jnp.int32),
        pltpu.VMEM((_L,), jnp.float32),
        pltpu.VMEM_SHARED((_NS, _HALF), jnp.int32),
        pltpu.VMEM((8, _SEG), jnp.int32),
        pltpu.VMEM((_SEG,), jnp.int32),
        pltpu.SemaphoreType.DMA,
        pltpu.SemaphoreType.DMA,
    ],
)(_sc1_body)



def _sc2_body(x_hbm, b1_hbm, hist_out, minab_out,
              buf0, buf1, hist, b1buf, minbuf, shared, seg2d, accbuf,
              sem0, sem1):
    cid = lax.axis_index("c")
    sid = lax.axis_index("s")
    wid = sid * _NC + cid
    row0 = wid * (_R // _NW)
    bufs = (buf0, buf1)
    sems = (sem0, sem1)

    _zero_hist(hist)
    pltpu.sync_copy(b1_hbm, b1buf)
    b1v = b1buf[...]

    def dma(j, b):
        r = row0 + (j >> 3)
        c = (j & 7) * _CHUNK
        return pltpu.make_async_copy(
            x_hbm.at[r, pl.ds(c, _CHUNK)], bufs[b], sems[b])

    dma(0, 0).start()
    dma(1, 1).start()

    ones = jnp.ones((_L,), jnp.int32)

    def process(buf, maccs):
        @plsc.parallel_loop(0, _VPC, step=1, unroll=8, carry=maccs)
        def vec(i, maccs):
            m0, m1 = maccs
            xv = buf[pl.ds(i * _L, _L)]
            u = _upattern(xv)
            hb = lax.shift_right_logical(u, 16)
            low = u & 65535
            plsc.addupdate_scatter(hist, [low], ones, mask=hb == b1v)
            key = u ^ jnp.int32(_MIN32)
            cand = jnp.where(hb > b1v, key, jnp.int32(_MAX32))
            return (jnp.minimum(m1, cand), m0)

        return vec

    def outer(j2, maccs):
        for b in range(2):
            j = j2 * 2 + b
            dma(j, b).wait()
            maccs = process(bufs[b], maccs)

            @pl.when(j + 2 < _NCHUNKS)
            def _():
                dma(j + 2, b).start()

        return maccs

    init = jnp.full((_L,), _MAX32, jnp.int32)
    m0, m1 = lax.fori_loop(0, _NCHUNKS // 2, outer, (init, init))
    minbuf[...] = jnp.minimum(m0, m1)
    pltpu.sync_copy(minbuf, minab_out.at[wid])
    _merge_hist(hist, shared, seg2d, accbuf, hist_out, cid, sid)


_sc_pass2 = functools.partial(
    pl.kernel,
    out_type=[
        jax.ShapeDtypeStruct((_NC, _BINS), jnp.int32),
        jax.ShapeDtypeStruct((_NW, _L), jnp.int32),
    ],
    mesh=_mesh,
    compiler_params=_sc_params,
    scratch_types=[
        pltpu.VMEM((_CHUNK,), jnp.float32),
        pltpu.VMEM((_CHUNK,), jnp.float32),
        pltpu.VMEM((_BINS,), jnp.int32),
        pltpu.VMEM((_L,), jnp.int32),
        pltpu.VMEM((_L,), jnp.int32),
        pltpu.VMEM_SHARED((_NS, _HALF), jnp.int32),
        pltpu.VMEM((8, _SEG), jnp.int32),
        pltpu.VMEM((_SEG,), jnp.int32),
        pltpu.SemaphoreType.DMA,
        pltpu.SemaphoreType.DMA,
    ],
)(_sc2_body)



def _descend16(merged, rank):
    idx = (lax.broadcasted_iota(jnp.int32, merged.shape, 0) * 128
           + lax.broadcasted_iota(jnp.int32, merged.shape, 1))

    def step(i, p):
        t = p | (jnp.int32(1) << (jnp.int32(15) - i))
        cnt = jnp.sum(jnp.where(idx < t, merged, 0))
        return jnp.where(cnt > rank, p, t)

    return lax.fori_loop(0, 16, step, jnp.int32(0)), idx


def _an1_body(hist_ref, sums_ref, b1vec_ref, b1s_ref, below_ref, mean_ref):
    merged = hist_ref[0] + hist_ref[1]
    b1, idx = _descend16(merged, jnp.int32(_K))
    below = jnp.sum(jnp.where(idx < b1, merged, 0))

    b1vec_ref[...] = jnp.full((_L,), b1, jnp.int32)
    b1s_ref[0, 0] = b1
    below_ref[0, 0] = below
    mean_ref[0, 0] = jnp.sum(sums_ref[...]) / _N


def _tc_analyze1(hist, sums):
    return pl.pallas_call(
        _an1_body,
        in_specs=[
            pl.BlockSpec((_NC, 512, 128), lambda: (0, 0, 0)),
            pl.BlockSpec((_NW, _L), lambda: (0, 0)),
        ],
        out_specs=[
            pl.BlockSpec((_L,), lambda: (0,)),
            pl.BlockSpec(memory_space=pltpu.SMEM),
            pl.BlockSpec(memory_space=pltpu.SMEM),
            pl.BlockSpec(memory_space=pltpu.SMEM),
        ],
        out_shape=[
            jax.ShapeDtypeStruct((_L,), jnp.int32),
            jax.ShapeDtypeStruct((1, 1), jnp.int32),
            jax.ShapeDtypeStruct((1, 1), jnp.int32),
            jax.ShapeDtypeStruct((1, 1), jnp.float32),
        ],
    )(hist.reshape(_NC, 512, 128), sums)



def _key_to_float(k):
    u = k ^ jnp.int32(_MIN32)
    bits = jnp.where(u < 0, u & jnp.int32(_MAX32), ~u)
    return lax.bitcast_convert_type(bits, jnp.float32)


_MROWS = 8


def _mask_body(hist_ref, minab_ref, b1s_ref, below_ref, mean_ref,
               x_ref, out_ref, q_ref):
    @pl.when(pl.program_id(0) == 0)
    def _():
        b1 = b1s_ref[0, 0]
        below = below_ref[0, 0]

        merged = hist_ref[0] + hist_ref[1]
        cnt_b1 = jnp.sum(merged)
        r = jnp.int32(_K) - below

        low_k, _ = _descend16(merged, r)
        low_k1, _ = _descend16(merged, r + 1)
        min_above = jnp.min(minab_ref[...])

        hi_part = b1 << 16
        key_k = (hi_part | low_k) ^ jnp.int32(_MIN32)
        key_k1 = jnp.where(
            r + 1 < cnt_b1, (hi_part | low_k1) ^ jnp.int32(_MIN32), min_above)

        xk = _key_to_float(key_k)
        xk1 = _key_to_float(key_k1)
        q_ref[0, 0] = xk * (1.0 - _FRAC) + xk1 * _FRAC

    q = q_ref[0, 0]
    m = mean_ref[0, 0]
    xa = x_ref[...]
    out_ref[...] = jnp.where(xa > q, m, xa)


def _tc_mask(image, hist2, minab, b1s, below, meanv):
    return pl.pallas_call(
        _mask_body,
        grid=(_R // _MROWS,),
        in_specs=[
            pl.BlockSpec((_NC, 512, 128), lambda i: (0, 0, 0)),
            pl.BlockSpec((_NW, _L), lambda i: (0, 0)),
            pl.BlockSpec(memory_space=pltpu.SMEM),
            pl.BlockSpec(memory_space=pltpu.SMEM),
            pl.BlockSpec(memory_space=pltpu.SMEM),
            pl.BlockSpec((_MROWS, _C), lambda i: (i, 0)),
        ],
        out_specs=pl.BlockSpec((_MROWS, _C), lambda i: (i, 0)),
        out_shape=jax.ShapeDtypeStruct((_R, _C), jnp.float32),
        scratch_shapes=[pltpu.SMEM((1, 1), jnp.float32)],
    )(hist2.reshape(_NC, 512, 128), minab, b1s, below, meanv, image)


@jax.jit
def kernel(image):
    hist1, sums = _sc_pass1(image)
    b1vec, b1s, below, meanv = _tc_analyze1(hist1, sums)
    hist2, minab = _sc_pass2(image, b1vec)
    return _tc_mask(image, hist2, minab, b1s, below, meanv)

# --- scband reference (transcript-rebuilt; emitter-appended) ---
"""Pipeline reference for scband-cut-high-76982993814159 (READ-ONLY COPY).

The authoritative reference and input builder live on the scoring server;
editing this copy changes nothing except your own understanding.
"""

import jax, jax.numpy as jnp
import numpy as np

QUART = 0.75

def setup_inputs(seed: int = 0) -> dict:
    key = jax.random.key(seed)
    image = jax.random.normal(key, (128, 32768), dtype=jnp.float32)
    return {"image": image}

def reference(image):
    # torch.quantile default: linear interpolation over flattened tensor
    q = jnp.quantile(image, QUART)
    m = jnp.mean(image)
    # functional equivalent of in-place masked assignment:
    # image[image > q] = mean(image)
    out = jnp.where(image > q, m, image)
    return out

if __name__ == "__main__":
    import jax
    _d = setup_inputs()
    print(jax.jit(kernel)(*tuple(_d.values())))

</pallas_src>

<mosaic_0001>
#map = affine_map<(d0, d1) -> (0, 0)>
module attributes {stable_mosaic.version = 14 : i64} {
  func.func @_sc1_body(%arg0: i32, %arg1: i32, %arg2: memref<128x32768xf32, #tpu.memory_space<hbm>>, %arg3: memref<2x65536xi32, #tpu.memory_space<hbm>>, %arg4: memref<32x16xf32, #tpu.memory_space<hbm>>, %arg5: memref<4096xf32, #tpu.memory_space<vmem>>, %arg6: memref<4096xf32, #tpu.memory_space<vmem>>, %arg7: memref<65536xi32, #tpu.memory_space<vmem>>, %arg8: memref<16xf32, #tpu.memory_space<vmem>>, %arg9: memref<16x32768xi32, #tpu.memory_space<vmem_shared>>, %arg10: memref<8x2048xi32, #tpu.memory_space<vmem>>, %arg11: memref<2048xi32, #tpu.memory_space<vmem>>, %arg12: memref<!tpu.dma_semaphore, #tpu.memory_space<semaphore_mem>>, %arg13: memref<!tpu.dma_semaphore, #tpu.memory_space<semaphore_mem>>) attributes {dimension_semantics = [#tpu.dimension_semantics<core_parallel>, #tpu.dimension_semantics<subcore_parallel>], iteration_bounds = array<i64: 2, 16>, scalar_prefetch = 0 : i64, scratch_operands = 9 : i64, tpu.core_type = #tpu.core_type<sc_vector_subcore>, window_params = [{transform_indices = #map}, {transform_indices = #map}, {transform_indices = #map}]} {
    %mul3A = arith.constant 2 : i32
    %mul3A_0 = arith.muli %arg1, %mul3A : i32
    %add3A = arith.addi %mul3A_0, %arg0 : i32
    %mul3A_1 = arith.constant 4 : i32
    %mul3A_2 = arith.muli %add3A, %mul3A_1 : i32
    %scan3A = arith.constant 0 : i32
    %scan3A_3 = arith.constant 0 : i32
    %scan3A_4 = arith.constant 4096 : i32
    %scan3A_5 = arith.addi %scan3A_3, %scan3A_4 : i32
    %scan3A_6 = arith.constant 8 : i32
    scf.for %scan3A_64 = %scan3A_3 to %scan3A_5 step %scan3A_6  : i32 {
      %broadcast_in_dim3A_65 = arith.constant 0 : i32
      %broadcast_in_dim3A_66 = vector.broadcast %broadcast_in_dim3A_65 : i32 to vector<16xi32>
      %mul3A_67 = arith.constant 16 : i32
      %mul3A_68 = arith.muli %scan3A_64, %mul3A_67 : i32
      %swap3A_69 = arith.index_cast %mul3A_68 : i32 to index
      %swap3A_70 = tpu.vector_load %arg7[%swap3A_69] {strides = array<i32>} : memref<65536xi32, #tpu.memory_space<vmem>>, vector<16xi32>,
      tpu.vector_store %arg7[%swap3A_69], %broadcast_in_dim3A_66 {strides = array<i32>} : memref<65536xi32, #tpu.memory_space<vmem>>, vector<16xi32>,
      %scan3A_71 = arith.constant 1 : i32
      %scan3A_72 = arith.addi %scan3A_64, %scan3A_71 : i32
      %broadcast_in_dim3A_73 = arith.constant 0 : i32
      %broadcast_in_dim3A_74 = vector.broadcast %broadcast_in_dim3A_73 : i32 to vector<16xi32>
      %mul3A_75 = arith.constant 16 : i32
      %mul3A_76 = arith.muli %scan3A_72, %mul3A_75 : i32
      %swap3A_77 = arith.index_cast %mul3A_76 : i32 to index
      %swap3A_78 = tpu.vector_load %arg7[%swap3A_77] {strides = array<i32>} : memref<65536xi32, #tpu.memory_space<vmem>>, vector<16xi32>,
      tpu.vector_store %arg7[%swap3A_77], %broadcast_in_dim3A_74 {strides = array<i32>} : memref<65536xi32, #tpu.memory_space<vmem>>, vector<16xi32>,
      %scan3A_79 = arith.constant 2 : i32
      %scan3A_80 = arith.addi %scan3A_64, %scan3A_79 : i32
      %broadcast_in_dim3A_81 = arith.constant 0 : i32
      %broadcast_in_dim3A_82 = vector.broadcast %broadcast_in_dim3A_81 : i32 to vector<16xi32>
      %mul3A_83 = arith.constant 16 : i32
      %mul3A_84 = arith.muli %scan3A_80, %mul3A_83 : i32
      %swap3A_85 = arith.index_cast %mul3A_84 : i32 to index
      %swap3A_86 = tpu.vector_load %arg7[%swap3A_85] {strides = array<i32>} : memref<65536xi32, #tpu.memory_space<vmem>>, vector<16xi32>,
      tpu.vector_store %arg7[%swap3A_85], %broadcast_in_dim3A_82 {strides = array<i32>} : memref<65536xi32, #tpu.memory_space<vmem>>, vector<16xi32>,
      %scan3A_87 = arith.constant 3 : i32
      %scan3A_88 = arith.addi %scan3A_64, %scan3A_87 : i32
      %broadcast_in_dim3A_89 = arith.constant 0 : i32
      %broadcast_in_dim3A_90 = vector.broadcast %broadcast_in_dim3A_89 : i32 to vector<16xi32>
      %mul3A_91 = arith.constant 16 : i32
      %mul3A_92 = arith.muli %scan3A_88, %mul3A_91 : i32
      %swap3A_93 = arith.index_cast %mul3A_92 : i32 to index
      %swap3A_94 = tpu.vector_load %arg7[%swap3A_93] {strides = array<i32>} : memref<65536xi32, #tpu.memory_space<vmem>>, vector<16xi32>,
      tpu.vector_store %arg7[%swap3A_93], %broadcast_in_dim3A_90 {strides = array<i32>} : memref<65536xi32, #tpu.memory_space<vmem>>, vector<16xi32>,
      %scan3A_95 = arith.constant 4 : i32
      %scan3A_96 = arith.addi %scan3A_64, %scan3A_95 : i32
      %broadcast_in_dim3A_97 = arith.constant 0 : i32
      %broadcast_in_dim3A_98 = vector.broadcast %broadcast_in_dim3A_97 : i32 to vector<16xi32>
      %mul3A_99 = arith.constant 16 : i32
      %mul3A_100 = arith.muli %scan3A_96, %mul3A_99 : i32
      %swap3A_101 = arith.index_cast %mul3A_100 : i32 to index
      %swap3A_102 = tpu.vector_load %arg7[%swap3A_101] {strides = array<i32>} : memref<65536xi32, #tpu.memory_space<vmem>>, vector<16xi32>,
      tpu.vector_store %arg7[%swap3A_101], %broadcast_in_dim3A_98 {strides = array<i32>} : memref<65536xi32, #tpu.memory_space<vmem>>, vector<16xi32>,
      %scan3A_103 = arith.constant 5 : i32
      %scan3A_104 = arith.addi %scan3A_64, %scan3A_103 : i32
      %broadcast_in_dim3A_105 = arith.constant 0 : i32
      %broadcast_in_dim3A_106 = vector.broadcast %broadcast_in_dim3A_105 : i32 to vector<16xi32>
      %mul3A_107 = arith.constant 16 : i32
      %mul3A_108 = arith.muli %scan3A_104, %mul3A_107 : i32
      %swap3A_109 = arith.index_cast %mul3A_108 : i32 to index
      %swap3A_110 = tpu.vector_load %arg7[%swap3A_109] {strides = array<i32>} : memref<65536xi32, #tpu.memory_space<vmem>>, vector<16xi32>,
      tpu.vector_store %arg7[%swap3A_109], %broadcast_in_dim3A_106 {strides = array<i32>} : memref<65536xi32, #tpu.memory_space<vmem>>, vector<16xi32>,
      %scan3A_111 = arith.constant 6 : i32
      %scan3A_112 = arith.addi %scan3A_64, %scan3A_111 : i32
      %broadcast_in_dim3A_113 = arith.constant 0 : i32
      %broadcast_in_dim3A_114 = vector.broadcast %broadcast_in_dim3A_113 : i32 to vector<16xi32>
      %mul3A_115 = arith.constant 16 : i32
      %mul3A_116 = arith.muli %scan3A_112, %mul3A_115 : i32
      %swap3A_117 = arith.index_cast %mul3A_116 : i32 to index
      %swap3A_118 = tpu.vector_load %arg7[%swap3A_117] {strides = array<i32>} : memref<65536xi32, #tpu.memory_space<vmem>>, vector<16xi32>,
      tpu.vector_store %arg7[%swap3A_117], %broadcast_in_dim3A_114 {strides = array<i32>} : memref<65536xi32, #tpu.memory_space<vmem>>, vector<16xi32>,
      %scan3A_119 = arith.constant 7 : i32
      %scan3A_120 = arith.addi %scan3A_64, %scan3A_119 : i32
      %broadcast_in_dim3A_121 = arith.constant 0 : i32
      %broadcast_in_dim3A_122 = vector.broadcast %broadcast_in_dim3A_121 : i32 to vector<16xi32>
      %mul3A_123 = arith.constant 16 : i32
      %mul3A_124 = arith.muli %scan3A_120, %mul3A_123 : i32
      %swap3A_125 = arith.index_cast %mul3A_124 : i32 to index
      %swap3A_126 = tpu.vector_load %arg7[%swap3A_125] {strides = array<i32>} : memref<65536xi32, #tpu.memory_space<vmem>>, vector<16xi32>,
      tpu.vector_store %arg7[%swap3A_125], %broadcast_in_dim3A_122 {strides = array<i32>} : memref<65536xi32, #tpu.memory_space<vmem>>, vector<16xi32>,
    }
    %scan3A_7 = arith.constant 4096 : i32
    %add3A_8 = arith.constant 0 : i32
    %add3A_9 = arith.addi %mul3A_2, %add3A_8 : i32
    %dma_start3A = arith.constant 0 : i32
    %dma_start3A_10 = tpu.memref_slice %arg2[%add3A_9, %dma_start3A] : memref<128x32768xf32, #tpu.memory_space<hbm>> -> memref<1x4096xf32, #tpu.memory_space<hbm>>
    %dma_start3A_11 = tpu.memref_squeeze %dma_start3A_10 : memref<1x4096xf32, #tpu.memory_space<hbm>> -> memref<4096xf32, #tpu.memory_space<hbm>>
    %dma_start3A_12 = arith.constant 0 : i32
    %dma_start3A_13 = tpu.memref_slice %arg2[%add3A_9, %dma_start3A_12] : memref<128x32768xf32, #tpu.memory_space<hbm>> -> memref<1x4096xf32, #tpu.memory_space<hbm>>
    %dma_start3A_14 = tpu.memref_squeeze %dma_start3A_13 : memref<1x4096xf32, #tpu.memory_space<hbm>> -> memref<4096xf32, #tpu.memory_space<hbm>>
    tpu.enqueue_dma source(%dma_start3A_14 : memref<4096xf32, #tpu.memory_space<hbm>>) target(%arg5 : memref<4096xf32, #tpu.memory_space<vmem>>) target_semaphore(%arg12 : memref<!tpu.dma_semaphore, #tpu.memory_space<semaphore_mem>>)
    %add3A_15 = arith.constant 0 : i32
    %add3A_16 = arith.addi %mul3A_2, %add3A_15 : i32
    %dma_start3A_17 = arith.constant 4096 : i32
    %dma_start3A_18 = tpu.memref_slice %arg2[%add3A_16, %dma_start3A_17] : memref<128x32768xf32, #tpu.memory_space<hbm>> -> memref<1x4096xf32, #tpu.memory_space<hbm>>
    %dma_start3A_19 = tpu.memref_squeeze %dma_start3A_18 : memref<1x4096xf32, #tpu.memory_space<hbm>> -> memref<4096xf32, #tpu.memory_space<hbm>>
    %dma_start3A_20 = arith.constant 4096 : i32
    %dma_start3A_21 = tpu.memref_slice %arg2[%add3A_16, %dma_start3A_20] : memref<128x32768xf32, #tpu.memory_space<hbm>> -> memref<1x4096xf32, #tpu.memory_space<hbm>>
    %dma_start3A_22 = tpu.memref_squeeze %dma_start3A_21 : memref<1x4096xf32, #tpu.memory_space<hbm>> -> memref<4096xf32, #tpu.memory_space<hbm>>
    tpu.enqueue_dma source(%dma_start3A_22 : memref<4096xf32, #tpu.memory_space<hbm>>) target(%arg6 : memref<4096xf32, #tpu.memory_space<vmem>>) target_semaphore(%arg13 : memref<!tpu.dma_semaphore, #tpu.memory_space<semaphore_mem>>)
    %broadcast_in_dim3A = arith.constant 1 : i32
    %broadcast_in_dim3A_23 = vector.broadcast %broadcast_in_dim3A : i32 to vector<16xi32>
    %broadcast_in_dim3A_24 = arith.constant 0.000000e+00 : f32
    %broadcast_in_dim3A_25 = vector.broadcast %broadcast_in_dim3A_24 : f32 to vector<16xf32>
    %scan3A_26 = arith.constant 0 : i32
    %scan3A_27 = arith.constant 16 : i32
    %scan3A_28 = arith.addi %scan3A_26, %scan3A_27 : i32
    %scan3A_29 = arith.constant 1 : i32
    %scan3A_30:2 = scf.for %scan3A_64 = %scan3A_26 to %scan3A_28 step %scan3A_29 iter_args(%scan3A_65 = %broadcast_in_dim3A_25, %scan3A_66 = %broadcast_in_dim3A_25) -> (vector<16xf32>, vector<16xf32>)  : i32 {
      %mul3A_67 = arith.constant 2 : i32
      %mul3A_68 = arith.muli %scan3A_64, %mul3A_67 : i32
      %add3A_69 = arith.constant 0 : i32
      %add3A_70 = arith.addi %mul3A_68, %add3A_69 : i32
      %shift_right_arithmetic3A = arith.constant 3 : i32
      %shift_right_arithmetic3A_71 = arith.shrsi %add3A_70, %shift_right_arithmetic3A : i32
      %add3A_72 = arith.addi %mul3A_2, %shift_right_arithmetic3A_71 : i32
      %and3A = arith.constant 7 : i32
      %and3A_73 = arith.andi %add3A_70, %and3A : i32
      %mul3A_74 = arith.constant 4096 : i32
      %mul3A_75 = arith.muli %and3A_73, %mul3A_74 : i32
      %dma_wait3A = tpu.memref_slice %arg2[%add3A_72, %mul3A_75] : memref<128x32768xf32, #tpu.memory_space<hbm>> -> memref<1x4096xf32, #tpu.memory_space<hbm>>
      %dma_wait3A_76 = tpu.memref_squeeze %dma_wait3A : memref<1x4096xf32, #tpu.memory_space<hbm>> -> memref<4096xf32, #tpu.memory_space<hbm>>
      %dma_wait3A_77 = tpu.memref_slice %arg2[%add3A_72, %mul3A_75] : memref<128x32768xf32, #tpu.memory_space<hbm>> -> memref<1x4096xf32, #tpu.memory_space<hbm>>
      %dma_wait3A_78 = tpu.memref_squeeze %dma_wait3A_77 : memref<1x4096xf32, #tpu.memory_space<hbm>> -> memref<4096xf32, #tpu.memory_space<hbm>>
      tpu.wait_dma2 semaphore(%arg12 : memref<!tpu.dma_semaphore, #tpu.memory_space<semaphore_mem>>) src(%dma_wait3A_78 : memref<4096xf32, #tpu.memory_space<hbm>>) dst(%arg5 : memref<4096xf32, #tpu.memory_space<vmem>>)
      %parallel_loop3A_79 = arith.constant 0 : i32
      %parallel_loop3A_80 = arith.constant 256 : i32
      %parallel_loop3A_81 = arith.constant 1 : i32
      %parallel_loop3A_82:2 = scf.for %parallel_loop3A_113 = %parallel_loop3A_79 to %parallel_loop3A_80 step %parallel_loop3A_81 iter_args(%parallel_loop3A_114 = %scan3A_65, %parallel_loop3A_115 = %scan3A_66) -> (vector<16xf32>, vector<16xf32>)  : i32 {
        %parallel_loop3A_116 = arith.constant 16 : i32
        %parallel_loop3A_117 = arith.muli %parallel_loop3A_113, %parallel_loop3A_116 : i32
        %parallel_loop3A_118 = arith.index_cast %parallel_loop3A_117 : i32 to index
        %parallel_loop3A_119 = tpu.vector_load %arg5[%parallel_loop3A_118] {strides = array<i32>} : memref<4096xf32, #tpu.memory_space<vmem>>, vector<16xf32>,
        %parallel_loop3A_120 = tpu.bitcast %parallel_loop3A_119 : vector<16xf32> -> vector<16xi32>
        %parallel_loop3A_121 = arith.constant 0 : i32
        %parallel_loop3A_122 = vector.broadcast %parallel_loop3A_121 : i32 to vector<16xi32>
        %parallel_loop3A_123 = arith.cmpi sge, %parallel_loop3A_120, %parallel_loop3A_122 : vector<16xi32>
        %parallel_loop3A_124 = arith.constant -2147483648 : i32
        %parallel_loop3A_125 = vector.broadcast %parallel_loop3A_124 : i32 to vector<16xi32>
        %parallel_loop3A_126 = arith.ori %parallel_loop3A_120, %parallel_loop3A_125 : vector<16xi32>
        %parallel_loop3A_127 = arith.constant dense<-1> : vector<16xi32>
        %parallel_loop3A_128 = arith.xori %parallel_loop3A_120, %parallel_loop3A_127 : vector<16xi32>
        %parallel_loop3A_129 = arith.select %parallel_loop3A_123, %parallel_loop3A_126, %parallel_loop3A_128 : vector<16xi1>, vector<16xi32>
        %parallel_loop3A_130 = arith.constant 16 : i32
        %parallel_loop3A_131 = vector.broadcast %parallel_loop3A_130 : i32 to vector<16xi32>
        %parallel_loop3A_132 = arith.shrui %parallel_loop3A_129, %parallel_loop3A_131 : vector<16xi32>
        tpu.vector_store_idx %arg7[%parallel_loop3A_132], %broadcast_in_dim3A_23 {add = true} : memref<65536xi32, #tpu.memory_space<vmem>>[vector<16xi32>], vector<16xi32>,
        %parallel_loop3A_133 = arith.addf %parallel_loop3A_115, %parallel_loop3A_119 : vector<16xf32>
        scf.yield %parallel_loop3A_133, %parallel_loop3A_114 : vector<16xf32>, vector<16xf32>
      } {sc.loop_unroll_factor = 8 : i64, sc.parallel_access}
      %add3A_83 = arith.constant 2 : i32
      %add3A_84 = arith.addi %add3A_70, %add3A_83 : i32
      %lt3A = arith.constant 32 : i32
      %lt3A_85 = arith.cmpi slt, %add3A_84, %lt3A : i32
      %convert_element_type3A = arith.extui %lt3A_85 : i1 to i32
      %cond3A = arith.constant 0 : i32
      %cond3A_86 = arith.cmpi ne, %convert_element_type3A, %cond3A : i32
      scf.if %cond3A_86 {
        %add3A_113 = arith.constant 2 : i32
        %add3A_114 = arith.addi %add3A_70, %add3A_113 : i32
        %shift_right_arithmetic3A_115 = arith.constant 3 : i32
        %shift_right_arithmetic3A_116 = arith.shrsi %add3A_114, %shift_right_arithmetic3A_115 : i32
        %add3A_117 = arith.addi %mul3A_2, %shift_right_arithmetic3A_116 : i32
        %and3A_118 = arith.constant 7 : i32
        %and3A_119 = arith.andi %add3A_114, %and3A_118 : i32
        %mul3A_120 = arith.constant 4096 : i32
        %mul3A_121 = arith.muli %and3A_119, %mul3A_120 : i32
        %dma_start3A_122 = tpu.memref_slice %arg2[%add3A_117, %mul3A_121] : memref<128x32768xf32, #tpu.memory_space<hbm>> -> memref<1x4096xf32, #tpu.memory_space<hbm>>
        %dma_start3A_123 = tpu.memref_squeeze %dma_start3A_122 : memref<1x4096xf32, #tpu.memory_space<hbm>> -> memref<4096xf32, #tpu.memory_space<hbm>>
        %dma_start3A_124 = tpu.memref_slice %arg2[%add3A_117, %mul3A_121] : memref<128x32768xf32, #tpu.memory_space<hbm>> -> memref<1x4096xf32, #tpu.memory_space<hbm>>
        %dma_start3A_125 = tpu.memref_squeeze %dma_start3A_124 : memref<1x4096xf32, #tpu.memory_space<hbm>> -> memref<4096xf32, #tpu.memory_space<hbm>>
        tpu.enqueue_dma source(%dma_start3A_125 : memref<4096xf32, #tpu.memory_space<hbm>>) target(%arg5 : memref<4096xf32, #tpu.memory_space<vmem>>) target_semaphore(%arg12 : memref<!tpu.dma_semaphore, #tpu.memory_space<semaphore_mem>>)
      } else {
      }
      %mul3A_87 = arith.constant 2 : i32
      %mul3A_88 = arith.muli %scan3A_64, %mul3A_87 : i32
      %add3A_89 = arith.constant 1 : i32
      %add3A_90 = arith.addi %mul3A_88, %add3A_89 : i32
      %shift_right_arithmetic3A_91 = arith.constant 3 : i32
      %shift_right_arithmetic3A_92 = arith.shrsi %add3A_90, %shift_right_arithmetic3A_91 : i32
      %add3A_93 = arith.addi %mul3A_2, %shift_right_arithmetic3A_92 : i32
      %and3A_94 = arith.constant 7 : i32
      %and3A_95 = arith.andi %add3A_90, %and3A_94 : i32
      %mul3A_96 = arith.constant 4096 : i32
      %mul3A_97 = arith.muli %and3A_95, %mul3A_96 : i32
      %dma_wait3A_98 = tpu.memref_slice %arg2[%add3A_93, %mul3A_97] : memref<128x32768xf32, #tpu.memory_space<hbm>> -> memref<1x4096xf32, #tpu.memory_space<hbm>>
      %dma_wait3A_99 = tpu.memref_squeeze %dma_wait3A_98 : memref<1x4096xf32, #tpu.memory_space<hbm>> -> memref<4096xf32, #tpu.memory_space<hbm>>
      %dma_wait3A_100 = tpu.memref_slice %arg2[%add3A_93, %mul3A_97] : memref<128x32768xf32, #tpu.memory_space<hbm>> -> memref<1x4096xf32, #tpu.memory_space<hbm>>
      %dma_wait3A_101 = tpu.memref_squeeze %dma_wait3A_100 : memref<1x4096xf32, #tpu.memory_space<hbm>> -> memref<4096xf32, #tpu.memory_space<hbm>>
      tpu.wait_dma2 semaphore(%arg13 : memref<!tpu.dma_semaphore, #tpu.memory_space<semaphore_mem>>) src(%dma_wait3A_101 : memref<4096xf32, #tpu.memory_space<hbm>>) dst(%arg6 : memref<4096xf32, #tpu.memory_space<vmem>>)
      %parallel_loop3A_102 = arith.constant 0 : i32
      %parallel_loop3A_103 = arith.constant 256 : i32
      %parallel_loop3A_104 = arith.constant 1 : i32
      %parallel_loop3A_105:2 = scf.for %parallel_loop3A_113 = %parallel_loop3A_102 to %parallel_loop3A_103 step %parallel_loop3A_104 iter_args(%parallel_loop3A_114 = %parallel_loop3A_82#0, %parallel_loop3A_115 = %parallel_loop3A_82#1) -> (vector<16xf32>, vector<16xf32>)  : i32 {
        %parallel_loop3A_116 = arith.constant 16 : i32
        %parallel_loop3A_117 = arith.muli %parallel_loop3A_113, %parallel_loop3A_116 : i32
        %parallel_loop3A_118 = arith.index_cast %parallel_loop3A_117 : i32 to index
        %parallel_loop3A_119 = tpu.vector_load %arg6[%parallel_loop3A_118] {strides = array<i32>} : memref<4096xf32, #tpu.memory_space<vmem>>, vector<16xf32>,
        %parallel_loop3A_120 = tpu.bitcast %parallel_loop3A_119 : vector<16xf32> -> vector<16xi32>
        %parallel_loop3A_121 = arith.constant 0 : i32
        %parallel_loop3A_122 = vector.broadcast %parallel_loop3A_121 : i32 to vector<16xi32>
        %parallel_loop3A_123 = arith.cmpi sge, %parallel_loop3A_120, %parallel_loop3A_122 : vector<16xi32>
        %parallel_loop3A_124 = arith.constant -2147483648 : i32
        %parallel_loop3A_125 = vector.broadcast %parallel_loop3A_124 : i32 to vector<16xi32>
        %parallel_loop3A_126 = arith.ori %parallel_loop3A_120, %parallel_loop3A_125 : vector<16xi32>
        %parallel_loop3A_127 = arith.constant dense<-1> : vector<16xi32>
        %parallel_loop3A_128 = arith.xori %parallel_loop3A_120, %parallel_loop3A_127 : vector<16xi32>
        %parallel_loop3A_129 = arith.select %parallel_loop3A_123, %parallel_loop3A_126, %parallel_loop3A_128 : vector<16xi1>, vector<16xi32>
        %parallel_loop3A_130 = arith.constant 16 : i32
        %parallel_loop3A_131 = vector.broadcast %parallel_loop3A_130 : i32 to vector<16xi32>
        %parallel_loop3A_132 = arith.shrui %parallel_loop3A_129, %parallel_loop3A_131 : vector<16xi32>
        tpu.vector_store_idx %arg7[%parallel_loop3A_132], %broadcast_in_dim3A_23 {add = true} : memref<65536xi32, #tpu.memory_space<vmem>>[vector<16xi32>], vector<16xi32>,
        %parallel_loop3A_133 = arith.addf %parallel_loop3A_115, %parallel_loop3A_119 : vector<16xf32>
        scf.yield %parallel_loop3A_133, %parallel_loop3A_114 : vector<16xf32>, vector<16xf32>
      } {sc.loop_unroll_factor = 8 : i64, sc.parallel_access}
      %add3A_106 = arith.constant 2 : i32
      %add3A_107 = arith.addi %add3A_90, %add3A_106 : i32
      %lt3A_108 = arith.constant 32 : i32
      %lt3A_109 = arith.cmpi slt, %add3A_107, %lt3A_108 : i32
      %convert_element_type3A_110 = arith.extui %lt3A_109 : i1 to i32
      %cond3A_111 = arith.constant 0 : i32
      %cond3A_112 = arith.cmpi ne, %convert_element_type3A_110, %cond3A_111 : i32
      scf.if %cond3A_112 {
        %add3A_113 = arith.constant 2 : i32
        %add3A_114 = arith.addi %add3A_90, %add3A_113 : i32
        %shift_right_arithmetic3A_115 = arith.constant 3 : i32
        %shift_right_arithmetic3A_116 = arith.shrsi %add3A_114, %shift_right_arithmetic3A_115 : i32
        %add3A_117 = arith.addi %mul3A_2, %shift_right_arithmetic3A_116 : i32
        %and3A_118 = arith.constant 7 : i32
        %and3A_119 = arith.andi %add3A_114, %and3A_118 : i32
        %mul3A_120 = arith.constant 4096 : i32
        %mul3A_121 = arith.muli %and3A_119, %mul3A_120 : i32
        %dma_start3A_122 = tpu.memref_slice %arg2[%add3A_117, %mul3A_121] : memref<128x32768xf32, #tpu.memory_space<hbm>> -> memref<1x4096xf32, #tpu.memory_space<hbm>>
        %dma_start3A_123 = tpu.memref_squeeze %dma_start3A_122 : memref<1x4096xf32, #tpu.memory_space<hbm>> -> memref<4096xf32, #tpu.memory_space<hbm>>
        %dma_start3A_124 = tpu.memref_slice %arg2[%add3A_117, %mul3A_121] : memref<128x32768xf32, #tpu.memory_space<hbm>> -> memref<1x4096xf32, #tpu.memory_space<hbm>>
        %dma_start3A_125 = tpu.memref_squeeze %dma_start3A_124 : memref<1x4096xf32, #tpu.memory_space<hbm>> -> memref<4096xf32, #tpu.memory_space<hbm>>
        tpu.enqueue_dma source(%dma_start3A_125 : memref<4096xf32, #tpu.memory_space<hbm>>) target(%arg6 : memref<4096xf32, #tpu.memory_space<vmem>>) target_semaphore(%arg13 : memref<!tpu.dma_semaphore, #tpu.memory_space<semaphore_mem>>)
      } else {
      }
      scf.yield %parallel_loop3A_105#0, %parallel_loop3A_105#1 : vector<16xf32>, vector<16xf32>
    }
    %scan3A_31 = arith.constant 16 : i32
    %add3A_32 = arith.addf %scan3A_30#0, %scan3A_30#1 : vector<16xf32>
    %swap3A = arith.constant 0 : index
    %swap3A_33 = tpu.vector_load %arg8[%swap3A] {strides = array<i32>} : memref<16xf32, #tpu.memory_space<vmem>>, vector<16xf32>,
    tpu.vector_store %arg8[%swap3A], %add3A_32 {strides = array<i32>} : memref<16xf32, #tpu.memory_space<vmem>>, vector<16xf32>,
    "tpu.region"() ({
      %run_scoped3A = tpu.sem_alloc : memref<!tpu.dma_semaphore, #tpu.memory_space<semaphore_mem>>
      %dma_start3A_64 = arith.constant 0 : i32
      %dma_start3A_65 = tpu.memref_slice %arg4[%add3A, %dma_start3A_64] : memref<32x16xf32, #tpu.memory_space<hbm>> -> memref<1x16xf32, #tpu.memory_space<hbm>>
      %dma_start3A_66 = tpu.memref_squeeze %dma_start3A_65 : memref<1x16xf32, #tpu.memory_space<hbm>> -> memref<16xf32, #tpu.memory_space<hbm>>
      %dma_start3A_67 = arith.constant 0 : i32
      %dma_start3A_68 = tpu.memref_slice %arg4[%add3A, %dma_start3A_67] : memref<32x16xf32, #tpu.memory_space<hbm>> -> memref<1x16xf32, #tpu.memory_space<hbm>>
      %dma_start3A_69 = tpu.memref_squeeze %dma_start3A_68 : memref<1x16xf32, #tpu.memory_space<hbm>> -> memref<16xf32, #tpu.memory_space<hbm>>
      tpu.enqueue_dma source(%arg8 : memref<16xf32, #tpu.memory_space<vmem>>) target(%dma_start3A_69 : memref<16xf32, #tpu.memory_space<hbm>>) target_semaphore(%run_scoped3A : memref<!tpu.dma_semaphore, #tpu.memory_space<semaphore_mem>>)
      %dma_wait3A = arith.constant 0 : i32
      %dma_wait3A_70 = tpu.memref_slice %arg4[%add3A, %dma_wait3A] : memref<32x16xf32, #tpu.memory_space<hbm>> -> memref<1x16xf32, #tpu.memory_space<hbm>>
      %dma_wait3A_71 = tpu.memref_squeeze %dma_wait3A_70 : memref<1x16xf32, #tpu.memory_space<hbm>> -> memref<16xf32, #tpu.memory_space<hbm>>
      %dma_wait3A_72 = arith.constant 0 : i32
      %dma_wait3A_73 = tpu.memref_slice %arg4[%add3A, %dma_wait3A_72] : memref<32x16xf32, #tpu.memory_space<hbm>> -> memref<1x16xf32, #tpu.memory_space<hbm>>
      %dma_wait3A_74 = tpu.memref_squeeze %dma_wait3A_73 : memref<1x16xf32, #tpu.memory_space<hbm>> -> memref<16xf32, #tpu.memory_space<hbm>>
      tpu.wait_dma2 semaphore(%run_scoped3A : memref<!tpu.dma_semaphore, #tpu.memory_space<semaphore_mem>>) src(%arg8 : memref<16xf32, #tpu.memory_space<vmem>>) dst(%dma_wait3A_74 : memref<16xf32, #tpu.memory_space<hbm>>)
      tpu.yield
    }) : () -> ()
    "tpu.region"() ({
      %run_scoped3A = tpu.sem_alloc : memref<!tpu.dma_semaphore, #tpu.memory_space<semaphore_mem>>
      %dma_start3A_64 = arith.constant 0 : i32
      %dma_start3A_65 = tpu.memref_slice %arg7[%dma_start3A_64] : memref<65536xi32, #tpu.memory_space<vmem>> -> memref<32768xi32, #tpu.memory_space<vmem>>
      %dma_start3A_66 = arith.constant 0 : i32
      %dma_start3A_67 = tpu.memref_slice %arg9[%arg1, %dma_start3A_66] : memref<16x32768xi32, #tpu.memory_space<vmem_shared>> -> memref<1x32768xi32, #tpu.memory_space<vmem_shared>>
      %dma_start3A_68 = tpu.memref_squeeze %dma_start3A_67 : memref<1x32768xi32, #tpu.memory_space<vmem_shared>> -> memref<32768xi32, #tpu.memory_space<vmem_shared>>
      %dma_start3A_69 = arith.constant 0 : i32
      %dma_start3A_70 = tpu.memref_slice %arg9[%arg1, %dma_start3A_69] : memref<16x32768xi32, #tpu.memory_space<vmem_shared>> -> memref<1x32768xi32, #tpu.memory_space<vmem_shared>>
      %dma_start3A_71 = tpu.memref_squeeze %dma_start3A_70 : memref<1x32768xi32, #tpu.memory_space<vmem_shared>> -> memref<32768xi32, #tpu.memory_space<vmem_shared>>
      %dma_start3A_72 = arith.constant 0 : i32
      %dma_start3A_73 = tpu.memref_slice %arg7[%dma_start3A_72] : memref<65536xi32, #tpu.memory_space<vmem>> -> memref<32768xi32, #tpu.memory_space<vmem>>
      tpu.enqueue_dma source(%dma_start3A_73 : memref<32768xi32, #tpu.memory_space<vmem>>) target(%dma_start3A_71 : memref<32768xi32, #tpu.memory_space<vmem_shared>>) target_semaphore(%run_scoped3A : memref<!tpu.dma_semaphore, #tpu.memory_space<semaphore_mem>>)
      %dma_wait3A = arith.constant 0 : i32
      %dma_wait3A_74 = tpu.memref_slice %arg7[%dma_wait3A] : memref<65536xi32, #tpu.memory_space<vmem>> -> memref<32768xi32, #tpu.memory_space<vmem>>
      %dma_wait3A_75 = arith.constant 0 : i32
      %dma_wait3A_76 = tpu.memref_slice %arg9[%arg1, %dma_wait3A_75] : memref<16x32768xi32, #tpu.memory_space<vmem_shared>> -> memref<1x32768xi32, #tpu.memory_space<vmem_shared>>
      %dma_wait3A_77 = tpu.memref_squeeze %dma_wait3A_76 : memref<1x32768xi32, #tpu.memory_space<vmem_shared>> -> memref<32768xi32, #tpu.memory_space<vmem_shared>>
      %dma_wait3A_78 = arith.constant 0 : i32
      %dma_wait3A_79 = tpu.memref_slice %arg9[%arg1, %dma_wait3A_78] : memref<16x32768xi32, #tpu.memory_space<vmem_shared>> -> memref<1x32768xi32, #tpu.memory_space<vmem_shared>>
      %dma_wait3A_80 = tpu.memref_squeeze %dma_wait3A_79 : memref<1x32768xi32, #tpu.memory_space<vmem_shared>> -> memref<32768xi32, #tpu.memory_space<vmem_shared>>
      %dma_wait3A_81 = arith.constant 0 : i32
      %dma_wait3A_82 = tpu.memref_slice %arg7[%dma_wait3A_81] : memref<65536xi32, #tpu.memory_space<vmem>> -> memref<32768xi32, #tpu.memory_space<vmem>>
      tpu.wait_dma2 semaphore(%run_scoped3A : memref<!tpu.dma_semaphore, #tpu.memory_space<semaphore_mem>>) src(%dma_wait3A_82 : memref<32768xi32, #tpu.memory_space<vmem>>) dst(%dma_wait3A_80 : memref<32768xi32, #tpu.memory_space<vmem_shared>>)
      tpu.yield
    }) : () -> ()
    %barrier3A = arith.constant 0 : index
    tpu.barrier barrier_id(%barrier3A)
    %mul3A_34 = arith.constant 2048 : i32
    %mul3A_35 = arith.muli %arg1, %mul3A_34 : i32
    "tpu.region"() ({
      %run_scoped3A = tpu.sem_alloc : memref<!tpu.dma_semaphore, #tpu.memory_space<semaphore_mem>>
      %dma_start3A_64 = arith.constant 0 : i32
      %dma_start3A_65 = tpu.memref_slice %arg9[%dma_start3A_64, %mul3A_35] : memref<16x32768xi32, #tpu.memory_space<vmem_shared>> -> memref<8x2048xi32, #tpu.memory_space<vmem_shared>>
      %dma_start3A_66 = arith.constant 0 : i32
      %dma_start3A_67 = tpu.memref_slice %arg9[%dma_start3A_66, %mul3A_35] : memref<16x32768xi32, #tpu.memory_space<vmem_shared>> -> memref<8x2048xi32, #tpu.memory_space<vmem_shared>>
      tpu.enqueue_dma source(%dma_start3A_67 : memref<8x2048xi32, #tpu.memory_space<vmem_shared>>) target(%arg10 : memref<8x2048xi32, #tpu.memory_space<vmem>>) target_semaphore(%run_scoped3A : memref<!tpu.dma_semaphore, #tpu.memory_space<semaphore_mem>>)
      %dma_wait3A = arith.constant 0 : i32
      %dma_wait3A_68 = tpu.memref_slice %arg9[%dma_wait3A, %mul3A_35] : memref<16x32768xi32, #tpu.memory_space<vmem_shared>> -> memref<8x2048xi32, #tpu.memory_space<vmem_shared>>
      %dma_wait3A_69 = arith.constant 0 : i32
      %dma_wait3A_70 = tpu.memref_slice %arg9[%dma_wait3A_69, %mul3A_35] : memref<16x32768xi32, #tpu.memory_space<vmem_shared>> -> memref<8x2048xi32, #tpu.memory_space<vmem_shared>>
      tpu.wait_dma2 semaphore(%run_scoped3A : memref<!tpu.dma_semaphore, #tpu.memory_space<semaphore_mem>>) src(%dma_wait3A_70 : memref<8x2048xi32, #tpu.memory_space<vmem_shared>>) dst(%arg10 : memref<8x2048xi32, #tpu.memory_space<vmem>>)
      tpu.yield
    }) : () -> ()
    %parallel_loop3A = arith.constant 0 : i32
    %parallel_loop3A_36 = arith.constant 128 : i32
    %parallel_loop3A_37 = arith.constant 1 : i32
    scf.for %parallel_loop3A_64 = %parallel_loop3A to %parallel_loop3A_36 step %parallel_loop3A_37  : i32 {
      %parallel_loop3A_65 = arith.constant 16 : i32
      %parallel_loop3A_66 = arith.muli %parallel_loop3A_64, %parallel_loop3A_65 : i32
      %parallel_loop3A_67 = arith.constant 0 : i32
      %parallel_loop3A_68 = arith.index_cast %parallel_loop3A_67 : i32 to index
      %parallel_loop3A_69 = arith.index_cast %parallel_loop3A_66 : i32 to index
      %parallel_loop3A_70 = tpu.vector_load %arg10[%parallel_loop3A_68, %parallel_loop3A_69] {strides = array<i32>} : memref<8x2048xi32, #tpu.memory_space<vmem>>, vector<16xi32>,
      %parallel_loop3A_71 = arith.constant 1 : i32
      %parallel_loop3A_72 = arith.index_cast %parallel_loop3A_71 : i32 to index
      %parallel_loop3A_73 = arith.index_cast %parallel_loop3A_66 : i32 to index
      %parallel_loop3A_74 = tpu.vector_load %arg10[%parallel_loop3A_72, %parallel_loop3A_73] {strides = array<i32>} : memref<8x2048xi32, #tpu.memory_space<vmem>>, vector<16xi32>,
      %parallel_loop3A_75 = arith.addi %parallel_loop3A_70, %parallel_loop3A_74 : vector<16xi32>
      %parallel_loop3A_76 = arith.constant 2 : i32
      %parallel_loop3A_77 = arith.index_cast %parallel_loop3A_76 : i32 to index
      %parallel_loop3A_78 = arith.index_cast %parallel_loop3A_66 : i32 to index
      %parallel_loop3A_79 = tpu.vector_load %arg10[%parallel_loop3A_77, %parallel_loop3A_78] {strides = array<i32>} : memref<8x2048xi32, #tpu.memory_space<vmem>>, vector<16xi32>,
      %parallel_loop3A_80 = arith.addi %parallel_loop3A_75, %parallel_loop3A_79 : vector<16xi32>
      %parallel_loop3A_81 = arith.constant 3 : i32
      %parallel_loop3A_82 = arith.index_cast %parallel_loop3A_81 : i32 to index
      %parallel_loop3A_83 = arith.index_cast %parallel_loop3A_66 : i32 to index
      %parallel_loop3A_84 = tpu.vector_load %arg10[%parallel_loop3A_82, %parallel_loop3A_83] {strides = array<i32>} : memref<8x2048xi32, #tpu.memory_space<vmem>>, vector<16xi32>,
      %parallel_loop3A_85 = arith.addi %parallel_loop3A_80, %parallel_loop3A_84 : vector<16xi32>
      %parallel_loop3A_86 = arith.constant 4 : i32
      %parallel_loop3A_87 = arith.index_cast %parallel_loop3A_86 : i32 to index
      %parallel_loop3A_88 = arith.index_cast %parallel_loop3A_66 : i32 to index
      %parallel_loop3A_89 = tpu.vector_load %arg10[%parallel_loop3A_87, %parallel_loop3A_88] {strides = array<i32>} : memref<8x2048xi32, #tpu.memory_space<vmem>>, vector<16xi32>,
      %parallel_loop3A_90 = arith.addi %parallel_loop3A_85, %parallel_loop3A_89 : vector<16xi32>
      %parallel_loop3A_91 = arith.constant 5 : i32
      %parallel_loop3A_92 = arith.index_cast %parallel_loop3A_91 : i32 to index
      %parallel_loop3A_93 = arith.index_cast %parallel_loop3A_66 : i32 to index
      %parallel_loop3A_94 = tpu.vector_load %arg10[%parallel_loop3A_92, %parallel_loop3A_93] {strides = array<i32>} : memref<8x2048xi32, #tpu.memory_space<vmem>>, vector<16xi32>,
      %parallel_loop3A_95 = arith.addi %parallel_loop3A_90, %parallel_loop3A_94 : vector<16xi32>
      %parallel_loop3A_96 = arith.constant 6 : i32
      %parallel_loop3A_97 = arith.index_cast %parallel_loop3A_96 : i32 to index
      %parallel_loop3A_98 = arith.index_cast %parallel_loop3A_66 : i32 to index
      %parallel_loop3A_99 = tpu.vector_load %arg10[%parallel_loop3A_97, %parallel_loop3A_98] {strides = array<i32>} : memref<8x2048xi32, #tpu.memory_space<vmem>>, vector<16xi32>,
      %parallel_loop3A_100 = arith.addi %parallel_loop3A_95, %parallel_loop3A_99 : vector<16xi32>
      %parallel_loop3A_101 = arith.constant 7 : i32
      %parallel_loop3A_102 = arith.index_cast %parallel_loop3A_101 : i32 to index
      %parallel_loop3A_103 = arith.index_cast %parallel_loop3A_66 : i32 to index
      %parallel_loop3A_104 = tpu.vector_load %arg10[%parallel_loop3A_102, %parallel_loop3A_103] {strides = array<i32>} : memref<8x2048xi32, #tpu.memory_space<vmem>>, vector<16xi32>,
      %parallel_loop3A_105 = arith.addi %parallel_loop3A_100, %parallel_loop3A_104 : vector<16xi32>
      %parallel_loop3A_106 = arith.index_cast %parallel_loop3A_66 : i32 to index
      %parallel_loop3A_107 = tpu.vector_load %arg11[%parallel_loop3A_106] {strides = array<i32>} : memref<2048xi32, #tpu.memory_space<vmem>>, vector<16xi32>,
      tpu.vector_store %arg11[%parallel_loop3A_106], %parallel_loop3A_105 {strides = array<i32>} : memref<2048xi32, #tpu.memory_space<vmem>>, vector<16xi32>,
    } {sc.loop_unroll_factor = 4 : i64, sc.parallel_access}
    %mul3A_38 = arith.constant 2048 : i32
    %mul3A_39 = arith.muli %arg1, %mul3A_38 : i32
    "tpu.region"() ({
      %run_scoped3A = tpu.sem_alloc : memref<!tpu.dma_semaphore, #tpu.memory_space<semaphore_mem>>
      %dma_start3A_64 = arith.constant 8 : i32
      %dma_start3A_65 = tpu.memref_slice %arg9[%dma_start3A_64, %mul3A_39] : memref<16x32768xi32, #tpu.memory_space<vmem_shared>> -> memref<8x2048xi32, #tpu.memory_space<vmem_shared>>
      %dma_start3A_66 = arith.constant 8 : i32
      %dma_start3A_67 = tpu.memref_slice %arg9[%dma_start3A_66, %mul3A_39] : memref<16x32768xi32, #tpu.memory_space<vmem_shared>> -> memref<8x2048xi32, #tpu.memory_space<vmem_shared>>
      tpu.enqueue_dma source(%dma_start3A_67 : memref<8x2048xi32, #tpu.memory_space<vmem_shared>>) target(%arg10 : memref<8x2048xi32, #tpu.memory_space<vmem>>) target_semaphore(%run_scoped3A : memref<!tpu.dma_semaphore, #tpu.memory_space<semaphore_mem>>)
      %dma_wait3A = arith.constant 8 : i32
      %dma_wait3A_68 = tpu.memref_slice %arg9[%dma_wait3A, %mul3A_39] : memref<16x32768xi32, #tpu.memory_space<vmem_shared>> -> memref<8x2048xi32, #tpu.memory_space<vmem_shared>>
      %dma_wait3A_69 = arith.constant 8 : i32
      %dma_wait3A_70 = tpu.memref_slice %arg9[%dma_wait3A_69, %mul3A_39] : memref<16x32768xi32, #tpu.memory_space<vmem_shared>> -> memref<8x2048xi32, #tpu.memory_space<vmem_shared>>
      tpu.wait_dma2 semaphore(%run_scoped3A : memref<!tpu.dma_semaphore, #tpu.memory_space<semaphore_mem>>) src(%dma_wait3A_70 : memref<8x2048xi32, #tpu.memory_space<vmem_shared>>) dst(%arg10 : memref<8x2048xi32, #tpu.memory_space<vmem>>)
      tpu.yield
    }) : () -> ()
    %parallel_loop3A_40 = arith.constant 0 : i32
    %parallel_loop3A_41 = arith.constant 128 : i32
    %parallel_loop3A_42 = arith.constant 1 : i32
    scf.for %parallel_loop3A_64 = %parallel_loop3A_40 to %parallel_loop3A_41 step %parallel_loop3A_42  : i32 {
      %parallel_loop3A_65 = arith.constant 16 : i32
      %parallel_loop3A_66 = arith.muli %parallel_loop3A_64, %parallel_loop3A_65 : i32
      %parallel_loop3A_67 = arith.constant 0 : i32
      %parallel_loop3A_68 = arith.index_cast %parallel_loop3A_67 : i32 to index
      %parallel_loop3A_69 = arith.index_cast %parallel_loop3A_66 : i32 to index
      %parallel_loop3A_70 = tpu.vector_load %arg10[%parallel_loop3A_68, %parallel_loop3A_69] {strides = array<i32>} : memref<8x2048xi32, #tpu.memory_space<vmem>>, vector<16xi32>,
      %parallel_loop3A_71 = arith.constant 1 : i32
      %parallel_loop3A_72 = arith.index_cast %parallel_loop3A_71 : i32 to index
      %parallel_loop3A_73 = arith.index_cast %parallel_loop3A_66 : i32 to index
      %parallel_loop3A_74 = tpu.vector_load %arg10[%parallel_loop3A_72, %parallel_loop3A_73] {strides = array<i32>} : memref<8x2048xi32, #tpu.memory_space<vmem>>, vector<16xi32>,
      %parallel_loop3A_75 = arith.addi %parallel_loop3A_70, %parallel_loop3A_74 : vector<16xi32>
      %parallel_loop3A_76 = arith.constant 2 : i32
      %parallel_loop3A_77 = arith.index_cast %parallel_loop3A_76 : i32 to index
      %parallel_loop3A_78 = arith.index_cast %parallel_loop3A_66 : i32 to index
      %parallel_loop3A_79 = tpu.vector_load %arg10[%parallel_loop3A_77, %parallel_loop3A_78] {strides = array<i32>} : memref<8x2048xi32, #tpu.memory_space<vmem>>, vector<16xi32>,
      %parallel_loop3A_80 = arith.addi %parallel_loop3A_75, %parallel_loop3A_79 : vector<16xi32>
      %parallel_loop3A_81 = arith.constant 3 : i32
      %parallel_loop3A_82 = arith.index_cast %parallel_loop3A_81 : i32 to index
      %parallel_loop3A_83 = arith.index_cast %parallel_loop3A_66 : i32 to index
      %parallel_loop3A_84 = tpu.vector_load %arg10[%parallel_loop3A_82, %parallel_loop3A_83] {strides = array<i32>} : memref<8x2048xi32, #tpu.memory_space<vmem>>, vector<16xi32>,
      %parallel_loop3A_85 = arith.addi %parallel_loop3A_80, %parallel_loop3A_84 : vector<16xi32>
      %parallel_loop3A_86 = arith.constant 4 : i32
      %parallel_loop3A_87 = arith.index_cast %parallel_loop3A_86 : i32 to index
      %parallel_loop3A_88 = arith.index_cast %parallel_loop3A_66 : i32 to index
      %parallel_loop3A_89 = tpu.vector_load %arg10[%parallel_loop3A_87, %parallel_loop3A_88] {strides = array<i32>} : memref<8x2048xi32, #tpu.memory_space<vmem>>, vector<16xi32>,
      %parallel_loop3A_90 = arith.addi %parallel_loop3A_85, %parallel_loop3A_89 : vector<16xi32>
      %parallel_loop3A_91 = arith.constant 5 : i32
      %parallel_loop3A_92 = arith.index_cast %parallel_loop3A_91 : i32 to index
      %parallel_loop3A_93 = arith.index_cast %parallel_loop3A_66 : i32 to index
      %parallel_loop3A_94 = tpu.vector_load %arg10[%parallel_loop3A_92, %parallel_loop3A_93] {strides = array<i32>} : memref<8x2048xi32, #tpu.memory_space<vmem>>, vector<16xi32>,
      %parallel_loop3A_95 = arith.addi %parallel_loop3A_90, %parallel_loop3A_94 : vector<16xi32>
      %parallel_loop3A_96 = arith.constant 6 : i32
      %parallel_loop3A_97 = arith.index_cast %parallel_loop3A_96 : i32 to index
      %parallel_loop3A_98 = arith.index_cast %parallel_loop3A_66 : i32 to index
      %parallel_loop3A_99 = tpu.vector_load %arg10[%parallel_loop3A_97, %parallel_loop3A_98] {strides = array<i32>} : memref<8x2048xi32, #tpu.memory_space<vmem>>, vector<16xi32>,
      %parallel_loop3A_100 = arith.addi %parallel_loop3A_95, %parallel_loop3A_99 : vector<16xi32>
      %parallel_loop3A_101 = arith.constant 7 : i32
      %parallel_loop3A_102 = arith.index_cast %parallel_loop3A_101 : i32 to index
      %parallel_loop3A_103 = arith.index_cast %parallel_loop3A_66 : i32 to index
      %parallel_loop3A_104 = tpu.vector_load %arg10[%parallel_loop3A_102, %parallel_loop3A_103] {strides = array<i32>} : memref<8x2048xi32, #tpu.memory_space<vmem>>, vector<16xi32>,
      %parallel_loop3A_105 = arith.addi %parallel_loop3A_100, %parallel_loop3A_104 : vector<16xi32>
      %parallel_loop3A_106 = arith.index_cast %parallel_loop3A_66 : i32 to index
      %parallel_loop3A_107 = tpu.vector_load %arg11[%parallel_loop3A_106] {strides = array<i32>} : memref<2048xi32, #tpu.memory_space<vmem>>, vector<16xi32>,
      %parallel_loop3A_108 = arith.addi %parallel_loop3A_107, %parallel_loop3A_105 : vector<16xi32>
      %parallel_loop3A_109 = arith.index_cast %parallel_loop3A_66 : i32 to index
      %parallel_loop3A_110 = tpu.vector_load %arg11[%parallel_loop3A_109] {strides = array<i32>} : memref<2048xi32, #tpu.memory_space<vmem>>, vector<16xi32>,
      tpu.vector_store %arg11[%parallel_loop3A_109], %parallel_loop3A_108 {strides = array<i32>} : memref<2048xi32, #tpu.memory_space<vmem>>, vector<16xi32>,
    } {sc.loop_unroll_factor = 4 : i64, sc.parallel_access}
    %mul3A_43 = arith.constant 2048 : i32
    %mul3A_44 = arith.muli %arg1, %mul3A_43 : i32
    %add3A_45 = arith.constant 0 : i32
    %add3A_46 = arith.addi %add3A_45, %mul3A_44 : i32
    "tpu.region"() ({
      %run_scoped3A = tpu.sem_alloc : memref<!tpu.dma_semaphore, #tpu.memory_space<semaphore_mem>>
      %dma_start3A_64 = tpu.memref_slice %arg3[%arg0, %add3A_46] : memref<2x65536xi32, #tpu.memory_space<hbm>> -> memref<1x2048xi32, #tpu.memory_space<hbm>>
      %dma_start3A_65 = tpu.memref_squeeze %dma_start3A_64 : memref<1x2048xi32, #tpu.memory_space<hbm>> -> memref<2048xi32, #tpu.memory_space<hbm>>
      %dma_start3A_66 = tpu.memref_slice %arg3[%arg0, %add3A_46] : memref<2x65536xi32, #tpu.memory_space<hbm>> -> memref<1x2048xi32, #tpu.memory_space<hbm>>
      %dma_start3A_67 = tpu.memref_squeeze %dma_start3A_66 : memref<1x2048xi32, #tpu.memory_space<hbm>> -> memref<2048xi32, #tpu.memory_space<hbm>>
      tpu.enqueue_dma source(%arg11 : memref<2048xi32, #tpu.memory_space<vmem>>) target(%dma_start3A_67 : memref<2048xi32, #tpu.memory_space<hbm>>) target_semaphore(%run_scoped3A : memref<!tpu.dma_semaphore, #tpu.memory_space<semaphore_mem>>)
      %dma_wait3A = tpu.memref_slice %arg3[%arg0, %add3A_46] : memref<2x65536xi32, #tpu.memory_space<hbm>> -> memref<1x2048xi32, #tpu.memory_space<hbm>>
      %dma_wait3A_68 = tpu.memref_squeeze %dma_wait3A : memref<1x2048xi32, #tpu.memory_space<hbm>> -> memref<2048xi32, #tpu.memory_space<hbm>>
      %dma_wait3A_69 = tpu.memref_slice %arg3[%arg0, %add3A_46] : memref<2x65536xi32, #tpu.memory_space<hbm>> -> memref<1x2048xi32, #tpu.memory_space<hbm>>
      %dma_wait3A_70 = tpu.memref_squeeze %dma_wait3A_69 : memref<1x2048xi32, #tpu.memory_space<hbm>> -> memref<2048xi32, #tpu.memory_space<hbm>>
      tpu.wait_dma2 semaphore(%run_scoped3A : memref<!tpu.dma_semaphore, #tpu.memory_space<semaphore_mem>>) src(%arg11 : memref<2048xi32, #tpu.memory_space<vmem>>) dst(%dma_wait3A_70 : memref<2048xi32, #tpu.memory_space<hbm>>)
      tpu.yield
    }) : () -> ()
    %barrier3A_47 = arith.constant 0 : index
    tpu.barrier barrier_id(%barrier3A_47)
    "tpu.region"() ({
      %run_scoped3A = tpu.sem_alloc : memref<!tpu.dma_semaphore, #tpu.memory_space<semaphore_mem>>
      %dma_start3A_64 = arith.constant 32768 : i32
      %dma_start3A_65 = tpu.memref_slice %arg7[%dma_start3A_64] : memref<65536xi32, #tpu.memory_space<vmem>> -> memref<32768xi32, #tpu.memory_space<vmem>>
      %dma_start3A_66 = arith.constant 0 : i32
      %dma_start3A_67 = tpu.memref_slice %arg9[%arg1, %dma_start3A_66] : memref<16x32768xi32, #tpu.memory_space<vmem_shared>> -> memref<1x32768xi32, #tpu.memory_space<vmem_shared>>
      %dma_start3A_68 = tpu.memref_squeeze %dma_start3A_67 : memref<1x32768xi32, #tpu.memory_space<vmem_shared>> -> memref<32768xi32, #tpu.memory_space<vmem_shared>>
      %dma_start3A_69 = arith.constant 0 : i32
      %dma_start3A_70 = tpu.memref_slice %arg9[%arg1, %dma_start3A_69] : memref<16x32768xi32, #tpu.memory_space<vmem_shared>> -> memref<1x32768xi32, #tpu.memory_space<vmem_shared>>
      %dma_start3A_71 = tpu.memref_squeeze %dma_start3A_70 : memref<1x32768xi32, #tpu.memory_space<vmem_shared>> -> memref<32768xi32, #tpu.memory_space<vmem_shared>>
      %dma_start3A_72 = arith.constant 32768 : i32
      %dma_start3A_73 = tpu.memref_slice %arg7[%dma_start3A_72] : memref<65536xi32, #tpu.memory_space<vmem>> -> memref<32768xi32, #tpu.memory_space<vmem>>
      tpu.enqueue_dma source(%dma_start3A_73 : memref<32768xi32, #tpu.memory_space<vmem>>) target(%dma_start3A_71 : memref<32768xi32, #tpu.memory_space<vmem_shared>>) target_semaphore(%run_scoped3A : memref<!tpu.dma_semaphore, #tpu.memory_space<semaphore_mem>>)
      %dma_wait3A = arith.constant 32768 : i32
      %dma_wait3A_74 = tpu.memref_slice %arg7[%dma_wait3A] : memref<65536xi32, #tpu.memory_space<vmem>> -> memref<32768xi32, #tpu.memory_space<vmem>>
      %dma_wait3A_75 = arith.constant 0 : i32
      %dma_wait3A_76 = tpu.memref_slice %arg9[%arg1, %dma_wait3A_75] : memref<16x32768xi32, #tpu.memory_space<vmem_shared>> -> memref<1x32768xi32, #tpu.memory_space<vmem_shared>>
      %dma_wait3A_77 = tpu.memref_squeeze %dma_wait3A_76 : memref<1x32768xi32, #tpu.memory_space<vmem_shared>> -> memref<32768xi32, #tpu.memory_space<vmem_shared>>
      %dma_wait3A_78 = arith.constant 0 : i32
      %dma_wait3A_79 = tpu.memref_slice %arg9[%arg1, %dma_wait3A_78] : memref<16x32768xi32, #tpu.memory_space<vmem_shared>> -> memref<1x32768xi32, #tpu.memory_space<vmem_shared>>
      %dma_wait3A_80 = tpu.memref_squeeze %dma_wait3A_79 : memref<1x32768xi32, #tpu.memory_space<vmem_shared>> -> memref<32768xi32, #tpu.memory_space<vmem_shared>>
      %dma_wait3A_81 = arith.constant 32768 : i32
      %dma_wait3A_82 = tpu.memref_slice %arg7[%dma_wait3A_81] : memref<65536xi32, #tpu.memory_space<vmem>> -> memref<32768xi32, #tpu.memory_space<vmem>>
      tpu.wait_dma2 semaphore(%run_scoped3A : memref<!tpu.dma_semaphore, #tpu.memory_space<semaphore_mem>>) src(%dma_wait3A_82 : memref<32768xi32, #tpu.memory_space<vmem>>) dst(%dma_wait3A_80 : memref<32768xi32, #tpu.memory_space<vmem_shared>>)
      tpu.yield
    }) : () -> ()
    %barrier3A_48 = arith.constant 0 : index
    tpu.barrier barrier_id(%barrier3A_48)
    %mul3A_49 = arith.constant 2048 : i32
    %mul3A_50 = arith.muli %arg1, %mul3A_49 : i32
    "tpu.region"() ({
      %run_scoped3A = tpu.sem_alloc : memref<!tpu.dma_semaphore, #tpu.memory_space<semaphore_mem>>
      %dma_start3A_64 = arith.constant 0 : i32
      %dma_start3A_65 = tpu.memref_slice %arg9[%dma_start3A_64, %mul3A_50] : memref<16x32768xi32, #tpu.memory_space<vmem_shared>> -> memref<8x2048xi32, #tpu.memory_space<vmem_shared>>
      %dma_start3A_66 = arith.constant 0 : i32
      %dma_start3A_67 = tpu.memref_slice %arg9[%dma_start3A_66, %mul3A_50] : memref<16x32768xi32, #tpu.memory_space<vmem_shared>> -> memref<8x2048xi32, #tpu.memory_space<vmem_shared>>
      tpu.enqueue_dma source(%dma_start3A_67 : memref<8x2048xi32, #tpu.memory_space<vmem_shared>>) target(%arg10 : memref<8x2048xi32, #tpu.memory_space<vmem>>) target_semaphore(%run_scoped3A : memref<!tpu.dma_semaphore, #tpu.memory_space<semaphore_mem>>)
      %dma_wait3A = arith.constant 0 : i32
      %dma_wait3A_68 = tpu.memref_slice %arg9[%dma_wait3A, %mul3A_50] : memref<16x32768xi32, #tpu.memory_space<vmem_shared>> -> memref<8x2048xi32, #tpu.memory_space<vmem_shared>>
      %dma_wait3A_69 = arith.constant 0 : i32
      %dma_wait3A_70 = tpu.memref_slice %arg9[%dma_wait3A_69, %mul3A_50] : memref<16x32768xi32, #tpu.memory_space<vmem_shared>> -> memref<8x2048xi32, #tpu.memory_space<vmem_shared>>
      tpu.wait_dma2 semaphore(%run_scoped3A : memref<!tpu.dma_semaphore, #tpu.memory_space<semaphore_mem>>) src(%dma_wait3A_70 : memref<8x2048xi32, #tpu.memory_space<vmem_shared>>) dst(%arg10 : memref<8x2048xi32, #tpu.memory_space<vmem>>)
      tpu.yield
    }) : () -> ()
    %parallel_loop3A_51 = arith.constant 0 : i32
    %parallel_loop3A_52 = arith.constant 128 : i32
    %parallel_loop3A_53 = arith.constant 1 : i32
    scf.for %parallel_loop3A_64 = %parallel_loop3A_51 to %parallel_loop3A_52 step %parallel_loop3A_53  : i32 {
      %parallel_loop3A_65 = arith.constant 16 : i32
      %parallel_loop3A_66 = arith.muli %parallel_loop3A_64, %parallel_loop3A_65 : i32
      %parallel_loop3A_67 = arith.constant 0 : i32
      %parallel_loop3A_68 = arith.index_cast %parallel_loop3A_67 : i32 to index
      %parallel_loop3A_69 = arith.index_cast %parallel_loop3A_66 : i32 to index
      %parallel_loop3A_70 = tpu.vector_load %arg10[%parallel_loop3A_68, %parallel_loop3A_69] {strides = array<i32>} : memref<8x2048xi32, #tpu.memory_space<vmem>>, vector<16xi32>,
      %parallel_loop3A_71 = arith.constant 1 : i32
      %parallel_loop3A_72 = arith.index_cast %parallel_loop3A_71 : i32 to index
      %parallel_loop3A_73 = arith.index_cast %parallel_loop3A_66 : i32 to index
      %parallel_loop3A_74 = tpu.vector_load %arg10[%parallel_loop3A_72, %parallel_loop3A_73] {strides = array<i32>} : memref<8x2048xi32, #tpu.memory_space<vmem>>, vector<16xi32>,
      %parallel_loop3A_75 = arith.addi %parallel_loop3A_70, %parallel_loop3A_74 : vector<16xi32>
      %parallel_loop3A_76 = arith.constant 2 : i32
      %parallel_loop3A_77 = arith.index_cast %parallel_loop3A_76 : i32 to index
      %parallel_loop3A_78 = arith.index_cast %parallel_loop3A_66 : i32 to index
      %parallel_loop3A_79 = tpu.vector_load %arg10[%parallel_loop3A_77, %parallel_loop3A_78] {strides = array<i32>} : memref<8x2048xi32, #tpu.memory_space<vmem>>, vector<16xi32>,
      %parallel_loop3A_80 = arith.addi %parallel_loop3A_75, %parallel_loop3A_79 : vector<16xi32>
      %parallel_loop3A_81 = arith.constant 3 : i32
      %parallel_loop3A_82 = arith.index_cast %parallel_loop3A_81 : i32 to index
      %parallel_loop3A_83 = arith.index_cast %parallel_loop3A_66 : i32 to index
      %parallel_loop3A_84 = tpu.vector_load %arg10[%parallel_loop3A_82, %parallel_loop3A_83] {strides = array<i32>} : memref<8x2048xi32, #tpu.memory_space<vmem>>, vector<16xi32>,
      %parallel_loop3A_85 = arith.addi %parallel_loop3A_80, %parallel_loop3A_84 : vector<16xi32>
      %parallel_loop3A_86 = arith.constant 4 : i32
      %parallel_loop3A_87 = arith.index_cast %parallel_loop3A_86 : i32 to index
      %parallel_loop3A_88 = arith.index_cast %parallel_loop3A_66 : i32 to index
      %parallel_loop3A_89 = tpu.vector_load %arg10[%parallel_loop3A_87, %parallel_loop3A_88] {strides = array<i32>} : memref<8x2048xi32, #tpu.memory_space<vmem>>, vector<16xi32>,
      %parallel_loop3A_90 = arith.addi %parallel_loop3A_85, %parallel_loop3A_89 : vector<16xi32>
      %parallel_loop3A_91 = arith.constant 5 : i32
      %parallel_loop3A_92 = arith.index_cast %parallel_loop3A_91 : i32 to index
      %parallel_loop3A_93 = arith.index_cast %parallel_loop3A_66 : i32 to index
      %parallel_loop3A_94 = tpu.vector_load %arg10[%parallel_loop3A_92, %parallel_loop3A_93] {strides = array<i32>} : memref<8x2048xi32, #tpu.memory_space<vmem>>, vector<16xi32>,
      %parallel_loop3A_95 = arith.addi %parallel_loop3A_90, %parallel_loop3A_94 : vector<16xi32>
      %parallel_loop3A_96 = arith.constant 6 : i32
      %parallel_loop3A_97 = arith.index_cast %parallel_loop3A_96 : i32 to index
      %parallel_loop3A_98 = arith.index_cast %parallel_loop3A_66 : i32 to index
      %parallel_loop3A_99 = tpu.vector_load %arg10[%parallel_loop3A_97, %parallel_loop3A_98] {strides = array<i32>} : memref<8x2048xi32, #tpu.memory_space<vmem>>, vector<16xi32>,
      %parallel_loop3A_100 = arith.addi %parallel_loop3A_95, %parallel_loop3A_99 : vector<16xi32>
      %parallel_loop3A_101 = arith.constant 7 : i32
      %parallel_loop3A_102 = arith.index_cast %parallel_loop3A_101 : i32 to index
      %parallel_loop3A_103 = arith.index_cast %parallel_loop3A_66 : i32 to index
      %parallel_loop3A_104 = tpu.vector_load %arg10[%parallel_loop3A_102, %parallel_loop3A_103] {strides = array<i32>} : memref<8x2048xi32, #tpu.memory_space<vmem>>, vector<16xi32>,
      %parallel_loop3A_105 = arith.addi %parallel_loop3A_100, %parallel_loop3A_104 : vector<16xi32>
      %parallel_loop3A_106 = arith.index_cast %parallel_loop3A_66 : i32 to index
      %parallel_loop3A_107 = tpu.vector_load %arg11[%parallel_loop3A_106] {strides = array<i32>} : memref<2048xi32, #tpu.memory_space<vmem>>, vector<16xi32>,
      tpu.vector_store %arg11[%parallel_loop3A_106], %parallel_loop3A_105 {strides = array<i32>} : memref<2048xi32, #tpu.memory_space<vmem>>, vector<16xi32>,
    } {sc.loop_unroll_factor = 4 : i64, sc.parallel_access}
    %mul3A_54 = arith.constant 2048 : i32
    %mul3A_55 = arith.muli %arg1, %mul3A_54 : i32
    "tpu.region"() ({
      %run_scoped3A = tpu.sem_alloc : memref<!tpu.dma_semaphore, #tpu.memory_space<semaphore_mem>>
      %dma_start3A_64 = arith.constant 8 : i32
      %dma_start3A_65 = tpu.memref_slice %arg9[%dma_start3A_64, %mul3A_55] : memref<16x32768xi32, #tpu.memory_space<vmem_shared>> -> memref<8x2048xi32, #tpu.memory_space<vmem_shared>>
      %dma_start3A_66 = arith.constant 8 : i32
      %dma_start3A_67 = tpu.memref_slice %arg9[%dma_start3A_66, %mul3A_55] : memref<16x32768xi32, #tpu.memory_space<vmem_shared>> -> memref<8x2048xi32, #tpu.memory_space<vmem_shared>>
      tpu.enqueue_dma source(%dma_start3A_67 : memref<8x2048xi32, #tpu.memory_space<vmem_shared>>) target(%arg10 : memref<8x2048xi32, #tpu.memory_space<vmem>>) target_semaphore(%run_scoped3A : memref<!tpu.dma_semaphore, #tpu.memory_space<semaphore_mem>>)
      %dma_wait3A = arith.constant 8 : i32
      %dma_wait3A_68 = tpu.memref_slice %arg9[%dma_wait3A, %mul3A_55] : memref<16x32768xi32, #tpu.memory_space<vmem_shared>> -> memref<8x2048xi32, #tpu.memory_space<vmem_shared>>
      %dma_wait3A_69 = arith.constant 8 : i32
      %dma_wait3A_70 = tpu.memref_slice %arg9[%dma_wait3A_69, %mul3A_55] : memref<16x32768xi32, #tpu.memory_space<vmem_shared>> -> memref<8x2048xi32, #tpu.memory_space<vmem_shared>>
      tpu.wait_dma2 semaphore(%run_scoped3A : memref<!tpu.dma_semaphore, #tpu.memory_space<semaphore_mem>>) src(%dma_wait3A_70 : memref<8x2048xi32, #tpu.memory_space<vmem_shared>>) dst(%arg10 : memref<8x2048xi32, #tpu.memory_space<vmem>>)
      tpu.yield
    }) : () -> ()
    %parallel_loop3A_56 = arith.constant 0 : i32
    %parallel_loop3A_57 = arith.constant 128 : i32
    %parallel_loop3A_58 = arith.constant 1 : i32
    scf.for %parallel_loop3A_64 = %parallel_loop3A_56 to %parallel_loop3A_57 step %parallel_loop3A_58  : i32 {
      %parallel_loop3A_65 = arith.constant 16 : i32
      %parallel_loop3A_66 = arith.muli %parallel_loop3A_64, %parallel_loop3A_65 : i32
      %parallel_loop3A_67 = arith.constant 0 : i32
      %parallel_loop3A_68 = arith.index_cast %parallel_loop3A_67 : i32 to index
      %parallel_loop3A_69 = arith.index_cast %parallel_loop3A_66 : i32 to index
      %parallel_loop3A_70 = tpu.vector_load %arg10[%parallel_loop3A_68, %parallel_loop3A_69] {strides = array<i32>} : memref<8x2048xi32, #tpu.memory_space<vmem>>, vector<16xi32>,
      %parallel_loop3A_71 = arith.constant 1 : i32
      %parallel_loop3A_72 = arith.index_cast %parallel_loop3A_71 : i32 to index
      %parallel_loop3A_73 = arith.index_cast %parallel_loop3A_66 : i32 to index
      %parallel_loop3A_74 = tpu.vector_load %arg10[%parallel_loop3A_72, %parallel_loop3A_73] {strides = array<i32>} : memref<8x2048xi32, #tpu.memory_space<vmem>>, vector<16xi32>,
      %parallel_loop3A_75 = arith.addi %parallel_loop3A_70, %parallel_loop3A_74 : vector<16xi32>
      %parallel_loop3A_76 = arith.constant 2 : i32
      %parallel_loop3A_77 = arith.index_cast %parallel_loop3A_76 : i32 to index
      %parallel_loop3A_78 = arith.index_cast %parallel_loop3A_66 : i32 to index
      %parallel_loop3A_79 = tpu.vector_load %arg10[%parallel_loop3A_77, %parallel_loop3A_78] {strides = array<i32>} : memref<8x2048xi32, #tpu.memory_space<vmem>>, vector<16xi32>,
      %parallel_loop3A_80 = arith.addi %parallel_loop3A_75, %parallel_loop3A_79 : vector<16xi32>
      %parallel_loop3A_81 = arith.constant 3 : i32
      %parallel_loop3A_82 = arith.index_cast %parallel_loop3A_81 : i32 to index
      %parallel_loop3A_83 = arith.index_cast %parallel_loop3A_66 : i32 to index
      %parallel_loop3A_84 = tpu.vector_load %arg10[%parallel_loop3A_82, %parallel_loop3A_83] {strides = array<i32>} : memref<8x2048xi32, #tpu.memory_space<vmem>>, vector<16xi32>,
      %parallel_loop3A_85 = arith.addi %parallel_loop3A_80, %parallel_loop3A_84 : vector<16xi32>
      %parallel_loop3A_86 = arith.constant 4 : i32
      %parallel_loop3A_87 = arith.index_cast %parallel_loop3A_86 : i32 to index
      %parallel_loop3A_88 = arith.index_cast %parallel_loop3A_66 : i32 to index
      %parallel_loop3A_89 = tpu.vector_load %arg10[%parallel_loop3A_87, %parallel_loop3A_88] {strides = array<i32>} : memref<8x2048xi32, #tpu.memory_space<vmem>>, vector<16xi32>,
      %parallel_loop3A_90 = arith.addi %parallel_loop3A_85, %parallel_loop3A_89 : vector<16xi32>
      %parallel_loop3A_91 = arith.constant 5 : i32
      %parallel_loop3A_92 = arith.index_cast %parallel_loop3A_91 : i32 to index
      %parallel_loop3A_93 = arith.index_cast %parallel_loop3A_66 : i32 to index
      %parallel_loop3A_94 = tpu.vector_load %arg10[%parallel_loop3A_92, %parallel_loop3A_93] {strides = array<i32>} : memref<8x2048xi32, #tpu.memory_space<vmem>>, vector<16xi32>,
      %parallel_loop3A_95 = arith.addi %parallel_loop3A_90, %parallel_loop3A_94 : vector<16xi32>
      %parallel_loop3A_96 = arith.constant 6 : i32
      %parallel_loop3A_97 = arith.index_cast %parallel_loop3A_96 : i32 to index
      %parallel_loop3A_98 = arith.index_cast %parallel_loop3A_66 : i32 to index
      %parallel_loop3A_99 = tpu.vector_load %arg10[%parallel_loop3A_97, %parallel_loop3A_98] {strides = array<i32>} : memref<8x2048xi32, #tpu.memory_space<vmem>>, vector<16xi32>,
      %parallel_loop3A_100 = arith.addi %parallel_loop3A_95, %parallel_loop3A_99 : vector<16xi32>
      %parallel_loop3A_101 = arith.constant 7 : i32
      %parallel_loop3A_102 = arith.index_cast %parallel_loop3A_101 : i32 to index
      %parallel_loop3A_103 = arith.index_cast %parallel_loop3A_66 : i32 to index
      %parallel_loop3A_104 = tpu.vector_load %arg10[%parallel_loop3A_102, %parallel_loop3A_103] {strides = array<i32>} : memref<8x2048xi32, #tpu.memory_space<vmem>>, vector<16xi32>,
      %parallel_loop3A_105 = arith.addi %parallel_loop3A_100, %parallel_loop3A_104 : vector<16xi32>
      %parallel_loop3A_106 = arith.index_cast %parallel_loop3A_66 : i32 to index
      %parallel_loop3A_107 = tpu.vector_load %arg11[%parallel_loop3A_106] {strides = array<i32>} : memref<2048xi32, #tpu.memory_space<vmem>>, vector<16xi32>,
      %parallel_loop3A_108 = arith.addi %parallel_loop3A_107, %parallel_loop3A_105 : vector<16xi32>
      %parallel_loop3A_109 = arith.index_cast %parallel_loop3A_66 : i32 to index
      %parallel_loop3A_110 = tpu.vector_load %arg11[%parallel_loop3A_109] {strides = array<i32>} : memref<2048xi32, #tpu.memory_space<vmem>>, vector<16xi32>,
      tpu.vector_store %arg11[%parallel_loop3A_109], %parallel_loop3A_108 {strides = array<i32>} : memref<2048xi32, #tpu.memory_space<vmem>>, vector<16xi32>,
    } {sc.loop_unroll_factor = 4 : i64, sc.parallel_access}
    %mul3A_59 = arith.constant 2048 : i32
    %mul3A_60 = arith.muli %arg1, %mul3A_59 : i32
    %add3A_61 = arith.constant 32768 : i32
    %add3A_62 = arith.addi %add3A_61, %mul3A_60 : i32
    "tpu.region"() ({
      %run_scoped3A = tpu.sem_alloc : memref<!tpu.dma_semaphore, #tpu.memory_space<semaphore_mem>>
      %dma_start3A_64 = tpu.memref_slice %arg3[%arg0, %add3A_62] : memref<2x65536xi32, #tpu.memory_space<hbm>> -> memref<1x2048xi32, #tpu.memory_space<hbm>>
      %dma_start3A_65 = tpu.memref_squeeze %dma_start3A_64 : memref<1x2048xi32, #tpu.memory_space<hbm>> -> memref<2048xi32, #tpu.memory_space<hbm>>
      %dma_start3A_66 = tpu.memref_slice %arg3[%arg0, %add3A_62] : memref<2x65536xi32, #tpu.memory_space<hbm>> -> memref<1x2048xi32, #tpu.memory_space<hbm>>
      %dma_start3A_67 = tpu.memref_squeeze %dma_start3A_66 : memref<1x2048xi32, #tpu.memory_space<hbm>> -> memref<2048xi32, #tpu.memory_space<hbm>>
      tpu.enqueue_dma source(%arg11 : memref<2048xi32, #tpu.memory_space<vmem>>) target(%dma_start3A_67 : memref<2048xi32, #tpu.memory_space<hbm>>) target_semaphore(%run_scoped3A : memref<!tpu.dma_semaphore, #tpu.memory_space<semaphore_mem>>)
      %dma_wait3A = tpu.memref_slice %arg3[%arg0, %add3A_62] : memref<2x65536xi32, #tpu.memory_space<hbm>> -> memref<1x2048xi32, #tpu.memory_space<hbm>>
      %dma_wait3A_68 = tpu.memref_squeeze %dma_wait3A : memref<1x2048xi32, #tpu.memory_space<hbm>> -> memref<2048xi32, #tpu.memory_space<hbm>>
      %dma_wait3A_69 = tpu.memref_slice %arg3[%arg0, %add3A_62] : memref<2x65536xi32, #tpu.memory_space<hbm>> -> memref<1x2048xi32, #tpu.memory_space<hbm>>
      %dma_wait3A_70 = tpu.memref_squeeze %dma_wait3A_69 : memref<1x2048xi32, #tpu.memory_space<hbm>> -> memref<2048xi32, #tpu.memory_space<hbm>>
      tpu.wait_dma2 semaphore(%run_scoped3A : memref<!tpu.dma_semaphore, #tpu.memory_space<semaphore_mem>>) src(%arg11 : memref<2048xi32, #tpu.memory_space<vmem>>) dst(%dma_wait3A_70 : memref<2048xi32, #tpu.memory_space<hbm>>)
      tpu.yield
    }) : () -> ()
    %barrier3A_63 = arith.constant 0 : index
    tpu.barrier barrier_id(%barrier3A_63)
    return
  }
}

#map = affine_map<(d0, d1) -> (0, 0)>
#map1 = affine_map<(d0, d1) -> (0)>
module attributes {stable_mosaic.version = 14 : i64} {
  func.func @_sc2_body(%arg0: i32, %arg1: i32, %arg2: memref<128x32768xf32, #tpu.memory_space<hbm>>, %arg3: memref<16xi32, #tpu.memory_space<hbm>>, %arg4: memref<2x65536xi32, #tpu.memory_space<hbm>>, %arg5: memref<32x16xi32, #tpu.memory_space<hbm>>, %arg6: memref<4096xf32, #tpu.memory_space<vmem>>, %arg7: memref<4096xf32, #tpu.memory_space<vmem>>, %arg8: memref<65536xi32, #tpu.memory_space<vmem>>, %arg9: memref<16xi32, #tpu.memory_space<vmem>>, %arg10: memref<16xi32, #tpu.memory_space<vmem>>, %arg11: memref<16x32768xi32, #tpu.memory_space<vmem_shared>>, %arg12: memref<8x2048xi32, #tpu.memory_space<vmem>>, %arg13: memref<2048xi32, #tpu.memory_space<vmem>>, %arg14: memref<!tpu.dma_semaphore, #tpu.memory_space<semaphore_mem>>, %arg15: memref<!tpu.dma_semaphore, #tpu.memory_space<semaphore_mem>>) attributes {dimension_semantics = [#tpu.dimension_semantics<core_parallel>, #tpu.dimension_semantics<subcore_parallel>], iteration_bounds = array<i64: 2, 16>, scalar_prefetch = 0 : i64, scratch_operands = 10 : i64, tpu.core_type = #tpu.core_type<sc_vector_subcore>, window_params = [{transform_indices = #map}, {transform_indices = #map1}, {transform_indices = #map}, {transform_indices = #map}]} {
    %mul3A = arith.constant 2 : i32
    %mul3A_0 = arith.muli %arg1, %mul3A : i32
    %add3A = arith.addi %mul3A_0, %arg0 : i32
    %mul3A_1 = arith.constant 4 : i32
    %mul3A_2 = arith.muli %add3A, %mul3A_1 : i32
    %scan3A = arith.constant 0 : i32
    %scan3A_3 = arith.constant 0 : i32
    %scan3A_4 = arith.constant 4096 : i32
    %scan3A_5 = arith.addi %scan3A_3, %scan3A_4 : i32
    %scan3A_6 = arith.constant 8 : i32
    scf.for %scan3A_64 = %scan3A_3 to %scan3A_5 step %scan3A_6  : i32 {
      %broadcast_in_dim3A_65 = arith.constant 0 : i32
      %broadcast_in_dim3A_66 = vector.broadcast %broadcast_in_dim3A_65 : i32 to vector<16xi32>
      %mul3A_67 = arith.constant 16 : i32
      %mul3A_68 = arith.muli %scan3A_64, %mul3A_67 : i32
      %swap3A_69 = arith.index_cast %mul3A_68 : i32 to index
      %swap3A_70 = tpu.vector_load %arg8[%swap3A_69] {strides = array<i32>} : memref<65536xi32, #tpu.memory_space<vmem>>, vector<16xi32>,
      tpu.vector_store %arg8[%swap3A_69], %broadcast_in_dim3A_66 {strides = array<i32>} : memref<65536xi32, #tpu.memory_space<vmem>>, vector<16xi32>,
      %scan3A_71 = arith.constant 1 : i32
      %scan3A_72 = arith.addi %scan3A_64, %scan3A_71 : i32
      %broadcast_in_dim3A_73 = arith.constant 0 : i32
      %broadcast_in_dim3A_74 = vector.broadcast %broadcast_in_dim3A_73 : i32 to vector<16xi32>
      %mul3A_75 = arith.constant 16 : i32
      %mul3A_76 = arith.muli %scan3A_72, %mul3A_75 : i32
      %swap3A_77 = arith.index_cast %mul3A_76 : i32 to index
      %swap3A_78 = tpu.vector_load %arg8[%swap3A_77] {strides = array<i32>} : memref<65536xi32, #tpu.memory_space<vmem>>, vector<16xi32>,
      tpu.vector_store %arg8[%swap3A_77], %broadcast_in_dim3A_74 {strides = array<i32>} : memref<65536xi32, #tpu.memory_space<vmem>>, vector<16xi32>,
      %scan3A_79 = arith.constant 2 : i32
      %scan3A_80 = arith.addi %scan3A_64, %scan3A_79 : i32
      %broadcast_in_dim3A_81 = arith.constant 0 : i32
      %broadcast_in_dim3A_82 = vector.broadcast %broadcast_in_dim3A_81 : i32 to vector<16xi32>
      %mul3A_83 = arith.constant 16 : i32
      %mul3A_84 = arith.muli %scan3A_80, %mul3A_83 : i32
      %swap3A_85 = arith.index_cast %mul3A_84 : i32 to index
      %swap3A_86 = tpu.vector_load %arg8[%swap3A_85] {strides = array<i32>} : memref<65536xi32, #tpu.memory_space<vmem>>, vector<16xi32>,
      tpu.vector_store %arg8[%swap3A_85], %broadcast_in_dim3A_82 {strides = array<i32>} : memref<65536xi32, #tpu.memory_space<vmem>>, vector<16xi32>,
      %scan3A_87 = arith.constant 3 : i32
      %scan3A_88 = arith.addi %scan3A_64, %scan3A_87 : i32
      %broadcast_in_dim3A_89 = arith.constant 0 : i32
      %broadcast_in_dim3A_90 = vector.broadcast %broadcast_in_dim3A_89 : i32 to vector<16xi32>
      %mul3A_91 = arith.constant 16 : i32
      %mul3A_92 = arith.muli %scan3A_88, %mul3A_91 : i32
      %swap3A_93 = arith.index_cast %mul3A_92 : i32 to index
      %swap3A_94 = tpu.vector_load %arg8[%swap3A_93] {strides = array<i32>} : memref<65536xi32, #tpu.memory_space<vmem>>, vector<16xi32>,
      tpu.vector_store %arg8[%swap3A_93], %broadcast_in_dim3A_90 {strides = array<i32>} : memref<65536xi32, #tpu.memory_space<vmem>>, vector<16xi32>,
      %scan3A_95 = arith.constant 4 : i32
      %scan3A_96 = arith.addi %scan3A_64, %scan3A_95 : i32
      %broadcast_in_dim3A_97 = arith.constant 0 : i32
      %broadcast_in_dim3A_98 = vector.broadcast %broadcast_in_dim3A_97 : i32 to vector<16xi32>
      %mul3A_99 = arith.constant 16 : i32
      %mul3A_100 = arith.muli %scan3A_96, %mul3A_99 : i32
      %swap3A_101 = arith.index_cast %mul3A_100 : i32 to index
      %swap3A_102 = tpu.vector_load %arg8[%swap3A_101] {strides = array<i32>} : memref<65536xi32, #tpu.memory_space<vmem>>, vector<16xi32>,
      tpu.vector_store %arg8[%swap3A_101], %broadcast_in_dim3A_98 {strides = array<i32>} : memref<65536xi32, #tpu.memory_space<vmem>>, vector<16xi32>,
      %scan3A_103 = arith.constant 5 : i32
      %scan3A_104 = arith.addi %scan3A_64, %scan3A_103 : i32
      %broadcast_in_dim3A_105 = arith.constant 0 : i32
      %broadcast_in_dim3A_106 = vector.broadcast %broadcast_in_dim3A_105 : i32 to vector<16xi32>
      %mul3A_107 = arith.constant 16 : i32
      %mul3A_108 = arith.muli %scan3A_104, %mul3A_107 : i32
      %swap3A_109 = arith.index_cast %mul3A_108 : i32 to index
      %swap3A_110 = tpu.vector_load %arg8[%swap3A_109] {strides = array<i32>} : memref<65536xi32, #tpu.memory_space<vmem>>, vector<16xi32>,
      tpu.vector_store %arg8[%swap3A_109], %broadcast_in_dim3A_106 {strides = array<i32>} : memref<65536xi32, #tpu.memory_space<vmem>>, vector<16xi32>,
      %scan3A_111 = arith.constant 6 : i32
      %scan3A_112 = arith.addi %scan3A_64, %scan3A_111 : i32
      %broadcast_in_dim3A_113 = arith.constant 0 : i32
      %broadcast_in_dim3A_114 = vector.broadcast %broadcast_in_dim3A_113 : i32 to vector<16xi32>
      %mul3A_115 = arith.constant 16 : i32
      %mul3A_116 = arith.muli %scan3A_112, %mul3A_115 : i32
      %swap3A_117 = arith.index_cast %mul3A_116 : i32 to index
      %swap3A_118 = tpu.vector_load %arg8[%swap3A_117] {strides = array<i32>} : memref<65536xi32, #tpu.memory_space<vmem>>, vector<16xi32>,
      tpu.vector_store %arg8[%swap3A_117], %broadcast_in_dim3A_114 {strides = array<i32>} : memref<65536xi32, #tpu.memory_space<vmem>>, vector<16xi32>,
      %scan3A_119 = arith.constant 7 : i32
      %scan3A_120 = arith.addi %scan3A_64, %scan3A_119 : i32
      %broadcast_in_dim3A_121 = arith.constant 0 : i32
      %broadcast_in_dim3A_122 = vector.broadcast %broadcast_in_dim3A_121 : i32 to vector<16xi32>
      %mul3A_123 = arith.constant 16 : i32
      %mul3A_124 = arith.muli %scan3A_120, %mul3A_123 : i32
      %swap3A_125 = arith.index_cast %mul3A_124 : i32 to index
      %swap3A_126 = tpu.vector_load %arg8[%swap3A_125] {strides = array<i32>} : memref<65536xi32, #tpu.memory_space<vmem>>, vector<16xi32>,
      tpu.vector_store %arg8[%swap3A_125], %broadcast_in_dim3A_122 {strides = array<i32>} : memref<65536xi32, #tpu.memory_space<vmem>>, vector<16xi32>,
    }
    %scan3A_7 = arith.constant 4096 : i32
    "tpu.region"() ({
      %run_scoped3A = tpu.sem_alloc : memref<!tpu.dma_semaphore, #tpu.memory_space<semaphore_mem>>
      tpu.enqueue_dma source(%arg3 : memref<16xi32, #tpu.memory_space<hbm>>) target(%arg9 : memref<16xi32, #tpu.memory_space<vmem>>) target_semaphore(%run_scoped3A : memref<!tpu.dma_semaphore, #tpu.memory_space<semaphore_mem>>)
      tpu.wait_dma2 semaphore(%run_scoped3A : memref<!tpu.dma_semaphore, #tpu.memory_space<semaphore_mem>>) src(%arg3 : memref<16xi32, #tpu.memory_space<hbm>>) dst(%arg9 : memref<16xi32, #tpu.memory_space<vmem>>)
      tpu.yield
    }) : () -> ()
    %get3A = arith.constant 0 : index
    %get3A_8 = tpu.vector_load %arg9[%get3A] {strides = array<i32>} : memref<16xi32, #tpu.memory_space<vmem>>, vector<16xi32>,
    %add3A_9 = arith.constant 0 : i32
    %add3A_10 = arith.addi %mul3A_2, %add3A_9 : i32
    %dma_start3A = arith.constant 0 : i32
    %dma_start3A_11 = tpu.memref_slice %arg2[%add3A_10, %dma_start3A] : memref<128x32768xf32, #tpu.memory_space<hbm>> -> memref<1x4096xf32, #tpu.memory_space<hbm>>
    %dma_start3A_12 = tpu.memref_squeeze %dma_start3A_11 : memref<1x4096xf32, #tpu.memory_space<hbm>> -> memref<4096xf32, #tpu.memory_space<hbm>>
    %dma_start3A_13 = arith.constant 0 : i32
    %dma_start3A_14 = tpu.memref_slice %arg2[%add3A_10, %dma_start3A_13] : memref<128x32768xf32, #tpu.memory_space<hbm>> -> memref<1x4096xf32, #tpu.memory_space<hbm>>
    %dma_start3A_15 = tpu.memref_squeeze %dma_start3A_14 : memref<1x4096xf32, #tpu.memory_space<hbm>> -> memref<4096xf32, #tpu.memory_space<hbm>>
    tpu.enqueue_dma source(%dma_start3A_15 : memref<4096xf32, #tpu.memory_space<hbm>>) target(%arg6 : memref<4096xf32, #tpu.memory_space<vmem>>) target_semaphore(%arg14 : memref<!tpu.dma_semaphore, #tpu.memory_space<semaphore_mem>>)
    %add3A_16 = arith.constant 0 : i32
    %add3A_17 = arith.addi %mul3A_2, %add3A_16 : i32
    %dma_start3A_18 = arith.constant 4096 : i32
    %dma_start3A_19 = tpu.memref_slice %arg2[%add3A_17, %dma_start3A_18] : memref<128x32768xf32, #tpu.memory_space<hbm>> -> memref<1x4096xf32, #tpu.memory_space<hbm>>
    %dma_start3A_20 = tpu.memref_squeeze %dma_start3A_19 : memref<1x4096xf32, #tpu.memory_space<hbm>> -> memref<4096xf32, #tpu.memory_space<hbm>>
    %dma_start3A_21 = arith.constant 4096 : i32
    %dma_start3A_22 = tpu.memref_slice %arg2[%add3A_17, %dma_start3A_21] : memref<128x32768xf32, #tpu.memory_space<hbm>> -> memref<1x4096xf32, #tpu.memory_space<hbm>>
    %dma_start3A_23 = tpu.memref_squeeze %dma_start3A_22 : memref<1x4096xf32, #tpu.memory_space<hbm>> -> memref<4096xf32, #tpu.memory_space<hbm>>
    tpu.enqueue_dma source(%dma_start3A_23 : memref<4096xf32, #tpu.memory_space<hbm>>) target(%arg7 : memref<4096xf32, #tpu.memory_space<vmem>>) target_semaphore(%arg15 : memref<!tpu.dma_semaphore, #tpu.memory_space<semaphore_mem>>)
    %broadcast_in_dim3A = arith.constant 1 : i32
    %broadcast_in_dim3A_24 = vector.broadcast %broadcast_in_dim3A : i32 to vector<16xi32>
    %broadcast_in_dim3A_25 = arith.constant 2147483647 : i32
    %broadcast_in_dim3A_26 = vector.broadcast %broadcast_in_dim3A_25 : i32 to vector<16xi32>
    %scan3A_27 = arith.constant 0 : i32
    %scan3A_28 = arith.constant 16 : i32
    %scan3A_29 = arith.addi %scan3A_27, %scan3A_28 : i32
    %scan3A_30 = arith.constant 1 : i32
    %scan3A_31:2 = scf.for %scan3A_64 = %scan3A_27 to %scan3A_29 step %scan3A_30 iter_args(%scan3A_65 = %broadcast_in_dim3A_26, %scan3A_66 = %broadcast_in_dim3A_26) -> (vector<16xi32>, vector<16xi32>)  : i32 {
      %mul3A_67 = arith.constant 2 : i32
      %mul3A_68 = arith.muli %scan3A_64, %mul3A_67 : i32
      %add3A_69 = arith.constant 0 : i32
      %add3A_70 = arith.addi %mul3A_68, %add3A_69 : i32
      %shift_right_arithmetic3A = arith.constant 3 : i32
      %shift_right_arithmetic3A_71 = arith.shrsi %add3A_70, %shift_right_arithmetic3A : i32
      %add3A_72 = arith.addi %mul3A_2, %shift_right_arithmetic3A_71 : i32
      %and3A = arith.constant 7 : i32
      %and3A_73 = arith.andi %add3A_70, %and3A : i32
      %mul3A_74 = arith.constant 4096 : i32
      %mul3A_75 = arith.muli %and3A_73, %mul3A_74 : i32
      %dma_wait3A = tpu.memref_slice %arg2[%add3A_72, %mul3A_75] : memref<128x32768xf32, #tpu.memory_space<hbm>> -> memref<1x4096xf32, #tpu.memory_space<hbm>>
      %dma_wait3A_76 = tpu.memref_squeeze %dma_wait3A : memref<1x4096xf32, #tpu.memory_space<hbm>> -> memref<4096xf32, #tpu.memory_space<hbm>>
      %dma_wait3A_77 = tpu.memref_slice %arg2[%add3A_72, %mul3A_75] : memref<128x32768xf32, #tpu.memory_space<hbm>> -> memref<1x4096xf32, #tpu.memory_space<hbm>>
      %dma_wait3A_78 = tpu.memref_squeeze %dma_wait3A_77 : memref<1x4096xf32, #tpu.memory_space<hbm>> -> memref<4096xf32, #tpu.memory_space<hbm>>
      tpu.wait_dma2 semaphore(%arg14 : memref<!tpu.dma_semaphore, #tpu.memory_space<semaphore_mem>>) src(%dma_wait3A_78 : memref<4096xf32, #tpu.memory_space<hbm>>) dst(%arg6 : memref<4096xf32, #tpu.memory_space<vmem>>)
      %parallel_loop3A_79 = arith.constant 0 : i32
      %parallel_loop3A_80 = arith.constant 256 : i32
      %parallel_loop3A_81 = arith.constant 1 : i32
      %parallel_loop3A_82:2 = scf.for %parallel_loop3A_113 = %parallel_loop3A_79 to %parallel_loop3A_80 step %parallel_loop3A_81 iter_args(%parallel_loop3A_114 = %scan3A_65, %parallel_loop3A_115 = %scan3A_66) -> (vector<16xi32>, vector<16xi32>)  : i32 {
        %parallel_loop3A_116 = arith.constant 16 : i32
        %parallel_loop3A_117 = arith.muli %parallel_loop3A_113, %parallel_loop3A_116 : i32
        %parallel_loop3A_118 = arith.index_cast %parallel_loop3A_117 : i32 to index
        %parallel_loop3A_119 = tpu.vector_load %arg6[%parallel_loop3A_118] {strides = array<i32>} : memref<4096xf32, #tpu.memory_space<vmem>>, vector<16xf32>,
        %parallel_loop3A_120 = tpu.bitcast %parallel_loop3A_119 : vector<16xf32> -> vector<16xi32>
        %parallel_loop3A_121 = arith.constant 0 : i32
        %parallel_loop3A_122 = vector.broadcast %parallel_loop3A_121 : i32 to vector<16xi32>
        %parallel_loop3A_123 = arith.cmpi sge, %parallel_loop3A_120, %parallel_loop3A_122 : vector<16xi32>
        %parallel_loop3A_124 = arith.constant -2147483648 : i32
        %parallel_loop3A_125 = vector.broadcast %parallel_loop3A_124 : i32 to vector<16xi32>
        %parallel_loop3A_126 = arith.ori %parallel_loop3A_120, %parallel_loop3A_125 : vector<16xi32>
        %parallel_loop3A_127 = arith.constant dense<-1> : vector<16xi32>
        %parallel_loop3A_128 = arith.xori %parallel_loop3A_120, %parallel_loop3A_127 : vector<16xi32>
        %parallel_loop3A_129 = arith.select %parallel_loop3A_123, %parallel_loop3A_126, %parallel_loop3A_128 : vector<16xi1>, vector<16xi32>
        %parallel_loop3A_130 = arith.constant 16 : i32
        %parallel_loop3A_131 = vector.broadcast %parallel_loop3A_130 : i32 to vector<16xi32>
        %parallel_loop3A_132 = arith.shrui %parallel_loop3A_129, %parallel_loop3A_131 : vector<16xi32>
        %parallel_loop3A_133 = arith.constant 65535 : i32
        %parallel_loop3A_134 = vector.broadcast %parallel_loop3A_133 : i32 to vector<16xi32>
        %parallel_loop3A_135 = arith.andi %parallel_loop3A_129, %parallel_loop3A_134 : vector<16xi32>
        %parallel_loop3A_136 = arith.cmpi eq, %parallel_loop3A_132, %get3A_8 : vector<16xi32>
        tpu.vector_store_idx %arg8[%parallel_loop3A_135], %broadcast_in_dim3A_24 masked %parallel_loop3A_136 {add = true} : memref<65536xi32, #tpu.memory_space<vmem>>[vector<16xi32>], vector<16xi32>, vector<16xi1>
        %parallel_loop3A_137 = arith.constant -2147483648 : i32
        %parallel_loop3A_138 = vector.broadcast %parallel_loop3A_137 : i32 to vector<16xi32>
        %parallel_loop3A_139 = arith.xori %parallel_loop3A_129, %parallel_loop3A_138 : vector<16xi32>
        %parallel_loop3A_140 = arith.cmpi sgt, %parallel_loop3A_132, %get3A_8 : vector<16xi32>
        %parallel_loop3A_141 = arith.constant 2147483647 : i32
        %parallel_loop3A_142 = vector.broadcast %parallel_loop3A_141 : i32 to vector<16xi32>
        %parallel_loop3A_143 = arith.select %parallel_loop3A_140, %parallel_loop3A_139, %parallel_loop3A_142 : vector<16xi1>, vector<16xi32>
        %parallel_loop3A_144 = arith.minsi %parallel_loop3A_115, %parallel_loop3A_143 : vector<16xi32>
        scf.yield %parallel_loop3A_144, %parallel_loop3A_114 : vector<16xi32>, vector<16xi32>
      } {sc.loop_unroll_factor = 8 : i64, sc.parallel_access}
      %add3A_83 = arith.constant 2 : i32
      %add3A_84 = arith.addi %add3A_70, %add3A_83 : i32
      %lt3A = arith.constant 32 : i32
      %lt3A_85 = arith.cmpi slt, %add3A_84, %lt3A : i32
      %convert_element_type3A = arith.extui %lt3A_85 : i1 to i32
      %cond3A = arith.constant 0 : i32
      %cond3A_86 = arith.cmpi ne, %convert_element_type3A, %cond3A : i32
      scf.if %cond3A_86 {
        %add3A_113 = arith.constant 2 : i32
        %add3A_114 = arith.addi %add3A_70, %add3A_113 : i32
        %shift_right_arithmetic3A_115 = arith.constant 3 : i32
        %shift_right_arithmetic3A_116 = arith.shrsi %add3A_114, %shift_right_arithmetic3A_115 : i32
        %add3A_117 = arith.addi %mul3A_2, %shift_right_arithmetic3A_116 : i32
        %and3A_118 = arith.constant 7 : i32
        %and3A_119 = arith.andi %add3A_114, %and3A_118 : i32
        %mul3A_120 = arith.constant 4096 : i32
        %mul3A_121 = arith.muli %and3A_119, %mul3A_120 : i32
        %dma_start3A_122 = tpu.memref_slice %arg2[%add3A_117, %mul3A_121] : memref<128x32768xf32, #tpu.memory_space<hbm>> -> memref<1x4096xf32, #tpu.memory_space<hbm>>
        %dma_start3A_123 = tpu.memref_squeeze %dma_start3A_122 : memref<1x4096xf32, #tpu.memory_space<hbm>> -> memref<4096xf32, #tpu.memory_space<hbm>>
        %dma_start3A_124 = tpu.memref_slice %arg2[%add3A_117, %mul3A_121] : memref<128x32768xf32, #tpu.memory_space<hbm>> -> memref<1x4096xf32, #tpu.memory_space<hbm>>
        %dma_start3A_125 = tpu.memref_squeeze %dma_start3A_124 : memref<1x4096xf32, #tpu.memory_space<hbm>> -> memref<4096xf32, #tpu.memory_space<hbm>>
        tpu.enqueue_dma source(%dma_start3A_125 : memref<4096xf32, #tpu.memory_space<hbm>>) target(%arg6 : memref<4096xf32, #tpu.memory_space<vmem>>) target_semaphore(%arg14 : memref<!tpu.dma_semaphore, #tpu.memory_space<semaphore_mem>>)
      } else {
      }
      %mul3A_87 = arith.constant 2 : i32
      %mul3A_88 = arith.muli %scan3A_64, %mul3A_87 : i32
      %add3A_89 = arith.constant 1 : i32
      %add3A_90 = arith.addi %mul3A_88, %add3A_89 : i32
      %shift_right_arithmetic3A_91 = arith.constant 3 : i32
      %shift_right_arithmetic3A_92 = arith.shrsi %add3A_90, %shift_right_arithmetic3A_91 : i32
      %add3A_93 = arith.addi %mul3A_2, %shift_right_arithmetic3A_92 : i32
      %and3A_94 = arith.constant 7 : i32
      %and3A_95 = arith.andi %add3A_90, %and3A_94 : i32
      %mul3A_96 = arith.constant 4096 : i32
      %mul3A_97 = arith.muli %and3A_95, %mul3A_96 : i32
      %dma_wait3A_98 = tpu.memref_slice %arg2[%add3A_93, %mul3A_97] : memref<128x32768xf32, #tpu.memory_space<hbm>> -> memref<1x4096xf32, #tpu.memory_space<hbm>>
      %dma_wait3A_99 = tpu.memref_squeeze %dma_wait3A_98 : memref<1x4096xf32, #tpu.memory_space<hbm>> -> memref<4096xf32, #tpu.memory_space<hbm>>
      %dma_wait3A_100 = tpu.memref_slice %arg2[%add3A_93, %mul3A_97] : memref<128x32768xf32, #tpu.memory_space<hbm>> -> memref<1x4096xf32, #tpu.memory_space<hbm>>
      %dma_wait3A_101 = tpu.memref_squeeze %dma_wait3A_100 : memref<1x4096xf32, #tpu.memory_space<hbm>> -> memref<4096xf32, #tpu.memory_space<hbm>>
      tpu.wait_dma2 semaphore(%arg15 : memref<!tpu.dma_semaphore, #tpu.memory_space<semaphore_mem>>) src(%dma_wait3A_101 : memref<4096xf32, #tpu.memory_space<hbm>>) dst(%arg7 : memref<4096xf32, #tpu.memory_space<vmem>>)
      %parallel_loop3A_102 = arith.constant 0 : i32
      %parallel_loop3A_103 = arith.constant 256 : i32
      %parallel_loop3A_104 = arith.constant 1 : i32
      %parallel_loop3A_105:2 = scf.for %parallel_loop3A_113 = %parallel_loop3A_102 to %parallel_loop3A_103 step %parallel_loop3A_104 iter_args(%parallel_loop3A_114 = %parallel_loop3A_82#0, %parallel_loop3A_115 = %parallel_loop3A_82#1) -> (vector<16xi32>, vector<16xi32>)  : i32 {
        %parallel_loop3A_116 = arith.constant 16 : i32
        %parallel_loop3A_117 = arith.muli %parallel_loop3A_113, %parallel_loop3A_116 : i32
        %parallel_loop3A_118 = arith.index_cast %parallel_loop3A_117 : i32 to index
        %parallel_loop3A_119 = tpu.vector_load %arg7[%parallel_loop3A_118] {strides = array<i32>} : memref<4096xf32, #tpu.memory_space<vmem>>, vector<16xf32>,
        %parallel_loop3A_120 = tpu.bitcast %parallel_loop3A_119 : vector<16xf32> -> vector<16xi32>
        %parallel_loop3A_121 = arith.constant 0 : i32
        %parallel_loop3A_122 = vector.broadcast %parallel_loop3A_121 : i32 to vector<16xi32>
        %parallel_loop3A_123 = arith.cmpi sge, %parallel_loop3A_120, %parallel_loop3A_122 : vector<16xi32>
        %parallel_loop3A_124 = arith.constant -2147483648 : i32
        %parallel_loop3A_125 = vector.broadcast %parallel_loop3A_124 : i32 to vector<16xi32>
        %parallel_loop3A_126 = arith.ori %parallel_loop3A_120, %parallel_loop3A_125 : vector<16xi32>
        %parallel_loop3A_127 = arith.constant dense<-1> : vector<16xi32>
        %parallel_loop3A_128 = arith.xori %parallel_loop3A_120, %parallel_loop3A_127 : vector<16xi32>
        %parallel_loop3A_129 = arith.select %parallel_loop3A_123, %parallel_loop3A_126, %parallel_loop3A_128 : vector<16xi1>, vector<16xi32>
        %parallel_loop3A_130 = arith.constant 16 : i32
        %parallel_loop3A_131 = vector.broadcast %parallel_loop3A_130 : i32 to vector<16xi32>
        %parallel_loop3A_132 = arith.shrui %parallel_loop3A_129, %parallel_loop3A_131 : vector<16xi32>
        %parallel_loop3A_133 = arith.constant 65535 : i32
        %parallel_loop3A_134 = vector.broadcast %parallel_loop3A_133 : i32 to vector<16xi32>
        %parallel_loop3A_135 = arith.andi %parallel_loop3A_129, %parallel_loop3A_134 : vector<16xi32>
        %parallel_loop3A_136 = arith.cmpi eq, %parallel_loop3A_132, %get3A_8 : vector<16xi32>
        tpu.vector_store_idx %arg8[%parallel_loop3A_135], %broadcast_in_dim3A_24 masked %parallel_loop3A_136 {add = true} : memref<65536xi32, #tpu.memory_space<vmem>>[vector<16xi32>], vector<16xi32>, vector<16xi1>
        %parallel_loop3A_137 = arith.constant -2147483648 : i32
        %parallel_loop3A_138 = vector.broadcast %parallel_loop3A_137 : i32 to vector<16xi32>
        %parallel_loop3A_139 = arith.xori %parallel_loop3A_129, %parallel_loop3A_138 : vector<16xi32>
        %parallel_loop3A_140 = arith.cmpi sgt, %parallel_loop3A_132, %get3A_8 : vector<16xi32>
        %parallel_loop3A_141 = arith.constant 2147483647 : i32
        %parallel_loop3A_142 = vector.broadcast %parallel_loop3A_141 : i32 to vector<16xi32>
        %parallel_loop3A_143 = arith.select %parallel_loop3A_140, %parallel_loop3A_139, %parallel_loop3A_142 : vector<16xi1>, vector<16xi32>
        %parallel_loop3A_144 = arith.minsi %parallel_loop3A_115, %parallel_loop3A_143 : vector<16xi32>
        scf.yield %parallel_loop3A_144, %parallel_loop3A_114 : vector<16xi32>, vector<16xi32>
      } {sc.loop_unroll_factor = 8 : i64, sc.parallel_access}
      %add3A_106 = arith.constant 2 : i32
      %add3A_107 = arith.addi %add3A_90, %add3A_106 : i32
      %lt3A_108 = arith.constant 32 : i32
      %lt3A_109 = arith.cmpi slt, %add3A_107, %lt3A_108 : i32
      %convert_element_type3A_110 = arith.extui %lt3A_109 : i1 to i32
      %cond3A_111 = arith.constant 0 : i32
      %cond3A_112 = arith.cmpi ne, %convert_element_type3A_110, %cond3A_111 : i32
      scf.if %cond3A_112 {
        %add3A_113 = arith.constant 2 : i32
        %add3A_114 = arith.addi %add3A_90, %add3A_113 : i32
        %shift_right_arithmetic3A_115 = arith.constant 3 : i32
        %shift_right_arithmetic3A_116 = arith.shrsi %add3A_114, %shift_right_arithmetic3A_115 : i32
        %add3A_117 = arith.addi %mul3A_2, %shift_right_arithmetic3A_116 : i32
        %and3A_118 = arith.constant 7 : i32
        %and3A_119 = arith.andi %add3A_114, %and3A_118 : i32
        %mul3A_120 = arith.constant 4096 : i32
        %mul3A_121 = arith.muli %and3A_119, %mul3A_120 : i32
        %dma_start3A_122 = tpu.memref_slice %arg2[%add3A_117, %mul3A_121] : memref<128x32768xf32, #tpu.memory_space<hbm>> -> memref<1x4096xf32, #tpu.memory_space<hbm>>
        %dma_start3A_123 = tpu.memref_squeeze %dma_start3A_122 : memref<1x4096xf32, #tpu.memory_space<hbm>> -> memref<4096xf32, #tpu.memory_space<hbm>>
        %dma_start3A_124 = tpu.memref_slice %arg2[%add3A_117, %mul3A_121] : memref<128x32768xf32, #tpu.memory_space<hbm>> -> memref<1x4096xf32, #tpu.memory_space<hbm>>
        %dma_start3A_125 = tpu.memref_squeeze %dma_start3A_124 : memref<1x4096xf32, #tpu.memory_space<hbm>> -> memref<4096xf32, #tpu.memory_space<hbm>>
        tpu.enqueue_dma source(%dma_start3A_125 : memref<4096xf32, #tpu.memory_space<hbm>>) target(%arg7 : memref<4096xf32, #tpu.memory_space<vmem>>) target_semaphore(%arg15 : memref<!tpu.dma_semaphore, #tpu.memory_space<semaphore_mem>>)
      } else {
      }
      scf.yield %parallel_loop3A_105#0, %parallel_loop3A_105#1 : vector<16xi32>, vector<16xi32>
    }
    %scan3A_32 = arith.constant 16 : i32
    %min3A = arith.minsi %scan3A_31#0, %scan3A_31#1 : vector<16xi32>
    %swap3A = arith.constant 0 : index
    %swap3A_33 = tpu.vector_load %arg10[%swap3A] {strides = array<i32>} : memref<16xi32, #tpu.memory_space<vmem>>, vector<16xi32>,
    tpu.vector_store %arg10[%swap3A], %min3A {strides = array<i32>} : memref<16xi32, #tpu.memory_space<vmem>>, vector<16xi32>,
    "tpu.region"() ({
      %run_scoped3A = tpu.sem_alloc : memref<!tpu.dma_semaphore, #tpu.memory_space<semaphore_mem>>
      %dma_start3A_64 = arith.constant 0 : i32
      %dma_start3A_65 = tpu.memref_slice %arg5[%add3A, %dma_start3A_64] : memref<32x16xi32, #tpu.memory_space<hbm>> -> memref<1x16xi32, #tpu.memory_space<hbm>>
      %dma_start3A_66 = tpu.memref_squeeze %dma_start3A_65 : memref<1x16xi32, #tpu.memory_space<hbm>> -> memref<16xi32, #tpu.memory_space<hbm>>
      %dma_start3A_67 = arith.constant 0 : i32
      %dma_start3A_68 = tpu.memref_slice %arg5[%add3A, %dma_start3A_67] : memref<32x16xi32, #tpu.memory_space<hbm>> -> memref<1x16xi32, #tpu.memory_space<hbm>>
      %dma_start3A_69 = tpu.memref_squeeze %dma_start3A_68 : memref<1x16xi32, #tpu.memory_space<hbm>> -> memref<16xi32, #tpu.memory_space<hbm>>
      tpu.enqueue_dma source(%arg10 : memref<16xi32, #tpu.memory_space<vmem>>) target(%dma_start3A_69 : memref<16xi32, #tpu.memory_space<hbm>>) target_semaphore(%run_scoped3A : memref<!tpu.dma_semaphore, #tpu.memory_space<semaphore_mem>>)
      %dma_wait3A = arith.constant 0 : i32
      %dma_wait3A_70 = tpu.memref_slice %arg5[%add3A, %dma_wait3A] : memref<32x16xi32, #tpu.memory_space<hbm>> -> memref<1x16xi32, #tpu.memory_space<hbm>>
      %dma_wait3A_71 = tpu.memref_squeeze %dma_wait3A_70 : memref<1x16xi32, #tpu.memory_space<hbm>> -> memref<16xi32, #tpu.memory_space<hbm>>
      %dma_wait3A_72 = arith.constant 0 : i32
      %dma_wait3A_73 = tpu.memref_slice %arg5[%add3A, %dma_wait3A_72] : memref<32x16xi32, #tpu.memory_space<hbm>> -> memref<1x16xi32, #tpu.memory_space<hbm>>
      %dma_wait3A_74 = tpu.memref_squeeze %dma_wait3A_73 : memref<1x16xi32, #tpu.memory_space<hbm>> -> memref<16xi32, #tpu.memory_space<hbm>>
      tpu.wait_dma2 semaphore(%run_scoped3A : memref<!tpu.dma_semaphore, #tpu.memory_space<semaphore_mem>>) src(%arg10 : memref<16xi32, #tpu.memory_space<vmem>>) dst(%dma_wait3A_74 : memref<16xi32, #tpu.memory_space<hbm>>)
      tpu.yield
    }) : () -> ()
    "tpu.region"() ({
      %run_scoped3A = tpu.sem_alloc : memref<!tpu.dma_semaphore, #tpu.memory_space<semaphore_mem>>
      %dma_start3A_64 = arith.constant 0 : i32
      %dma_start3A_65 = tpu.memref_slice %arg8[%dma_start3A_64] : memref<65536xi32, #tpu.memory_space<vmem>> -> memref<32768xi32, #tpu.memory_space<vmem>>
      %dma_start3A_66 = arith.constant 0 : i32
      %dma_start3A_67 = tpu.memref_slice %arg11[%arg1, %dma_start3A_66] : memref<16x32768xi32, #tpu.memory_space<vmem_shared>> -> memref<1x32768xi32, #tpu.memory_space<vmem_shared>>
      %dma_start3A_68 = tpu.memref_squeeze %dma_start3A_67 : memref<1x32768xi32, #tpu.memory_space<vmem_shared>> -> memref<32768xi32, #tpu.memory_space<vmem_shared>>
      %dma_start3A_69 = arith.constant 0 : i32
      %dma_start3A_70 = tpu.memref_slice %arg11[%arg1, %dma_start3A_69] : memref<16x32768xi32, #tpu.memory_space<vmem_shared>> -> memref<1x32768xi32, #tpu.memory_space<vmem_shared>>
      %dma_start3A_71 = tpu.memref_squeeze %dma_start3A_70 : memref<1x32768xi32, #tpu.memory_space<vmem_shared>> -> memref<32768xi32, #tpu.memory_space<vmem_shared>>
      %dma_start3A_72 = arith.constant 0 : i32
      %dma_start3A_73 = tpu.memref_slice %arg8[%dma_start3A_72] : memref<65536xi32, #tpu.memory_space<vmem>> -> memref<32768xi32, #tpu.memory_space<vmem>>
      tpu.enqueue_dma source(%dma_start3A_73 : memref<32768xi32, #tpu.memory_space<vmem>>) target(%dma_start3A_71 : memref<32768xi32, #tpu.memory_space<vmem_shared>>) target_semaphore(%run_scoped3A : memref<!tpu.dma_semaphore, #tpu.memory_space<semaphore_mem>>)
      %dma_wait3A = arith.constant 0 : i32
      %dma_wait3A_74 = tpu.memref_slice %arg8[%dma_wait3A] : memref<65536xi32, #tpu.memory_space<vmem>> -> memref<32768xi32, #tpu.memory_space<vmem>>
      %dma_wait3A_75 = arith.constant 0 : i32
      %dma_wait3A_76 = tpu.memref_slice %arg11[%arg1, %dma_wait3A_75] : memref<16x32768xi32, #tpu.memory_space<vmem_shared>> -> memref<1x32768xi32, #tpu.memory_space<vmem_shared>>
      %dma_wait3A_77 = tpu.memref_squeeze %dma_wait3A_76 : memref<1x32768xi32, #tpu.memory_space<vmem_shared>> -> memref<32768xi32, #tpu.memory_space<vmem_shared>>
      %dma_wait3A_78 = arith.constant 0 : i32
      %dma_wait3A_79 = tpu.memref_slice %arg11[%arg1, %dma_wait3A_78] : memref<16x32768xi32, #tpu.memory_space<vmem_shared>> -> memref<1x32768xi32, #tpu.memory_space<vmem_shared>>
      %dma_wait3A_80 = tpu.memref_squeeze %dma_wait3A_79 : memref<1x32768xi32, #tpu.memory_space<vmem_shared>> -> memref<32768xi32, #tpu.memory_space<vmem_shared>>
      %dma_wait3A_81 = arith.constant 0 : i32
      %dma_wait3A_82 = tpu.memref_slice %arg8[%dma_wait3A_81] : memref<65536xi32, #tpu.memory_space<vmem>> -> memref<32768xi32, #tpu.memory_space<vmem>>
      tpu.wait_dma2 semaphore(%run_scoped3A : memref<!tpu.dma_semaphore, #tpu.memory_space<semaphore_mem>>) src(%dma_wait3A_82 : memref<32768xi32, #tpu.memory_space<vmem>>) dst(%dma_wait3A_80 : memref<32768xi32, #tpu.memory_space<vmem_shared>>)
      tpu.yield
    }) : () -> ()
    %barrier3A = arith.constant 0 : index
    tpu.barrier barrier_id(%barrier3A)
    %mul3A_34 = arith.constant 2048 : i32
    %mul3A_35 = arith.muli %arg1, %mul3A_34 : i32
    "tpu.region"() ({
      %run_scoped3A = tpu.sem_alloc : memref<!tpu.dma_semaphore, #tpu.memory_space<semaphore_mem>>
      %dma_start3A_64 = arith.constant 0 : i32
      %dma_start3A_65 = tpu.memref_slice %arg11[%dma_start3A_64, %mul3A_35] : memref<16x32768xi32, #tpu.memory_space<vmem_shared>> -> memref<8x2048xi32, #tpu.memory_space<vmem_shared>>
      %dma_start3A_66 = arith.constant 0 : i32
      %dma_start3A_67 = tpu.memref_slice %arg11[%dma_start3A_66, %mul3A_35] : memref<16x32768xi32, #tpu.memory_space<vmem_shared>> -> memref<8x2048xi32, #tpu.memory_space<vmem_shared>>
      tpu.enqueue_dma source(%dma_start3A_67 : memref<8x2048xi32, #tpu.memory_space<vmem_shared>>) target(%arg12 : memref<8x2048xi32, #tpu.memory_space<vmem>>) target_semaphore(%run_scoped3A : memref<!tpu.dma_semaphore, #tpu.memory_space<semaphore_mem>>)
      %dma_wait3A = arith.constant 0 : i32
      %dma_wait3A_68 = tpu.memref_slice %arg11[%dma_wait3A, %mul3A_35] : memref<16x32768xi32, #tpu.memory_space<vmem_shared>> -> memref<8x2048xi32, #tpu.memory_space<vmem_shared>>
      %dma_wait3A_69 = arith.constant 0 : i32
      %dma_wait3A_70 = tpu.memref_slice %arg11[%dma_wait3A_69, %mul3A_35] : memref<16x32768xi32, #tpu.memory_space<vmem_shared>> -> memref<8x2048xi32, #tpu.memory_space<vmem_shared>>
      tpu.wait_dma2 semaphore(%run_scoped3A : memref<!tpu.dma_semaphore, #tpu.memory_space<semaphore_mem>>) src(%dma_wait3A_70 : memref<8x2048xi32, #tpu.memory_space<vmem_shared>>) dst(%arg12 : memref<8x2048xi32, #tpu.memory_space<vmem>>)
      tpu.yield
    }) : () -> ()
    %parallel_loop3A = arith.constant 0 : i32
    %parallel_loop3A_36 = arith.constant 128 : i32
    %parallel_loop3A_37 = arith.constant 1 : i32
    scf.for %parallel_loop3A_64 = %parallel_loop3A to %parallel_loop3A_36 step %parallel_loop3A_37  : i32 {
      %parallel_loop3A_65 = arith.constant 16 : i32
      %parallel_loop3A_66 = arith.muli %parallel_loop3A_64, %parallel_loop3A_65 : i32
      %parallel_loop3A_67 = arith.constant 0 : i32
      %parallel_loop3A_68 = arith.index_cast %parallel_loop3A_67 : i32 to index
      %parallel_loop3A_69 = arith.index_cast %parallel_loop3A_66 : i32 to index
      %parallel_loop3A_70 = tpu.vector_load %arg12[%parallel_loop3A_68, %parallel_loop3A_69] {strides = array<i32>} : memref<8x2048xi32, #tpu.memory_space<vmem>>, vector<16xi32>,
      %parallel_loop3A_71 = arith.constant 1 : i32
      %parallel_loop3A_72 = arith.index_cast %parallel_loop3A_71 : i32 to index
      %parallel_loop3A_73 = arith.index_cast %parallel_loop3A_66 : i32 to index
      %parallel_loop3A_74 = tpu.vector_load %arg12[%parallel_loop3A_72, %parallel_loop3A_73] {strides = array<i32>} : memref<8x2048xi32, #tpu.memory_space<vmem>>, vector<16xi32>,
      %parallel_loop3A_75 = arith.addi %parallel_loop3A_70, %parallel_loop3A_74 : vector<16xi32>
      %parallel_loop3A_76 = arith.constant 2 : i32
      %parallel_loop3A_77 = arith.index_cast %parallel_loop3A_76 : i32 to index
      %parallel_loop3A_78 = arith.index_cast %parallel_loop3A_66 : i32 to index
      %parallel_loop3A_79 = tpu.vector_load %arg12[%parallel_loop3A_77, %parallel_loop3A_78] {strides = array<i32>} : memref<8x2048xi32, #tpu.memory_space<vmem>>, vector<16xi32>,
      %parallel_loop3A_80 = arith.addi %parallel_loop3A_75, %parallel_loop3A_79 : vector<16xi32>
      %parallel_loop3A_81 = arith.constant 3 : i32
      %parallel_loop3A_82 = arith.index_cast %parallel_loop3A_81 : i32 to index
      %parallel_loop3A_83 = arith.index_cast %parallel_loop3A_66 : i32 to index
      %parallel_loop3A_84 = tpu.vector_load %arg12[%parallel_loop3A_82, %parallel_loop3A_83] {strides = array<i32>} : memref<8x2048xi32, #tpu.memory_space<vmem>>, vector<16xi32>,
      %parallel_loop3A_85 = arith.addi %parallel_loop3A_80, %parallel_loop3A_84 : vector<16xi32>
      %parallel_loop3A_86 = arith.constant 4 : i32
      %parallel_loop3A_87 = arith.index_cast %parallel_loop3A_86 : i32 to index
      %parallel_loop3A_88 = arith.index_cast %parallel_loop3A_66 : i32 to index
      %parallel_loop3A_89 = tpu.vector_load %arg12[%parallel_loop3A_87, %parallel_loop3A_88] {strides = array<i32>} : memref<8x2048xi32, #tpu.memory_space<vmem>>, vector<16xi32>,
      %parallel_loop3A_90 = arith.addi %parallel_loop3A_85, %parallel_loop3A_89 : vector<16xi32>
      %parallel_loop3A_91 = arith.constant 5 : i32
      %parallel_loop3A_92 = arith.index_cast %parallel_loop3A_91 : i32 to index
      %parallel_loop3A_93 = arith.index_cast %parallel_loop3A_66 : i32 to index
      %parallel_loop3A_94 = tpu.vector_load %arg12[%parallel_loop3A_92, %parallel_loop3A_93] {strides = array<i32>} : memref<8x2048xi32, #tpu.memory_space<vmem>>, vector<16xi32>,
      %parallel_loop3A_95 = arith.addi %parallel_loop3A_90, %parallel_loop3A_94 : vector<16xi32>
      %parallel_loop3A_96 = arith.constant 6 : i32
      %parallel_loop3A_97 = arith.index_cast %parallel_loop3A_96 : i32 to index
      %parallel_loop3A_98 = arith.index_cast %parallel_loop3A_66 : i32 to index
      %parallel_loop3A_99 = tpu.vector_load %arg12[%parallel_loop3A_97, %parallel_loop3A_98] {strides = array<i32>} : memref<8x2048xi32, #tpu.memory_space<vmem>>, vector<16xi32>,
      %parallel_loop3A_100 = arith.addi %parallel_loop3A_95, %parallel_loop3A_99 : vector<16xi32>
      %parallel_loop3A_101 = arith.constant 7 : i32
      %parallel_loop3A_102 = arith.index_cast %parallel_loop3A_101 : i32 to index
      %parallel_loop3A_103 = arith.index_cast %parallel_loop3A_66 : i32 to index
      %parallel_loop3A_104 = tpu.vector_load %arg12[%parallel_loop3A_102, %parallel_loop3A_103] {strides = array<i32>} : memref<8x2048xi32, #tpu.memory_space<vmem>>, vector<16xi32>,
      %parallel_loop3A_105 = arith.addi %parallel_loop3A_100, %parallel_loop3A_104 : vector<16xi32>
      %parallel_loop3A_106 = arith.index_cast %parallel_loop3A_66 : i32 to index
      %parallel_loop3A_107 = tpu.vector_load %arg13[%parallel_loop3A_106] {strides = array<i32>} : memref<2048xi32, #tpu.memory_space<vmem>>, vector<16xi32>,
      tpu.vector_store %arg13[%parallel_loop3A_106], %parallel_loop3A_105 {strides = array<i32>} : memref<2048xi32, #tpu.memory_space<vmem>>, vector<16xi32>,
    } {sc.loop_unroll_factor = 4 : i64, sc.parallel_access}
    %mul3A_38 = arith.constant 2048 : i32
    %mul3A_39 = arith.muli %arg1, %mul3A_38 : i32
    "tpu.region"() ({
      %run_scoped3A = tpu.sem_alloc : memref<!tpu.dma_semaphore, #tpu.memory_space<semaphore_mem>>
      %dma_start3A_64 = arith.constant 8 : i32
      %dma_start3A_65 = tpu.memref_slice %arg11[%dma_start3A_64, %mul3A_39] : memref<16x32768xi32, #tpu.memory_space<vmem_shared>> -> memref<8x2048xi32, #tpu.memory_space<vmem_shared>>
      %dma_start3A_66 = arith.constant 8 : i32
      %dma_start3A_67 = tpu.memref_slice %arg11[%dma_start3A_66, %mul3A_39] : memref<16x32768xi32, #tpu.memory_space<vmem_shared>> -> memref<8x2048xi32, #tpu.memory_space<vmem_shared>>
      tpu.enqueue_dma source(%dma_start3A_67 : memref<8x2048xi32, #tpu.memory_space<vmem_shared>>) target(%arg12 : memref<8x2048xi32, #tpu.memory_space<vmem>>) target_semaphore(%run_scoped3A : memref<!tpu.dma_semaphore, #tpu.memory_space<semaphore_mem>>)
      %dma_wait3A = arith.constant 8 : i32
      %dma_wait3A_68 = tpu.memref_slice %arg11[%dma_wait3A, %mul3A_39] : memref<16x32768xi32, #tpu.memory_space<vmem_shared>> -> memref<8x2048xi32, #tpu.memory_space<vmem_shared>>
      %dma_wait3A_69 = arith.constant 8 : i32
      %dma_wait3A_70 = tpu.memref_slice %arg11[%dma_wait3A_69, %mul3A_39] : memref<16x32768xi32, #tpu.memory_space<vmem_shared>> -> memref<8x2048xi32, #tpu.memory_space<vmem_shared>>
      tpu.wait_dma2 semaphore(%run_scoped3A : memref<!tpu.dma_semaphore, #tpu.memory_space<semaphore_mem>>) src(%dma_wait3A_70 : memref<8x2048xi32, #tpu.memory_space<vmem_shared>>) dst(%arg12 : memref<8x2048xi32, #tpu.memory_space<vmem>>)
      tpu.yield
    }) : () -> ()
    %parallel_loop3A_40 = arith.constant 0 : i32
    %parallel_loop3A_41 = arith.constant 128 : i32
    %parallel_loop3A_42 = arith.constant 1 : i32
    scf.for %parallel_loop3A_64 = %parallel_loop3A_40 to %parallel_loop3A_41 step %parallel_loop3A_42  : i32 {
      %parallel_loop3A_65 = arith.constant 16 : i32
      %parallel_loop3A_66 = arith.muli %parallel_loop3A_64, %parallel_loop3A_65 : i32
      %parallel_loop3A_67 = arith.constant 0 : i32
      %parallel_loop3A_68 = arith.index_cast %parallel_loop3A_67 : i32 to index
      %parallel_loop3A_69 = arith.index_cast %parallel_loop3A_66 : i32 to index
      %parallel_loop3A_70 = tpu.vector_load %arg12[%parallel_loop3A_68, %parallel_loop3A_69] {strides = array<i32>} : memref<8x2048xi32, #tpu.memory_space<vmem>>, vector<16xi32>,
      %parallel_loop3A_71 = arith.constant 1 : i32
      %parallel_loop3A_72 = arith.index_cast %parallel_loop3A_71 : i32 to index
      %parallel_loop3A_73 = arith.index_cast %parallel_loop3A_66 : i32 to index
      %parallel_loop3A_74 = tpu.vector_load %arg12[%parallel_loop3A_72, %parallel_loop3A_73] {strides = array<i32>} : memref<8x2048xi32, #tpu.memory_space<vmem>>, vector<16xi32>,
      %parallel_loop3A_75 = arith.addi %parallel_loop3A_70, %parallel_loop3A_74 : vector<16xi32>
      %parallel_loop3A_76 = arith.constant 2 : i32
      %parallel_loop3A_77 = arith.index_cast %parallel_loop3A_76 : i32 to index
      %parallel_loop3A_78 = arith.index_cast %parallel_loop3A_66 : i32 to index
      %parallel_loop3A_79 = tpu.vector_load %arg12[%parallel_loop3A_77, %parallel_loop3A_78] {strides = array<i32>} : memref<8x2048xi32, #tpu.memory_space<vmem>>, vector<16xi32>,
      %parallel_loop3A_80 = arith.addi %parallel_loop3A_75, %parallel_loop3A_79 : vector<16xi32>
      %parallel_loop3A_81 = arith.constant 3 : i32
      %parallel_loop3A_82 = arith.index_cast %parallel_loop3A_81 : i32 to index
      %parallel_loop3A_83 = arith.index_cast %parallel_loop3A_66 : i32 to index
      %parallel_loop3A_84 = tpu.vector_load %arg12[%parallel_loop3A_82, %parallel_loop3A_83] {strides = array<i32>} : memref<8x2048xi32, #tpu.memory_space<vmem>>, vector<16xi32>,
      %parallel_loop3A_85 = arith.addi %parallel_loop3A_80, %parallel_loop3A_84 : vector<16xi32>
      %parallel_loop3A_86 = arith.constant 4 : i32
      %parallel_loop3A_87 = arith.index_cast %parallel_loop3A_86 : i32 to index
      %parallel_loop3A_88 = arith.index_cast %parallel_loop3A_66 : i32 to index
      %parallel_loop3A_89 = tpu.vector_load %arg12[%parallel_loop3A_87, %parallel_loop3A_88] {strides = array<i32>} : memref<8x2048xi32, #tpu.memory_space<vmem>>, vector<16xi32>,
      %parallel_loop3A_90 = arith.addi %parallel_loop3A_85, %parallel_loop3A_89 : vector<16xi32>
      %parallel_loop3A_91 = arith.constant 5 : i32
      %parallel_loop3A_92 = arith.index_cast %parallel_loop3A_91 : i32 to index
      %parallel_loop3A_93 = arith.index_cast %parallel_loop3A_66 : i32 to index
      %parallel_loop3A_94 = tpu.vector_load %arg12[%parallel_loop3A_92, %parallel_loop3A_93] {strides = array<i32>} : memref<8x2048xi32, #tpu.memory_space<vmem>>, vector<16xi32>,
      %parallel_loop3A_95 = arith.addi %parallel_loop3A_90, %parallel_loop3A_94 : vector<16xi32>
      %parallel_loop3A_96 = arith.constant 6 : i32
      %parallel_loop3A_97 = arith.index_cast %parallel_loop3A_96 : i32 to index
      %parallel_loop3A_98 = arith.index_cast %parallel_loop3A_66 : i32 to index
      %parallel_loop3A_99 = tpu.vector_load %arg12[%parallel_loop3A_97, %parallel_loop3A_98] {strides = array<i32>} : memref<8x2048xi32, #tpu.memory_space<vmem>>, vector<16xi32>,
      %parallel_loop3A_100 = arith.addi %parallel_loop3A_95, %parallel_loop3A_99 : vector<16xi32>
      %parallel_loop3A_101 = arith.constant 7 : i32
      %parallel_loop3A_102 = arith.index_cast %parallel_loop3A_101 : i32 to index
      %parallel_loop3A_103 = arith.index_cast %parallel_loop3A_66 : i32 to index
      %parallel_loop3A_104 = tpu.vector_load %arg12[%parallel_loop3A_102, %parallel_loop3A_103] {strides = array<i32>} : memref<8x2048xi32, #tpu.memory_space<vmem>>, vector<16xi32>,
      %parallel_loop3A_105 = arith.addi %parallel_loop3A_100, %parallel_loop3A_104 : vector<16xi32>
      %parallel_loop3A_106 = arith.index_cast %parallel_loop3A_66 : i32 to index
      %parallel_loop3A_107 = tpu.vector_load %arg13[%parallel_loop3A_106] {strides = array<i32>} : memref<2048xi32, #tpu.memory_space<vmem>>, vector<16xi32>,
      %parallel_loop3A_108 = arith.addi %parallel_loop3A_107, %parallel_loop3A_105 : vector<16xi32>
      %parallel_loop3A_109 = arith.index_cast %parallel_loop3A_66 : i32 to index
      %parallel_loop3A_110 = tpu.vector_load %arg13[%parallel_loop3A_109] {strides = array<i32>} : memref<2048xi32, #tpu.memory_space<vmem>>, vector<16xi32>,
      tpu.vector_store %arg13[%parallel_loop3A_109], %parallel_loop3A_108 {strides = array<i32>} : memref<2048xi32, #tpu.memory_space<vmem>>, vector<16xi32>,
    } {sc.loop_unroll_factor = 4 : i64, sc.parallel_access}
    %mul3A_43 = arith.constant 2048 : i32
    %mul3A_44 = arith.muli %arg1, %mul3A_43 : i32
    %add3A_45 = arith.constant 0 : i32
    %add3A_46 = arith.addi %add3A_45, %mul3A_44 : i32
    "tpu.region"() ({
      %run_scoped3A = tpu.sem_alloc : memref<!tpu.dma_semaphore, #tpu.memory_space<semaphore_mem>>
      %dma_start3A_64 = tpu.memref_slice %arg4[%arg0, %add3A_46] : memref<2x65536xi32, #tpu.memory_space<hbm>> -> memref<1x2048xi32, #tpu.memory_space<hbm>>
      %dma_start3A_65 = tpu.memref_squeeze %dma_start3A_64 : memref<1x2048xi32, #tpu.memory_space<hbm>> -> memref<2048xi32, #tpu.memory_space<hbm>>
      %dma_start3A_66 = tpu.memref_slice %arg4[%arg0, %add3A_46] : memref<2x65536xi32, #tpu.memory_space<hbm>> -> memref<1x2048xi32, #tpu.memory_space<hbm>>
      %dma_start3A_67 = tpu.memref_squeeze %dma_start3A_66 : memref<1x2048xi32, #tpu.memory_space<hbm>> -> memref<2048xi32, #tpu.memory_space<hbm>>
      tpu.enqueue_dma source(%arg13 : memref<2048xi32, #tpu.memory_space<vmem>>) target(%dma_start3A_67 : memref<2048xi32, #tpu.memory_space<hbm>>) target_semaphore(%run_scoped3A : memref<!tpu.dma_semaphore, #tpu.memory_space<semaphore_mem>>)
      %dma_wait3A = tpu.memref_slice %arg4[%arg0, %add3A_46] : memref<2x65536xi32, #tpu.memory_space<hbm>> -> memref<1x2048xi32, #tpu.memory_space<hbm>>
      %dma_wait3A_68 = tpu.memref_squeeze %dma_wait3A : memref<1x2048xi32, #tpu.memory_space<hbm>> -> memref<2048xi32, #tpu.memory_space<hbm>>
      %dma_wait3A_69 = tpu.memref_slice %arg4[%arg0, %add3A_46] : memref<2x65536xi32, #tpu.memory_space<hbm>> -> memref<1x2048xi32, #tpu.memory_space<hbm>>
      %dma_wait3A_70 = tpu.memref_squeeze %dma_wait3A_69 : memref<1x2048xi32, #tpu.memory_space<hbm>> -> memref<2048xi32, #tpu.memory_space<hbm>>
      tpu.wait_dma2 semaphore(%run_scoped3A : memref<!tpu.dma_semaphore, #tpu.memory_space<semaphore_mem>>) src(%arg13 : memref<2048xi32, #tpu.memory_space<vmem>>) dst(%dma_wait3A_70 : memref<2048xi32, #tpu.memory_space<hbm>>)
      tpu.yield
    }) : () -> ()
    %barrier3A_47 = arith.constant 0 : index
    tpu.barrier barrier_id(%barrier3A_47)
    "tpu.region"() ({
      %run_scoped3A = tpu.sem_alloc : memref<!tpu.dma_semaphore, #tpu.memory_space<semaphore_mem>>
      %dma_start3A_64 = arith.constant 32768 : i32
      %dma_start3A_65 = tpu.memref_slice %arg8[%dma_start3A_64] : memref<65536xi32, #tpu.memory_space<vmem>> -> memref<32768xi32, #tpu.memory_space<vmem>>
      %dma_start3A_66 = arith.constant 0 : i32
      %dma_start3A_67 = tpu.memref_slice %arg11[%arg1, %dma_start3A_66] : memref<16x32768xi32, #tpu.memory_space<vmem_shared>> -> memref<1x32768xi32, #tpu.memory_space<vmem_shared>>
      %dma_start3A_68 = tpu.memref_squeeze %dma_start3A_67 : memref<1x32768xi32, #tpu.memory_space<vmem_shared>> -> memref<32768xi32, #tpu.memory_space<vmem_shared>>
      %dma_start3A_69 = arith.constant 0 : i32
      %dma_start3A_70 = tpu.memref_slice %arg11[%arg1, %dma_start3A_69] : memref<16x32768xi32, #tpu.memory_space<vmem_shared>> -> memref<1x32768xi32, #tpu.memory_space<vmem_shared>>
      %dma_start3A_71 = tpu.memref_squeeze %dma_start3A_70 : memref<1x32768xi32, #tpu.memory_space<vmem_shared>> -> memref<32768xi32, #tpu.memory_space<vmem_shared>>
      %dma_start3A_72 = arith.constant 32768 : i32
      %dma_start3A_73 = tpu.memref_slice %arg8[%dma_start3A_72] : memref<65536xi32, #tpu.memory_space<vmem>> -> memref<32768xi32, #tpu.memory_space<vmem>>
      tpu.enqueue_dma source(%dma_start3A_73 : memref<32768xi32, #tpu.memory_space<vmem>>) target(%dma_start3A_71 : memref<32768xi32, #tpu.memory_space<vmem_shared>>) target_semaphore(%run_scoped3A : memref<!tpu.dma_semaphore, #tpu.memory_space<semaphore_mem>>)
      %dma_wait3A = arith.constant 32768 : i32
      %dma_wait3A_74 = tpu.memref_slice %arg8[%dma_wait3A] : memref<65536xi32, #tpu.memory_space<vmem>> -> memref<32768xi32, #tpu.memory_space<vmem>>
      %dma_wait3A_75 = arith.constant 0 : i32
      %dma_wait3A_76 = tpu.memref_slice %arg11[%arg1, %dma_wait3A_75] : memref<16x32768xi32, #tpu.memory_space<vmem_shared>> -> memref<1x32768xi32, #tpu.memory_space<vmem_shared>>
      %dma_wait3A_77 = tpu.memref_squeeze %dma_wait3A_76 : memref<1x32768xi32, #tpu.memory_space<vmem_shared>> -> memref<32768xi32, #tpu.memory_space<vmem_shared>>
      %dma_wait3A_78 = arith.constant 0 : i32
      %dma_wait3A_79 = tpu.memref_slice %arg11[%arg1, %dma_wait3A_78] : memref<16x32768xi32, #tpu.memory_space<vmem_shared>> -> memref<1x32768xi32, #tpu.memory_space<vmem_shared>>
      %dma_wait3A_80 = tpu.memref_squeeze %dma_wait3A_79 : memref<1x32768xi32, #tpu.memory_space<vmem_shared>> -> memref<32768xi32, #tpu.memory_space<vmem_shared>>
      %dma_wait3A_81 = arith.constant 32768 : i32
      %dma_wait3A_82 = tpu.memref_slice %arg8[%dma_wait3A_81] : memref<65536xi32, #tpu.memory_space<vmem>> -> memref<32768xi32, #tpu.memory_space<vmem>>
      tpu.wait_dma2 semaphore(%run_scoped3A : memref<!tpu.dma_semaphore, #tpu.memory_space<semaphore_mem>>) src(%dma_wait3A_82 : memref<32768xi32, #tpu.memory_space<vmem>>) dst(%dma_wait3A_80 : memref<32768xi32, #tpu.memory_space<vmem_shared>>)
      tpu.yield
    }) : () -> ()
    %barrier3A_48 = arith.constant 0 : index
    tpu.barrier barrier_id(%barrier3A_48)
    %mul3A_49 = arith.constant 2048 : i32
    %mul3A_50 = arith.muli %arg1, %mul3A_49 : i32
    "tpu.region"() ({
      %run_scoped3A = tpu.sem_alloc : memref<!tpu.dma_semaphore, #tpu.memory_space<semaphore_mem>>
      %dma_start3A_64 = arith.constant 0 : i32
      %dma_start3A_65 = tpu.memref_slice %arg11[%dma_start3A_64, %mul3A_50] : memref<16x32768xi32, #tpu.memory_space<vmem_shared>> -> memref<8x2048xi32, #tpu.memory_space<vmem_shared>>
      %dma_start3A_66 = arith.constant 0 : i32
      %dma_start3A_67 = tpu.memref_slice %arg11[%dma_start3A_66, %mul3A_50] : memref<16x32768xi32, #tpu.memory_space<vmem_shared>> -> memref<8x2048xi32, #tpu.memory_space<vmem_shared>>
      tpu.enqueue_dma source(%dma_start3A_67 : memref<8x2048xi32, #tpu.memory_space<vmem_shared>>) target(%arg12 : memref<8x2048xi32, #tpu.memory_space<vmem>>) target_semaphore(%run_scoped3A : memref<!tpu.dma_semaphore, #tpu.memory_space<semaphore_mem>>)
      %dma_wait3A = arith.constant 0 : i32
      %dma_wait3A_68 = tpu.memref_slice %arg11[%dma_wait3A, %mul3A_50] : memref<16x32768xi32, #tpu.memory_space<vmem_shared>> -> memref<8x2048xi32, #tpu.memory_space<vmem_shared>>
      %dma_wait3A_69 = arith.constant 0 : i32
      %dma_wait3A_70 = tpu.memref_slice %arg11[%dma_wait3A_69, %mul3A_50] : memref<16x32768xi32, #tpu.memory_space<vmem_shared>> -> memref<8x2048xi32, #tpu.memory_space<vmem_shared>>
      tpu.wait_dma2 semaphore(%run_scoped3A : memref<!tpu.dma_semaphore, #tpu.memory_space<semaphore_mem>>) src(%dma_wait3A_70 : memref<8x2048xi32, #tpu.memory_space<vmem_shared>>) dst(%arg12 : memref<8x2048xi32, #tpu.memory_space<vmem>>)
      tpu.yield
    }) : () -> ()
    %parallel_loop3A_51 = arith.constant 0 : i32
    %parallel_loop3A_52 = arith.constant 128 : i32
    %parallel_loop3A_53 = arith.constant 1 : i32
    scf.for %parallel_loop3A_64 = %parallel_loop3A_51 to %parallel_loop3A_52 step %parallel_loop3A_53  : i32 {
      %parallel_loop3A_65 = arith.constant 16 : i32
      %parallel_loop3A_66 = arith.muli %parallel_loop3A_64, %parallel_loop3A_65 : i32
      %parallel_loop3A_67 = arith.constant 0 : i32
      %parallel_loop3A_68 = arith.index_cast %parallel_loop3A_67 : i32 to index
      %parallel_loop3A_69 = arith.index_cast %parallel_loop3A_66 : i32 to index
      %parallel_loop3A_70 = tpu.vector_load %arg12[%parallel_loop3A_68, %parallel_loop3A_69] {strides = array<i32>} : memref<8x2048xi32, #tpu.memory_space<vmem>>, vector<16xi32>,
      %parallel_loop3A_71 = arith.constant 1 : i32
      %parallel_loop3A_72 = arith.index_cast %parallel_loop3A_71 : i32 to index
      %parallel_loop3A_73 = arith.index_cast %parallel_loop3A_66 : i32 to index
      %parallel_loop3A_74 = tpu.vector_load %arg12[%parallel_loop3A_72, %parallel_loop3A_73] {strides = array<i32>} : memref<8x2048xi32, #tpu.memory_space<vmem>>, vector<16xi32>,
      %parallel_loop3A_75 = arith.addi %parallel_loop3A_70, %parallel_loop3A_74 : vector<16xi32>
      %parallel_loop3A_76 = arith.constant 2 : i32
      %parallel_loop3A_77 = arith.index_cast %parallel_loop3A_76 : i32 to index
      %parallel_loop3A_78 = arith.index_cast %parallel_loop3A_66 : i32 to index
      %parallel_loop3A_79 = tpu.vector_load %arg12[%parallel_loop3A_77, %parallel_loop3A_78] {strides = array<i32>} : memref<8x2048xi32, #tpu.memory_space<vmem>>, vector<16xi32>,
      %parallel_loop3A_80 = arith.addi %parallel_loop3A_75, %parallel_loop3A_79 : vector<16xi32>
      %parallel_loop3A_81 = arith.constant 3 : i32
      %parallel_loop3A_82 = arith.index_cast %parallel_loop3A_81 : i32 to index
      %parallel_loop3A_83 = arith.index_cast %parallel_loop3A_66 : i32 to index
      %parallel_loop3A_84 = tpu.vector_load %arg12[%parallel_loop3A_82, %parallel_loop3A_83] {strides = array<i32>} : memref<8x2048xi32, #tpu.memory_space<vmem>>, vector<16xi32>,
      %parallel_loop3A_85 = arith.addi %parallel_loop3A_80, %parallel_loop3A_84 : vector<16xi32>
      %parallel_loop3A_86 = arith.constant 4 : i32
      %parallel_loop3A_87 = arith.index_cast %parallel_loop3A_86 : i32 to index
      %parallel_loop3A_88 = arith.index_cast %parallel_loop3A_66 : i32 to index
      %parallel_loop3A_89 = tpu.vector_load %arg12[%parallel_loop3A_87, %parallel_loop3A_88] {strides = array<i32>} : memref<8x2048xi32, #tpu.memory_space<vmem>>, vector<16xi32>,
      %parallel_loop3A_90 = arith.addi %parallel_loop3A_85, %parallel_loop3A_89 : vector<16xi32>
      %parallel_loop3A_91 = arith.constant 5 : i32
      %parallel_loop3A_92 = arith.index_cast %parallel_loop3A_91 : i32 to index
      %parallel_loop3A_93 = arith.index_cast %parallel_loop3A_66 : i32 to index
      %parallel_loop3A_94 = tpu.vector_load %arg12[%parallel_loop3A_92, %parallel_loop3A_93] {strides = array<i32>} : memref<8x2048xi32, #tpu.memory_space<vmem>>, vector<16xi32>,
      %parallel_loop3A_95 = arith.addi %parallel_loop3A_90, %parallel_loop3A_94 : vector<16xi32>
      %parallel_loop3A_96 = arith.constant 6 : i32
      %parallel_loop3A_97 = arith.index_cast %parallel_loop3A_96 : i32 to index
      %parallel_loop3A_98 = arith.index_cast %parallel_loop3A_66 : i32 to index
      %parallel_loop3A_99 = tpu.vector_load %arg12[%parallel_loop3A_97, %parallel_loop3A_98] {strides = array<i32>} : memref<8x2048xi32, #tpu.memory_space<vmem>>, vector<16xi32>,
      %parallel_loop3A_100 = arith.addi %parallel_loop3A_95, %parallel_loop3A_99 : vector<16xi32>
      %parallel_loop3A_101 = arith.constant 7 : i32
      %parallel_loop3A_102 = arith.index_cast %parallel_loop3A_101 : i32 to index
      %parallel_loop3A_103 = arith.index_cast %parallel_loop3A_66 : i32 to index
      %parallel_loop3A_104 = tpu.vector_load %arg12[%parallel_loop3A_102, %parallel_loop3A_103] {strides = array<i32>} : memref<8x2048xi32, #tpu.memory_space<vmem>>, vector<16xi32>,
      %parallel_loop3A_105 = arith.addi %parallel_loop3A_100, %parallel_loop3A_104 : vector<16xi32>
      %parallel_loop3A_106 = arith.index_cast %parallel_loop3A_66 : i32 to index
      %parallel_loop3A_107 = tpu.vector_load %arg13[%parallel_loop3A_106] {strides = array<i32>} : memref<2048xi32, #tpu.memory_space<vmem>>, vector<16xi32>,
      tpu.vector_store %arg13[%parallel_loop3A_106], %parallel_loop3A_105 {strides = array<i32>} : memref<2048xi32, #tpu.memory_space<vmem>>, vector<16xi32>,
    } {sc.loop_unroll_factor = 4 : i64, sc.parallel_access}
    %mul3A_54 = arith.constant 2048 : i32
    %mul3A_55 = arith.muli %arg1, %mul3A_54 : i32
    "tpu.region"() ({
      %run_scoped3A = tpu.sem_alloc : memref<!tpu.dma_semaphore, #tpu.memory_space<semaphore_mem>>
      %dma_start3A_64 = arith.constant 8 : i32
      %dma_start3A_65 = tpu.memref_slice %arg11[%dma_start3A_64, %mul3A_55] : memref<16x32768xi32, #tpu.memory_space<vmem_shared>> -> memref<8x2048xi32, #tpu.memory_space<vmem_shared>>
      %dma_start3A_66 = arith.constant 8 : i32
      %dma_start3A_67 = tpu.memref_slice %arg11[%dma_start3A_66, %mul3A_55] : memref<16x32768xi32, #tpu.memory_space<vmem_shared>> -> memref<8x2048xi32, #tpu.memory_space<vmem_shared>>
      tpu.enqueue_dma source(%dma_start3A_67 : memref<8x2048xi32, #tpu.memory_space<vmem_shared>>) target(%arg12 : memref<8x2048xi32, #tpu.memory_space<vmem>>) target_semaphore(%run_scoped3A : memref<!tpu.dma_semaphore, #tpu.memory_space<semaphore_mem>>)
      %dma_wait3A = arith.constant 8 : i32
      %dma_wait3A_68 = tpu.memref_slice %arg11[%dma_wait3A, %mul3A_55] : memref<16x32768xi32, #tpu.memory_space<vmem_shared>> -> memref<8x2048xi32, #tpu.memory_space<vmem_shared>>
      %dma_wait3A_69 = arith.constant 8 : i32
      %dma_wait3A_70 = tpu.memref_slice %arg11[%dma_wait3A_69, %mul3A_55] : memref<16x32768xi32, #tpu.memory_space<vmem_shared>> -> memref<8x2048xi32, #tpu.memory_space<vmem_shared>>
      tpu.wait_dma2 semaphore(%run_scoped3A : memref<!tpu.dma_semaphore, #tpu.memory_space<semaphore_mem>>) src(%dma_wait3A_70 : memref<8x2048xi32, #tpu.memory_space<vmem_shared>>) dst(%arg12 : memref<8x2048xi32, #tpu.memory_space<vmem>>)
      tpu.yield
    }) : () -> ()
    %parallel_loop3A_56 = arith.constant 0 : i32
    %parallel_loop3A_57 = arith.constant 128 : i32
    %parallel_loop3A_58 = arith.constant 1 : i32
    scf.for %parallel_loop3A_64 = %parallel_loop3A_56 to %parallel_loop3A_57 step %parallel_loop3A_58  : i32 {
      %parallel_loop3A_65 = arith.constant 16 : i32
      %parallel_loop3A_66 = arith.muli %parallel_loop3A_64, %parallel_loop3A_65 : i32
      %parallel_loop3A_67 = arith.constant 0 : i32
      %parallel_loop3A_68 = arith.index_cast %parallel_loop3A_67 : i32 to index
      %parallel_loop3A_69 = arith.index_cast %parallel_loop3A_66 : i32 to index
      %parallel_loop3A_70 = tpu.vector_load %arg12[%parallel_loop3A_68, %parallel_loop3A_69] {strides = array<i32>} : memref<8x2048xi32, #tpu.memory_space<vmem>>, vector<16xi32>,
      %parallel_loop3A_71 = arith.constant 1 : i32
      %parallel_loop3A_72 = arith.index_cast %parallel_loop3A_71 : i32 to index
      %parallel_loop3A_73 = arith.index_cast %parallel_loop3A_66 : i32 to index
      %parallel_loop3A_74 = tpu.vector_load %arg12[%parallel_loop3A_72, %parallel_loop3A_73] {strides = array<i32>} : memref<8x2048xi32, #tpu.memory_space<vmem>>, vector<16xi32>,
      %parallel_loop3A_75 = arith.addi %parallel_loop3A_70, %parallel_loop3A_74 : vector<16xi32>
      %parallel_loop3A_76 = arith.constant 2 : i32
      %parallel_loop3A_77 = arith.index_cast %parallel_loop3A_76 : i32 to index
      %parallel_loop3A_78 = arith.index_cast %parallel_loop3A_66 : i32 to index
      %parallel_loop3A_79 = tpu.vector_load %arg12[%parallel_loop3A_77, %parallel_loop3A_78] {strides = array<i32>} : memref<8x2048xi32, #tpu.memory_space<vmem>>, vector<16xi32>,
      %parallel_loop3A_80 = arith.addi %parallel_loop3A_75, %parallel_loop3A_79 : vector<16xi32>
      %parallel_loop3A_81 = arith.constant 3 : i32
      %parallel_loop3A_82 = arith.index_cast %parallel_loop3A_81 : i32 to index
      %parallel_loop3A_83 = arith.index_cast %parallel_loop3A_66 : i32 to index
      %parallel_loop3A_84 = tpu.vector_load %arg12[%parallel_loop3A_82, %parallel_loop3A_83] {strides = array<i32>} : memref<8x2048xi32, #tpu.memory_space<vmem>>, vector<16xi32>,
      %parallel_loop3A_85 = arith.addi %parallel_loop3A_80, %parallel_loop3A_84 : vector<16xi32>
      %parallel_loop3A_86 = arith.constant 4 : i32
      %parallel_loop3A_87 = arith.index_cast %parallel_loop3A_86 : i32 to index
      %parallel_loop3A_88 = arith.index_cast %parallel_loop3A_66 : i32 to index
      %parallel_loop3A_89 = tpu.vector_load %arg12[%parallel_loop3A_87, %parallel_loop3A_88] {strides = array<i32>} : memref<8x2048xi32, #tpu.memory_space<vmem>>, vector<16xi32>,
      %parallel_loop3A_90 = arith.addi %parallel_loop3A_85, %parallel_loop3A_89 : vector<16xi32>
      %parallel_loop3A_91 = arith.constant 5 : i32
      %parallel_loop3A_92 = arith.index_cast %parallel_loop3A_91 : i32 to index
      %parallel_loop3A_93 = arith.index_cast %parallel_loop3A_66 : i32 to index
      %parallel_loop3A_94 = tpu.vector_load %arg12[%parallel_loop3A_92, %parallel_loop3A_93] {strides = array<i32>} : memref<8x2048xi32, #tpu.memory_space<vmem>>, vector<16xi32>,
      %parallel_loop3A_95 = arith.addi %parallel_loop3A_90, %parallel_loop3A_94 : vector<16xi32>
      %parallel_loop3A_96 = arith.constant 6 : i32
      %parallel_loop3A_97 = arith.index_cast %parallel_loop3A_96 : i32 to index
      %parallel_loop3A_98 = arith.index_cast %parallel_loop3A_66 : i32 to index
      %parallel_loop3A_99 = tpu.vector_load %arg12[%parallel_loop3A_97, %parallel_loop3A_98] {strides = array<i32>} : memref<8x2048xi32, #tpu.memory_space<vmem>>, vector<16xi32>,
      %parallel_loop3A_100 = arith.addi %parallel_loop3A_95, %parallel_loop3A_99 : vector<16xi32>
      %parallel_loop3A_101 = arith.constant 7 : i32
      %parallel_loop3A_102 = arith.index_cast %parallel_loop3A_101 : i32 to index
      %parallel_loop3A_103 = arith.index_cast %parallel_loop3A_66 : i32 to index
      %parallel_loop3A_104 = tpu.vector_load %arg12[%parallel_loop3A_102, %parallel_loop3A_103] {strides = array<i32>} : memref<8x2048xi32, #tpu.memory_space<vmem>>, vector<16xi32>,
      %parallel_loop3A_105 = arith.addi %parallel_loop3A_100, %parallel_loop3A_104 : vector<16xi32>
      %parallel_loop3A_106 = arith.index_cast %parallel_loop3A_66 : i32 to index
      %parallel_loop3A_107 = tpu.vector_load %arg13[%parallel_loop3A_106] {strides = array<i32>} : memref<2048xi32, #tpu.memory_space<vmem>>, vector<16xi32>,
      %parallel_loop3A_108 = arith.addi %parallel_loop3A_107, %parallel_loop3A_105 : vector<16xi32>
      %parallel_loop3A_109 = arith.index_cast %parallel_loop3A_66 : i32 to index
      %parallel_loop3A_110 = tpu.vector_load %arg13[%parallel_loop3A_109] {strides = array<i32>} : memref<2048xi32, #tpu.memory_space<vmem>>, vector<16xi32>,
      tpu.vector_store %arg13[%parallel_loop3A_109], %parallel_loop3A_108 {strides = array<i32>} : memref<2048xi32, #tpu.memory_space<vmem>>, vector<16xi32>,
    } {sc.loop_unroll_factor = 4 : i64, sc.parallel_access}
    %mul3A_59 = arith.constant 2048 : i32
    %mul3A_60 = arith.muli %arg1, %mul3A_59 : i32
    %add3A_61 = arith.constant 32768 : i32
    %add3A_62 = arith.addi %add3A_61, %mul3A_60 : i32
    "tpu.region"() ({
      %run_scoped3A = tpu.sem_alloc : memref<!tpu.dma_semaphore, #tpu.memory_space<semaphore_mem>>
      %dma_start3A_64 = tpu.memref_slice %arg4[%arg0, %add3A_62] : memref<2x65536xi32, #tpu.memory_space<hbm>> -> memref<1x2048xi32, #tpu.memory_space<hbm>>
      %dma_start3A_65 = tpu.memref_squeeze %dma_start3A_64 : memref<1x2048xi32, #tpu.memory_space<hbm>> -> memref<2048xi32, #tpu.memory_space<hbm>>
      %dma_start3A_66 = tpu.memref_slice %arg4[%arg0, %add3A_62] : memref<2x65536xi32, #tpu.memory_space<hbm>> -> memref<1x2048xi32, #tpu.memory_space<hbm>>
      %dma_start3A_67 = tpu.memref_squeeze %dma_start3A_66 : memref<1x2048xi32, #tpu.memory_space<hbm>> -> memref<2048xi32, #tpu.memory_space<hbm>>
      tpu.enqueue_dma source(%arg13 : memref<2048xi32, #tpu.memory_space<vmem>>) target(%dma_start3A_67 : memref<2048xi32, #tpu.memory_space<hbm>>) target_semaphore(%run_scoped3A : memref<!tpu.dma_semaphore, #tpu.memory_space<semaphore_mem>>)
      %dma_wait3A = tpu.memref_slice %arg4[%arg0, %add3A_62] : memref<2x65536xi32, #tpu.memory_space<hbm>> -> memref<1x2048xi32, #tpu.memory_space<hbm>>
      %dma_wait3A_68 = tpu.memref_squeeze %dma_wait3A : memref<1x2048xi32, #tpu.memory_space<hbm>> -> memref<2048xi32, #tpu.memory_space<hbm>>
      %dma_wait3A_69 = tpu.memref_slice %arg4[%arg0, %add3A_62] : memref<2x65536xi32, #tpu.memory_space<hbm>> -> memref<1x2048xi32, #tpu.memory_space<hbm>>
      %dma_wait3A_70 = tpu.memref_squeeze %dma_wait3A_69 : memref<1x2048xi32, #tpu.memory_space<hbm>> -> memref<2048xi32, #tpu.memory_space<hbm>>
      tpu.wait_dma2 semaphore(%run_scoped3A : memref<!tpu.dma_semaphore, #tpu.memory_space<semaphore_mem>>) src(%arg13 : memref<2048xi32, #tpu.memory_space<vmem>>) dst(%dma_wait3A_70 : memref<2048xi32, #tpu.memory_space<hbm>>)
      tpu.yield
    }) : () -> ()
    %barrier3A_63 = arith.constant 0 : index
    tpu.barrier barrier_id(%barrier3A_63)
    return
  }
}

module attributes {stable_mosaic.version = 14 : i64} {
  func.func @_mask_body(%arg0: i32, %arg1: memref<2x512x128xi32, #tpu.memory_space<vmem>>, %arg2: memref<32x16xi32, #tpu.memory_space<vmem>>, %arg3: memref<1x1xi32, #tpu.memory_space<smem>>, %arg4: memref<1x1xi32, #tpu.memory_space<smem>>, %arg5: memref<1x1xf32, #tpu.memory_space<smem>>, %arg6: memref<8x32768xf32, #tpu.memory_space<vmem>>, %arg7: memref<8x32768xf32, #tpu.memory_space<vmem>>, %arg8: memref<1x1xf32, #tpu.memory_space<smem>>) attributes {dimension_semantics = [#tpu.dimension_semantics<arbitrary>], iteration_bounds = array<i64: 16>, scalar_prefetch = 0 : i64, scratch_operands = 1 : i64, tpu.core_type = #tpu.core_type<tc>, window_params = [{pipeline_mode = #tpu.pipeline_mode<synchronous>, transform_indices = @transform_0, window_bounds = array<i64: 2, 512, 128>}, {pipeline_mode = #tpu.pipeline_mode<synchronous>, transform_indices = @transform_1, window_bounds = array<i64: 32, 16>}, {transform_indices = @transform_2, window_bounds = array<i64: 1, 1>}, {transform_indices = @transform_3, window_bounds = array<i64: 1, 1>}, {transform_indices = @transform_4, window_bounds = array<i64: 1, 1>}, {transform_indices = @transform_5, window_bounds = array<i64: 8, 32768>}, {transform_indices = @transform_6, window_bounds = array<i64: 8, 32768>}]} {
    %eq3A = arith.constant 0 : i32
    %eq3A_0 = arith.cmpi eq, %arg0, %eq3A : i32
    %convert_element_type3A = arith.extui %eq3A_0 : i1 to i32
    %cond3A = arith.constant 0 : i32
    %cond3A_1 = arith.cmpi ne, %convert_element_type3A, %cond3A : i32
    scf.if %cond3A_1 {
      %get3A_13 = arith.constant 0 : index
      %get3A_14 = arith.constant 0 : index
      %get3A_15 = memref.load %arg3[%get3A_13, %get3A_14] : memref<1x1xi32, #tpu.memory_space<smem>>
      %get3A_16 = arith.constant 0 : index
      %get3A_17 = arith.constant 0 : index
      %get3A_18 = memref.load %arg4[%get3A_16, %get3A_17] : memref<1x1xi32, #tpu.memory_space<smem>>
      %get3A_19 = arith.constant 0 : index
      %get3A_20 = arith.constant 0 : index
      %get3A_21 = arith.constant 0 : index
      %get3A_22 = vector.load %arg1[%get3A_19, %get3A_20, %get3A_21] : memref<2x512x128xi32, #tpu.memory_space<vmem>>, vector<1x512x128xi32>
      %get3A_23 = vector.shape_cast %get3A_22 : vector<1x512x128xi32> to vector<512x128xi32>
      %get3A_24 = arith.constant 1 : index
      %get3A_25 = arith.constant 0 : index
      %get3A_26 = arith.constant 0 : index
      %get3A_27 = vector.load %arg1[%get3A_24, %get3A_25, %get3A_26] : memref<2x512x128xi32, #tpu.memory_space<vmem>>, vector<1x512x128xi32>
      %get3A_28 = vector.shape_cast %get3A_27 : vector<1x512x128xi32> to vector<512x128xi32>
      %add3A = arith.addi %get3A_23, %get3A_28 : vector<512x128xi32>
      %reduce_sum3A = vector.shape_cast %add3A : vector<512x128xi32> to vector<1x512x128xi32>
      %reduce_sum3A_29 = arith.constant dense<0> : vector<1xi32>
      %reduce_sum3A_30 = vector.multi_reduction <add>, %reduce_sum3A, %reduce_sum3A_29 [1, 2] : vector<1x512x128xi32> to vector<1xi32>
      %reduce_sum3A_31 = vector.shape_cast %reduce_sum3A_30 : vector<1xi32> to vector<1x1x1xi32>
      %reduce_sum3A_32 = vector.extract %reduce_sum3A_31[0, 0, 0] : i32 from vector<1x1x1xi32>
      %sub3A = arith.constant 3145727 : i32
      %sub3A_33 = arith.subi %sub3A, %get3A_18 : i32
      %iota3A = tpu.iota {dimensions = array<i32: 0>} : vector<512x128xi32>
      %mul3A = arith.constant 128 : i32
      %mul3A_34 = vector.broadcast %mul3A : i32 to vector<512x128xi32>
      %mul3A_35 = arith.muli %iota3A, %mul3A_34 : vector<512x128xi32>
      %iota3A_36 = tpu.iota {dimensions = array<i32: 1>} : vector<512x128xi32>
      %add3A_37 = arith.addi %mul3A_35, %iota3A_36 : vector<512x128xi32>
      %scan3A = arith.constant 0 : i32
      %scan3A_38 = arith.constant 0 : i32
      %scan3A_39 = arith.constant 16 : i32
      %scan3A_40 = arith.addi %scan3A_38, %scan3A_39 : i32
      %scan3A_41 = arith.constant 1 : i32
      %scan3A_42 = scf.for %scan3A_99 = %scan3A_38 to %scan3A_40 step %scan3A_41 iter_args(%scan3A_100 = %scan3A) -> (i32)  : i32 {
        %sub3A_101 = arith.constant 15 : i32
        %sub3A_102 = arith.subi %sub3A_101, %scan3A_99 : i32
        %shift_left3A_103 = arith.constant 1 : i32
        %shift_left3A_104 = arith.shli %shift_left3A_103, %sub3A_102 : i32
        %or3A_105 = arith.ori %scan3A_100, %shift_left3A_104 : i32
        %lt3A_106 = vector.broadcast %or3A_105 : i32 to vector<512x128xi32>
        %lt3A_107 = arith.cmpi slt, %add3A_37, %lt3A_106 : vector<512x128xi32>
        %jit3A = arith.constant 0 : i32
        %broadcast_in_dim3A_108 = vector.broadcast %jit3A : i32 to vector<512x128xi32>
        %select_n3A_109 = arith.select %lt3A_107, %add3A, %broadcast_in_dim3A_108 : vector<512x128xi1>, vector<512x128xi32>
        %reduce_sum3A_110 = vector.shape_cast %select_n3A_109 : vector<512x128xi32> to vector<1x512x128xi32>
        %reduce_sum3A_111 = arith.constant dense<0> : vector<1xi32>
        %reduce_sum3A_112 = vector.multi_reduction <add>, %reduce_sum3A_110, %reduce_sum3A_111 [1, 2] : vector<1x512x128xi32> to vector<1xi32>
        %reduce_sum3A_113 = vector.shape_cast %reduce_sum3A_112 : vector<1xi32> to vector<1x1x1xi32>
        %reduce_sum3A_114 = vector.extract %reduce_sum3A_113[0, 0, 0] : i32 from vector<1x1x1xi32>
        %gt3A_115 = arith.cmpi sgt, %reduce_sum3A_114, %sub3A_33 : i32
        %select_n3A_116 = arith.select %gt3A_115, %scan3A_100, %or3A_105 : i32
        scf.yield %select_n3A_116 : i32
      }
      %scan3A_43 = arith.constant 16 : i32
      %add3A_44 = arith.constant 1 : i32
      %add3A_45 = arith.addi %sub3A_33, %add3A_44 : i32
      %iota3A_46 = tpu.iota {dimensions = array<i32: 0>} : vector<512x128xi32>
      %mul3A_47 = arith.constant 128 : i32
      %mul3A_48 = vector.broadcast %mul3A_47 : i32 to vector<512x128xi32>
      %mul3A_49 = arith.muli %iota3A_46, %mul3A_48 : vector<512x128xi32>
      %iota3A_50 = tpu.iota {dimensions = array<i32: 1>} : vector<512x128xi32>
      %add3A_51 = arith.addi %mul3A_49, %iota3A_50 : vector<512x128xi32>
      %scan3A_52 = arith.constant 0 : i32
      %scan3A_53 = arith.constant 0 : i32
      %scan3A_54 = arith.constant 16 : i32
      %scan3A_55 = arith.addi %scan3A_53, %scan3A_54 : i32
      %scan3A_56 = arith.constant 1 : i32
      %scan3A_57 = scf.for %scan3A_99 = %scan3A_53 to %scan3A_55 step %scan3A_56 iter_args(%scan3A_100 = %scan3A_52) -> (i32)  : i32 {
        %sub3A_101 = arith.constant 15 : i32
        %sub3A_102 = arith.subi %sub3A_101, %scan3A_99 : i32
        %shift_left3A_103 = arith.constant 1 : i32
        %shift_left3A_104 = arith.shli %shift_left3A_103, %sub3A_102 : i32
        %or3A_105 = arith.ori %scan3A_100, %shift_left3A_104 : i32
        %lt3A_106 = vector.broadcast %or3A_105 : i32 to vector<512x128xi32>
        %lt3A_107 = arith.cmpi slt, %add3A_51, %lt3A_106 : vector<512x128xi32>
        %jit3A = arith.constant 0 : i32
        %broadcast_in_dim3A_108 = vector.broadcast %jit3A : i32 to vector<512x128xi32>
        %select_n3A_109 = arith.select %lt3A_107, %add3A, %broadcast_in_dim3A_108 : vector<512x128xi1>, vector<512x128xi32>
        %reduce_sum3A_110 = vector.shape_cast %select_n3A_109 : vector<512x128xi32> to vector<1x512x128xi32>
        %reduce_sum3A_111 = arith.constant dense<0> : vector<1xi32>
        %reduce_sum3A_112 = vector.multi_reduction <add>, %reduce_sum3A_110, %reduce_sum3A_111 [1, 2] : vector<1x512x128xi32> to vector<1xi32>
        %reduce_sum3A_113 = vector.shape_cast %reduce_sum3A_112 : vector<1xi32> to vector<1x1x1xi32>
        %reduce_sum3A_114 = vector.extract %reduce_sum3A_113[0, 0, 0] : i32 from vector<1x1x1xi32>
        %gt3A_115 = arith.cmpi sgt, %reduce_sum3A_114, %add3A_45 : i32
        %select_n3A_116 = arith.select %gt3A_115, %scan3A_100, %or3A_105 : i32
        scf.yield %select_n3A_116 : i32
      }
      %scan3A_58 = arith.constant 16 : i32
      %get3A_59 = arith.constant 0 : index
      %get3A_60 = arith.constant 0 : index
      %get3A_61 = vector.load %arg2[%get3A_59, %get3A_60] : memref<32x16xi32, #tpu.memory_space<vmem>>, vector<32x16xi32>
      %reduce_min3A = vector.shape_cast %get3A_61 : vector<32x16xi32> to vector<1x32x16xi32>
      %reduce_min3A_62 = arith.constant dense<2147483647> : vector<1xi32>
      %reduce_min3A_63 = vector.multi_reduction <minsi>, %reduce_min3A, %reduce_min3A_62 [1, 2] : vector<1x32x16xi32> to vector<1xi32>
      %reduce_min3A_64 = vector.shape_cast %reduce_min3A_63 : vector<1xi32> to vector<1x1x1xi32>
      %reduce_min3A_65 = vector.extract %reduce_min3A_64[0, 0, 0] : i32 from vector<1x1x1xi32>
      %shift_left3A = arith.constant 16 : i32
      %shift_left3A_66 = arith.shli %get3A_15, %shift_left3A : i32
      %or3A = arith.ori %shift_left3A_66, %scan3A_42 : i32
      %xor3A = arith.constant -2147483648 : i32
      %xor3A_67 = arith.xori %or3A, %xor3A : i32
      %add3A_68 = arith.constant 1 : i32
      %add3A_69 = arith.addi %sub3A_33, %add3A_68 : i32
      %lt3A = arith.cmpi slt, %add3A_69, %reduce_sum3A_32 : i32
      %or3A_70 = arith.ori %shift_left3A_66, %scan3A_57 : i32
      %xor3A_71 = arith.constant -2147483648 : i32
      %xor3A_72 = arith.xori %or3A_70, %xor3A_71 : i32
      %select_n3A_73 = arith.select %lt3A, %xor3A_72, %reduce_min3A_65 : i32
      %xor3A_74 = arith.constant -2147483648 : i32
      %xor3A_75 = arith.xori %xor3A_67, %xor3A_74 : i32
      %lt3A_76 = arith.constant 0 : i32
      %lt3A_77 = arith.cmpi slt, %xor3A_75, %lt3A_76 : i32
      %and3A = arith.constant 2147483647 : i32
      %and3A_78 = arith.andi %xor3A_75, %and3A : i32
      %not3A = arith.constant -1 : i32
      %not3A_79 = arith.xori %xor3A_75, %not3A : i32
      %select_n3A_80 = arith.select %lt3A_77, %and3A_78, %not3A_79 : i32
      %bitcast_convert_type3A = arith.bitcast %select_n3A_80 : i32 to f32
      %xor3A_81 = arith.constant -2147483648 : i32
      %xor3A_82 = arith.xori %select_n3A_73, %xor3A_81 : i32
      %lt3A_83 = arith.constant 0 : i32
      %lt3A_84 = arith.cmpi slt, %xor3A_82, %lt3A_83 : i32
      %and3A_85 = arith.constant 2147483647 : i32
      %and3A_86 = arith.andi %xor3A_82, %and3A_85 : i32
      %not3A_87 = arith.constant -1 : i32
      %not3A_88 = arith.xori %xor3A_82, %not3A_87 : i32
      %select_n3A_89 = arith.select %lt3A_84, %and3A_86, %not3A_88 : i32
      %bitcast_convert_type3A_90 = arith.bitcast %select_n3A_89 : i32 to f32
      %mul3A_91 = arith.constant 7.500000e-01 : f32
      %mul3A_92 = arith.mulf %bitcast_convert_type3A, %mul3A_91 : f32
      %mul3A_93 = arith.constant 2.500000e-01 : f32
      %mul3A_94 = arith.mulf %bitcast_convert_type3A_90, %mul3A_93 : f32
      %add3A_95 = arith.addf %mul3A_92, %mul3A_94 : f32
      %swap3A_96 = arith.constant 0 : index
      %swap3A_97 = arith.constant 0 : index
      %swap3A_98 = memref.load %arg8[%swap3A_96, %swap3A_97] : memref<1x1xf32, #tpu.memory_space<smem>>
      memref.store %add3A_95, %arg8[%swap3A_96, %swap3A_97] : memref<1x1xf32, #tpu.memory_space<smem>>
    } else {
    }
    %get3A = arith.constant 0 : index
    %get3A_2 = arith.constant 0 : index
    %get3A_3 = memref.load %arg8[%get3A, %get3A_2] : memref<1x1xf32, #tpu.memory_space<smem>>
    %get3A_4 = arith.constant 0 : index
    %get3A_5 = arith.constant 0 : index
    %get3A_6 = memref.load %arg5[%get3A_4, %get3A_5] : memref<1x1xf32, #tpu.memory_space<smem>>
    %get3A_7 = arith.constant 0 : index
    %get3A_8 = arith.constant 0 : index
    %get3A_9 = vector.load %arg6[%get3A_7, %get3A_8] : memref<8x32768xf32, #tpu.memory_space<vmem>>, vector<8x32768xf32>
    %gt3A = vector.broadcast %get3A_3 : f32 to vector<8x32768xf32>
    %gt3A_10 = arith.cmpf ogt, %get3A_9, %gt3A : vector<8x32768xf32>
    %broadcast_in_dim3A = vector.broadcast %get3A_6 : f32 to vector<8x32768xf32>
    %select_n3A = arith.select %gt3A_10, %broadcast_in_dim3A, %get3A_9 : vector<8x32768xi1>, vector<8x32768xf32>
    %swap3A = arith.constant 0 : index
    %swap3A_11 = arith.constant 0 : index
    %swap3A_12 = vector.load %arg7[%swap3A, %swap3A_11] : memref<8x32768xf32, #tpu.memory_space<vmem>>, vector<8x32768xf32>
    tpu.vector_store %arg7[%swap3A, %swap3A_11], %select_n3A {strides = array<i32>} : memref<8x32768xf32, #tpu.memory_space<vmem>>, vector<8x32768xf32>,
    return
  }
  func.func @transform_0(%arg0: i32) -> (i32, i32, i32) {
    %c0_i32 = arith.constant 0 : i32
    %c0_i32_0 = arith.constant 0 : i32
    %c0_i32_1 = arith.constant 0 : i32
    %c0_i32_2 = arith.constant 0 : i32
    return %c0_i32, %c0_i32_0, %c0_i32_1 : i32, i32, i32
  }
  func.func @transform_1(%arg0: i32) -> (i32, i32) {
    %c0_i32 = arith.constant 0 : i32
    %c0_i32_0 = arith.constant 0 : i32
    %c0_i32_1 = arith.constant 0 : i32
    return %c0_i32, %c0_i32_0 : i32, i32
  }
  func.func @transform_2(%arg0: i32) -> (i32, i32) {
    %c0_i32 = arith.constant 0 : i32
    %c0_i32_0 = arith.constant 0 : i32
    %c0_i32_1 = arith.constant 0 : i32
    return %c0_i32, %c0_i32_0 : i32, i32
  }
  func.func @transform_3(%arg0: i32) -> (i32, i32) {
    %c0_i32 = arith.constant 0 : i32
    %c0_i32_0 = arith.constant 0 : i32
    %c0_i32_1 = arith.constant 0 : i32
    return %c0_i32, %c0_i32_0 : i32, i32
  }
  func.func @transform_4(%arg0: i32) -> (i32, i32) {
    %c0_i32 = arith.constant 0 : i32
    %c0_i32_0 = arith.constant 0 : i32
    %c0_i32_1 = arith.constant 0 : i32
    return %c0_i32, %c0_i32_0 : i32, i32
  }
  func.func @transform_5(%arg0: i32) -> (i32, i32) {
    %c0_i32 = arith.constant 0 : i32
    %c0_i32_0 = arith.constant 0 : i32
    return %arg0, %c0_i32 : i32, i32
  }
  func.func @transform_6(%arg0: i32) -> (i32, i32) {
    %c0_i32 = arith.constant 0 : i32
    %c0_i32_0 = arith.constant 0 : i32
    return %arg0, %c0_i32 : i32, i32
  }
}

module attributes {stable_mosaic.version = 14 : i64} {
  func.func @_an1_body(%arg0: memref<2x512x128xi32, #tpu.memory_space<vmem>>, %arg1: memref<32x16xf32, #tpu.memory_space<vmem>>, %arg2: memref<16xi32, #tpu.memory_space<vmem>>, %arg3: memref<1x1xi32, #tpu.memory_space<smem>>, %arg4: memref<1x1xi32, #tpu.memory_space<smem>>, %arg5: memref<1x1xf32, #tpu.memory_space<smem>>) attributes {dimension_semantics = [], scalar_prefetch = 0 : i64, scratch_operands = 0 : i64, tpu.core_type = #tpu.core_type<tc>} {
    %get3A = arith.constant 0 : index
    %get3A_0 = arith.constant 0 : index
    %get3A_1 = arith.constant 0 : index
    %get3A_2 = vector.load %arg0[%get3A, %get3A_0, %get3A_1] : memref<2x512x128xi32, #tpu.memory_space<vmem>>, vector<1x512x128xi32>
    %get3A_3 = vector.shape_cast %get3A_2 : vector<1x512x128xi32> to vector<512x128xi32>
    %get3A_4 = arith.constant 1 : index
    %get3A_5 = arith.constant 0 : index
    %get3A_6 = arith.constant 0 : index
    %get3A_7 = vector.load %arg0[%get3A_4, %get3A_5, %get3A_6] : memref<2x512x128xi32, #tpu.memory_space<vmem>>, vector<1x512x128xi32>
    %get3A_8 = vector.shape_cast %get3A_7 : vector<1x512x128xi32> to vector<512x128xi32>
    %add3A = arith.addi %get3A_3, %get3A_8 : vector<512x128xi32>
    %iota3A = tpu.iota {dimensions = array<i32: 0>} : vector<512x128xi32>
    %mul3A = arith.constant 128 : i32
    %mul3A_9 = vector.broadcast %mul3A : i32 to vector<512x128xi32>
    %mul3A_10 = arith.muli %iota3A, %mul3A_9 : vector<512x128xi32>
    %iota3A_11 = tpu.iota {dimensions = array<i32: 1>} : vector<512x128xi32>
    %add3A_12 = arith.addi %mul3A_10, %iota3A_11 : vector<512x128xi32>
    %scan3A = arith.constant 3145727 : i32
    %scan3A_13 = arith.constant 0 : i32
    %scan3A_14 = arith.constant 0 : i32
    %scan3A_15 = arith.constant 16 : i32
    %scan3A_16 = arith.addi %scan3A_14, %scan3A_15 : i32
    %scan3A_17 = arith.constant 1 : i32
    %scan3A_18 = scf.for %scan3A_45 = %scan3A_14 to %scan3A_16 step %scan3A_17 iter_args(%scan3A_46 = %scan3A_13) -> (i32)  : i32 {
      %sub3A = arith.constant 15 : i32
      %sub3A_47 = arith.subi %sub3A, %scan3A_45 : i32
      %shift_left3A = arith.constant 1 : i32
      %shift_left3A_48 = arith.shli %shift_left3A, %sub3A_47 : i32
      %or3A = arith.ori %scan3A_46, %shift_left3A_48 : i32
      %lt3A_49 = vector.broadcast %or3A : i32 to vector<512x128xi32>
      %lt3A_50 = arith.cmpi slt, %add3A_12, %lt3A_49 : vector<512x128xi32>
      %jit3A_51 = arith.constant 0 : i32
      %broadcast_in_dim3A_52 = vector.broadcast %jit3A_51 : i32 to vector<512x128xi32>
      %select_n3A_53 = arith.select %lt3A_50, %add3A, %broadcast_in_dim3A_52 : vector<512x128xi1>, vector<512x128xi32>
      %reduce_sum3A_54 = vector.shape_cast %select_n3A_53 : vector<512x128xi32> to vector<1x512x128xi32>
      %reduce_sum3A_55 = arith.constant dense<0> : vector<1xi32>
      %reduce_sum3A_56 = vector.multi_reduction <add>, %reduce_sum3A_54, %reduce_sum3A_55 [1, 2] : vector<1x512x128xi32> to vector<1xi32>
      %reduce_sum3A_57 = vector.shape_cast %reduce_sum3A_56 : vector<1xi32> to vector<1x1x1xi32>
      %reduce_sum3A_58 = vector.extract %reduce_sum3A_57[0, 0, 0] : i32 from vector<1x1x1xi32>
      %gt3A = arith.cmpi sgt, %reduce_sum3A_58, %scan3A : i32
      %select_n3A_59 = arith.select %gt3A, %scan3A_46, %or3A : i32
      scf.yield %select_n3A_59 : i32
    }
    %scan3A_19 = arith.constant 16 : i32
    %lt3A = vector.broadcast %scan3A_18 : i32 to vector<512x128xi32>
    %lt3A_20 = arith.cmpi slt, %add3A_12, %lt3A : vector<512x128xi32>
    %jit3A = arith.constant 0 : i32
    %broadcast_in_dim3A = vector.broadcast %jit3A : i32 to vector<512x128xi32>
    %select_n3A = arith.select %lt3A_20, %add3A, %broadcast_in_dim3A : vector<512x128xi1>, vector<512x128xi32>
    %reduce_sum3A = vector.shape_cast %select_n3A : vector<512x128xi32> to vector<1x512x128xi32>
    %reduce_sum3A_21 = arith.constant dense<0> : vector<1xi32>
    %reduce_sum3A_22 = vector.multi_reduction <add>, %reduce_sum3A, %reduce_sum3A_21 [1, 2] : vector<1x512x128xi32> to vector<1xi32>
    %reduce_sum3A_23 = vector.shape_cast %reduce_sum3A_22 : vector<1xi32> to vector<1x1x1xi32>
    %reduce_sum3A_24 = vector.extract %reduce_sum3A_23[0, 0, 0] : i32 from vector<1x1x1xi32>
    %broadcast_in_dim3A_25 = vector.broadcast %scan3A_18 : i32 to vector<16xi32>
    %swap3A = arith.constant 0 : index
    %swap3A_26 = vector.load %arg2[%swap3A] : memref<16xi32, #tpu.memory_space<vmem>>, vector<16xi32>
    tpu.vector_store %arg2[%swap3A], %broadcast_in_dim3A_25 {strides = array<i32>} : memref<16xi32, #tpu.memory_space<vmem>>, vector<16xi32>,
    %swap3A_27 = arith.constant 0 : index
    %swap3A_28 = arith.constant 0 : index
    %swap3A_29 = memref.load %arg3[%swap3A_27, %swap3A_28] : memref<1x1xi32, #tpu.memory_space<smem>>
    memref.store %scan3A_18, %arg3[%swap3A_27, %swap3A_28] : memref<1x1xi32, #tpu.memory_space<smem>>
    %swap3A_30 = arith.constant 0 : index
    %swap3A_31 = arith.constant 0 : index
    %swap3A_32 = memref.load %arg4[%swap3A_30, %swap3A_31] : memref<1x1xi32, #tpu.memory_space<smem>>
    memref.store %reduce_sum3A_24, %arg4[%swap3A_30, %swap3A_31] : memref<1x1xi32, #tpu.memory_space<smem>>
    %get3A_33 = arith.constant 0 : index
    %get3A_34 = arith.constant 0 : index
    %get3A_35 = vector.load %arg1[%get3A_33, %get3A_34] : memref<32x16xf32, #tpu.memory_space<vmem>>, vector<32x16xf32>
    %reduce_sum3A_36 = vector.shape_cast %get3A_35 : vector<32x16xf32> to vector<1x32x16xf32>
    %reduce_sum3A_37 = arith.constant dense<0.000000e+00> : vector<1xf32>
    %reduce_sum3A_38 = vector.multi_reduction <add>, %reduce_sum3A_36, %reduce_sum3A_37 [1, 2] : vector<1x32x16xf32> to vector<1xf32>
    %reduce_sum3A_39 = vector.shape_cast %reduce_sum3A_38 : vector<1xf32> to vector<1x1x1xf32>
    %reduce_sum3A_40 = vector.extract %reduce_sum3A_39[0, 0, 0] : f32 from vector<1x1x1xf32>
    %div3A = arith.constant 0x4A800000 : f32
    %div3A_41 = arith.divf %reduce_sum3A_40, %div3A : f32
    %swap3A_42 = arith.constant 0 : index
    %swap3A_43 = arith.constant 0 : index
    %swap3A_44 = memref.load %arg5[%swap3A_42, %swap3A_43] : memref<1x1xf32, #tpu.memory_space<smem>>
    memref.store %div3A_41, %arg5[%swap3A_42, %swap3A_43] : memref<1x1xf32, #tpu.memory_space<smem>>
    return
  }
}

</mosaic_0001>

<sc_bundles>
// kernel: kernel.6.cloned.1.call-start
scs
__scs_entry_jumppad:
0x0: {  	(pc) =	sbr.rel $0x88, $3  }
0x1: {  	(tag) =	ssettag $0x0;
	lr =	simm.s32 $0x1  }
0x2: {  	[smem:$0x3FA0] =	sst lr;
	_ =	strace $0xD0000000  }
0x3: {  	_ = 	snop  }
0x4: {  	_ = 	snop  }
0x5: {  	_ = 	snop  }
0x6: {  	_ = 	snop  }
0x7: {  	_ = 	snop  }
__scs_overlays_trampoline_lowered:
0x8: {  	[smem:$0x3FAF] =	sst s0  }
0x9: {  	[smem:$0x3FB0] =	sst s1  }
0xa: {  	[smem:$0x3FB1] =	sst s2  }
0xb: {  	[smem:$0x3FB2] =	sst s3  }
0xc: {  	[smem:$0x3FB3] =	sst s4  }
0xd: {  	[smem:$0x3FB4] =	sst s5  }
0xe: {  	[smem:$0x3FB5] =	sst s6  }
0xf: {  	[smem:$0x3FB6] =	sst s7  }
0x10: {  	[smem:$0x3FB7] =	sst s8  }
0x11: {  	[smem:$0x3FB8] =	sst s9;
	s0 =	simm.s32 @!p0 $0x0  }
0x12: {  	s1 =	sld [smem:$0x3F9E];
	s0 =	simm.s32 @p0 $0x1  }
0x13: {  	[smem:$0x3FB9] =	sst s0;
	s0 =	simm.s32 @!p1 $0x0  }
0x14: {  	s2 =	sld [smem:$0x3F9D];
	s0 =	simm.s32 @p1 $0x1  }
0x15: {  	[smem:$0x3FBA] =	sst s0;
	s0 =	simm.s32 @!p2 $0x0  }
0x16: {  	s3 =	sld [smem:$0x3FDB];
	s0 =	simm.s32 @p2 $0x1  }
0x17: {  	s4 =	simm.s32 $0x1BF5;
	[smem:$0x3FBC] =	sst s0  }
0x18: {  	s0 =	sld [smem:$0x3F9F];
	_ =	swait.ge [sflag:s4], $0x0  }
0x19: {  	s7 =	sld [smem:$0x3FA0]  }
0x1a: {  	s8 =	sadd.s32 $0xFFFFE003, lr  }
0x1b: {  	s9 =	sadd.s32 $0xFFFFFEF7, lr;
	s5 =	simm.s32 $0xFFFFFFFF;
	p2 =	slt.u32 s8, $0xFFFFF086  }
0x1c: {  	p1 =	slt.u32 s9, $0xF7A;
	s5 =	simm.s32 @!p2 $0x0  }
0x1d: {  	s5 =	simm.s32 @p1 $0x1;
	p0 =	seq.s32 s7, s2  }
0x1e: {  	s7 =	smul.u32 @!p0 $0xF7A, s2;
	p2 =	seq.s32 @!p0 s5, $0x0  }
0x1f: {  	s9 =	smul.u32 $0xF7A, s1;
	s8 =	simm.s32 @!p0 $0x1BF5;
	p2 =	por !p2, p0  }
0x20: {  	[sflag:s8] =	ssyncset.s32 @!p0 $0xFFFFF086;
	s6 =	sadd.s32 @!p0 s3, s7;
	s7 =	simm.s32 @!p0 $0x108  }
0x21: {  	s3 =	sadd.s32 s3, s9;
	s6 =	sadd.s32 @!p0 $0x88, s6;
	s7 =	simm.s32 @p2 $0x1082  }
0x22: {  	[simem:s7], [sflag:s8] =	dma.local @!p0 [hbm:s6], $0xF7A  }
0x23: {  	s9 =	sor.u32 $0xD0000000, s2;
	s6 =	simm.s32 $0x108;
	_ =	swait.ge @!p0 [sflag:s8], $0x0  }
0x24: {  	s3 =	sadd.s32 $0x88, s3;
	s6 =	simm.s32 @!p1 $0x1082;
	[sflag:s4] =	ssyncset.s32 $0xFFFFF086  }
0x25: {  	[simem:s6], [sflag:s4] =	dma.local [hbm:s3], $0xF7A  }
0x26: {  	[smem:$0x3FA0] =	sst s1;
	(tag) =	ssettag s2;
	_ =	strace s9  }
0x27: {  	s1 =	sld [smem:$0x3FB0]  }
0x28: {  	s2 =	sld [smem:$0x3FB1]  }
0x29: {  	s4 =	sld [smem:$0x3FB3]  }
0x2a: {  	p0 =	seq.s32 s5, $0x0;
	s5 =	sld [smem:$0x3FB4]  }
0x2b: {  	s6 =	sld [smem:$0x3FB5]  }
0x2c: {  	s7 =	sld [smem:$0x3FB6]  }
0x2d: {  	s3 =	simm.s32 $0x108;
	s8 =	sld [smem:$0x3FB7]  }
0x2e: {  	s3 =	simm.s32 @!p0 $0x1082;
	s9 =	sld [smem:$0x3FB8]  }
0x2f: {  	lr =	sadd.s32 s0, s3;
	s0 =	sld [smem:$0x3FAF]  }
0x30: {  	s3 =	sld [smem:$0x3FB2]  }
0x31: {  	[smem:$0x3FBB] =	sst s10  }
0x32: {  	s10 =	sld [smem:$0x3FB9];
	_ =	sdelay $0x3  }
0x33: {  	p0 =	seq.s32 s10, $0x1;
	s10 =	sld [smem:$0x3FBB];
	_ =	sdelay $0x3  }
0x34: {  	[smem:$0x3FBB] =	sst s10  }
0x35: {  	s10 =	sld [smem:$0x3FBA];
	_ =	sdelay $0x3  }
0x36: {  	p1 =	seq.s32 s10, $0x1;
	s10 =	sld [smem:$0x3FBB];
	_ =	sdelay $0x3  }
0x37: {  	[smem:$0x3FBB] =	sst s10  }
0x38: {  	s10 =	sld [smem:$0x3FBC]  }
0x39: {  	_ = 	snop;
	(pc) =	sbr.ind lr, $3  }
0x3a: {  	_ = 	snop  }
0x3b: {  	_ = 	snop  }
0x3c: {  	p2 =	seq.s32 s10, $0x1;
	s10 =	sld [smem:$0x3FBB]  }
0x3d: {  	_ =	shalt  }
0x3e: {  	_ =	shalt  }
0x3f: {  	_ =	shalt  }
0x40: {  	_ =	shalt  }
0x41: {  	_ =	shalt  }
0x42: {  	_ =	shalt  }
0x43: {  	_ =	shalt  }
0x44: {  	_ =	shalt  }
0x45: {  	_ =	shalt  }
0x46: {  	_ =	shalt  }
0x47: {  	_ =	shalt  }
0x48: {  	_ =	shalt  }
0x49: {  	_ =	shalt  }
0x4a: {  	_ =	shalt  }
0x4b: {  	_ =	shalt  }
0x4c: {  	_ =	shalt  }
0x4d: {  	_ =	shalt  }
0x4e: {  	_ =	shalt  }
0x4f: {  	_ =	shalt  }
0x50: {  	_ =	shalt  }
0x51: {  	_ =	shalt  }
0x52: {  	_ =	shalt  }
0x53: {  	_ =	shalt  }
0x54: {  	_ =	shalt  }
0x55: {  	_ =	shalt  }
0x56: {  	_ =	shalt  }
0x57: {  	_ =	shalt  }
0x58: {  	_ =	shalt  }
0x59: {  	_ =	shalt  }
0x5a: {  	_ =	shalt  }
0x5b: {  	_ =	shalt  }
0x5c: {  	_ =	shalt  }
0x5d: {  	_ =	shalt  }
0x5e: {  	_ =	shalt  }
0x5f: {  	_ =	shalt  }
0x60: {  	_ =	shalt  }
0x61: {  	_ =	shalt  }
0x62: {  	_ =	shalt  }
0x63: {  	_ =	shalt  }
0x64: {  	_ =	shalt  }
0x65: {  	_ =	shalt  }
0x66: {  	_ =	shalt  }
0x67: {  	_ =	shalt  }
0x68: {  	_ =	shalt  }
0x69: {  	_ =	shalt  }
0x6a: {  	_ =	shalt  }
0x6b: {  	_ =	shalt  }
0x6c: {  	_ =	shalt  }
0x6d: {  	_ =	shalt  }
0x6e: {  	_ =	shalt  }
0x6f: {  	_ =	shalt  }
0x70: {  	_ =	shalt  }
0x71: {  	_ =	shalt  }
0x72: {  	_ =	shalt  }
0x73: {  	_ =	shalt  }
0x74: {  	_ =	shalt  }
0x75: {  	_ =	shalt  }
0x76: {  	_ =	shalt  }
0x77: {  	_ =	shalt  }
0x78: {  	_ =	shalt  }
0x79: {  	_ =	shalt  }
0x7a: {  	_ =	shalt  }
0x7b: {  	_ =	shalt  }
0x7c: {  	_ =	shalt  }
0x7d: {  	_ =	shalt  }
0x7e: {  	_ =	shalt  }
0x7f: {  	_ =	shalt  }
0x80: {  	_ =	shalt  }
0x81: {  	_ =	shalt  }
0x82: {  	_ =	shalt  }
0x83: {  	_ =	shalt  }
0x84: {  	_ =	shalt  }
0x85: {  	_ =	shalt  }
0x86: {  	_ =	shalt  }
0x87: {  	_ =	shalt  }
.Lfunc_end0:
.L_simem_size_0:
called_computation_lowered:
.L_overlay_start_0:
0x88: {  	s2 =	sld [smem:$0x3FD9]  }
0x89: {  	s3 =	sld [smem:$0x3FFE];
	_ =	sdelay $0x1  }
0x8a: {  	s1 =	srdreg.scid  }
0x8b: {  	s0 =	sand.u32 $0x1, s1  }
0x8c: {  	s17 =	sshll.u32 s0, $0xA;
	s2 =	sadd.s32 s3, s2  }
0x8d: {  	s2 =	sadd.s32 s2, s17  }
0x8e: {  	[smem:$0x3FC7] =	sst s2  }
0x8f: {  	_ = 	snop  }
0x90: {  	s2 =	sld [smem:$0x3FC9]  }
0x91: {  	s18 =	sld [smem:$0x3FD0];
	(tm) =	ssettm $0x1  }
0x92: {  	s4 =	sld [smem:$0x3FFB];
	_ =	sdelay $0x3  }
0x93: {  	_ =	strace s4  }
0x94: {  	s4 =	sld [smem:$0x3FFC];
	_ =	sdelay $0x3  }
0x95: {  	_ =	strace s4  }
0x96: {  	s4 =	sld [smem:$0x3FFD];
	_ =	sdelay $0x3  }
0x97: {  	_ =	strace s4  }
0x98: {  	_ =	strace $0x8FFFFFFF  }
0x99: {  	s19 =	sld [smem:$0x3FDB];
	_ =	sdelay $0x1  }
0x9a: {  	s5 =	simm.s32 $_scs_section_size  }
0x9b: {  	s6 =	simm.s32 $_size__tile_overlayer_lowered;
	s7 =	simm.s32 $_tile_overlayer_lowered  }
0x9c: {  	s22 =	simm.s32 $0x1BFF;
	s21 =	sshll.u32 s7, $0x1;
	s4 =	sadd.s32 s5, s19  }
0x9d: {  	s8 =	simm.s32 $0x0;
	s20 =	sshll.u32 s6, $0x1;
	s6 =	sadd.s32 s21, s4  }
0x9e: {  	[timem:s8], [sflag:s22] =	dma.local [hbm:s6], s20  }
0x9f: {  	_ =	swait.ge [sflag:s22], s20  }
0xa0: {  	s5 =	ssub.s32 $0x0, s20;
	[sflag:s22] =	ssyncset.done $0x0  }
0xa1: {  	[sflag:s22] =	ssyncadd.s32 s5;
	_ =	sdelay $0x1  }
0xa2: {  	s23 =	simm.s32 $0x1B8B  }
0xa3: {  	_ =	swait.ge [sflag:s23], $0x1  }
0xa4: {  	[sflag:s23] =	ssyncset.done $0x0  }
0xa5: {  	s25 =	simm.s32 $0x1B8E;
	s24 =	sld [smem:$0x3FFE];
	[sflag:s23] =	ssyncadd.s32 $0xFFFFFFFF  }
0xa6: {  	s26 =	simm.s32 $execute0_lowered;
	[smem:$0x3FD2] =	sst s25  }
0xa7: {  	s6 =	sshll.u32 s26, $0x1;
	_ =	strace $0x80000046;
	[dreg:$0x1] =	wrdreg $0xFFFFFFFF  }
0xa8: {  	s28 =	simm.s32 $_size_execute0_lowered;
	s4 =	sadd.s32 s4, s6;
	[dreg:$0x0] =	wrdreg $0x0  }
0xa9: {  	s6 =	sshll.u32 s28, $0x1;
	[dreg:$0x2] =	wrdreg s4  }
0xaa: {  	[dreg:$0x3] =	wrdreg s6  }
0xab: {  	[dreg:$0x4] =	wrdreg $0xC0  }
0xac: {  	_ =	task [dreg:s8], $0x5FFFF  }
0xad: {  	[dreg:$0x1] =	wrdreg $0xFFFFFFFF  }
0xae: {  	[dreg:$0x0] =	wrdreg $0x60  }
0xaf: {  	[dreg:$0x2] =	wrdreg s2  }
0xb0: {  	[dreg:$0x3] =	wrdreg s18  }
0xb1: {  	[dreg:$0x4] =	wrdreg s24  }
0xb2: {  	[dreg:$0x5] =	wrdreg $0x120800  }
0xb3: {  	[dreg:$0x6] =	wrdreg $0x9  }
0xb4: {  	_ =	task.clear_ibuf [dreg:s8], $0x7FFFF;
	_ =	strace $0x90000046  }
0xb5: {  	s29 =	simm.s32 $0x9;
	_ =	strace $0x80000048  }
0xb6: {  	_ =	swait.ge [sflag:s29], $0x1  }
0xb7: {  	[sflag:s29] =	ssyncadd.s32 $0xFFFFFFFF  }
0xb8: {  	_ =	strace $0x90000048  }
0xb9: {  	_ =	sfence  }
0xba: {  	s30 =	sld [smem:$0x0];
	_ =	sdelay $0x2  }
0xbb: {  	s31 =	sshll.u32 s1, $0xD;
	s1 =	sshrl.u32 s1, $0x2  }
0xbc: {  	s3 =	sand.u32 $0x4000, s31;
	s1 =	sadd.s32 s1, s30  }
0xbd: {  	s0 =	sor.u32 s3, s0;
	s1 =	sshll.u32 s1, $0x11  }
0xbe: {  	s0 =	sor.u32 s1, s0  }
0xbf: {  	s0 =	sadd.s32 $0x8F2B, s0  }
0xc0: {  	[sflag:s0] =	ssyncadd.remote.s32 $0x1  }
0xc1: {  	_ =	sfence.sel $0xFFFF  }
0xc2: {  	[dreg:$0x0] =	wrdreg $0xFFFFFFFF;
	(pc) =	sbr.abs _section_cstart, $3  }
0xc3: {  	[dreg:$0x1] =	wrdreg $0xFFFFFFFF  }
0xc4: {  	_ =	task.clear_ibuf [dreg:s8], $0x2FFFF;
	_ =	strace $0x9FFFFFFF  }
0xc5: {  	(tm) =	ssettm $0x7FFFFFFF  }
tec
execute0_lowered:
.L_overlay_start_1:
0x0: {  	(tag) =	ssettag $0x1  }
0x1: {  	s1 =	rddreg [dreg:$0x0]  }
0x2: {  	s0 =	rddreg [dreg:$0x1]  }
0x3: {  	s2 =	rddreg [dreg:$0x2]  }
0x4: {  	s6 =	rddreg [dreg:$0x3];
	s3 =	simm.s32 $0x0  }
0x5: {  	s4 =	srdreg.scid;
	s11 =	stileid.u32;
	s14 =	simm.s32 $0x80  }
0x6: {  	s15 =	simm.s32 $0x400;
	s16 =	simm.s32 $0x1000;
	s17 =	simm.s32 $0x1  }
0x7: {  	s18 =	simm.s32 $0x2000;
	s19 =	simm.s32 $0x2;
	s21 =	simm.s32 $0x3  }
0x8: {  	[smem:$0x7FF] =	sst s3;
	s7 =	sand.u32 $0x1, s4;
	s22 =	sshll.u32 s11, $0x1  }
0x9: {  	s8 =	sshll.u32 s11, $0xF;
	s28 =	sshll.u32 s11, $0x7;
	s29 =	sshll.u32 s11, $0x9  }
0xa: {  	s30 =	sshll.u32 s11, $0xE;
	_ =	strace $0x80000047;
	s5 =	sor.u32 s7, s22  }
0xb: {  	s23 =	sshll.u32 s7, $0x6;
	s10 =	ssub.s32 $0x2, s7;
	s26 =	sand.u32 $0x40000, s8  }
0xc: {  	s7 =	sshll.u32 s7, $0x4;
	s22 =	simm.s32 $0x1A080;
	s9 =	sshll.u32 s5, $0x4  }
0xd: {  	s4 =	sor.u32 s23, s8;
	s24 =	sshrl.u32 s10, $0x1;
	s5 =	sshll.u32 s5, $0x2  }
0xe: {  	s8 =	sand.u32 $0x380, s28;
	s7 =	sor.u32 s7, s29;
	s4 =	sadd.s32 s1, s4  }
0xf: {  	s2 =	sadd.s32 s9, s2;
	s13 =	ssub.s32 s10, s24;
	s25 =	sadd.s32 $0x1000, s4  }
0x10: {  	s10 =	sadd.s32 s0, s7;
	s2 =	sadd.s32 $0x2800, s2;
	[dreg:$0x5] =	wrdreg s25  }
0x11: {  	s9 =	sadd.s32 s30, s6;
	s0 =	sadd.s32 $0x2000, s10;
	[dreg:$0x6] =	wrdreg s2  }
0x12: {  	s31 =	smax.u32 s13, $0x1;
	s2 =	sadd.s32 s26, s6;
	[dreg:$0x7] =	wrdreg s0  }
0x13: {  	v0 =	vimm.s32 $0x0;
	v1 =	vimm.s32 $0x1;
	s11 =	sadd.s32 $0x40000, s9;
	[dreg:$0x8] =	wrdreg s31;
	s8 =	sadd.s32 s8, s2  }
.LBB2_1:
0x14: {  	s0 =	simm.s32 $0x2040  }
0x15: {  	[tilespmem:s0+$0xFFFFFFC0] =	vst v0  }
0x16: {  	[tilespmem:s0+$0x30] =	vst v0  }
0x17: {  	[tilespmem:s0+$0x20] =	vst v0  }
0x18: {  	[tilespmem:s0+$0x10] =	vst v0  }
0x19: {  	[tilespmem:s0+$0x0] =	vst v0  }
0x1a: {  	[tilespmem:s0+$0xFFFFFFF0] =	vst v0  }
0x1b: {  	s2 =	simm.s32 $0x0;
	[tilespmem:s0+$0xFFFFFFE0] =	vst v0  }
.LBB2_2:
0x1c: {  	s2 =	sadd.s32 $0x8, s2;
	[tilespmem:s0+$0xFFFFFFD0] =	vst v0;
	s0 =	sadd.s32 $0x80, s0  }
0x1d: {  	[tilespmem:s0+$0xFFFFFFC0] =	vst v0;
	p0 =	slt.u32 s2, $0xFF8  }
0x1e: {  	[tilespmem:s0+$0x30] =	vst v0  }
.Ltmp0:
0x1f: {  	[tilespmem:s0+$0x20] =	vst v0;
	(pc) =	sbr.rel @p0 .LBB2_2-.Ltmp0, $4  }
0x20: {  	[tilespmem:s0+$0x10] =	vst v0  }
0x21: {  	[tilespmem:s0+$0x0] =	vst v0  }
0x22: {  	[tilespmem:s0+$0xFFFFFFF0] =	vst v0  }
0x23: {  	[tilespmem:s0+$0xFFFFFFE0] =	vst v0  }
0x24: {  	[tilespmem:s0+$0xFFFFFFD0] =	vst v0;
	s26 =	simm.s32 $0x0  }
0x25: {  	[tilespmem:s26], [sflag:$0x1] =	stream.strided.gather [hbm4b:s4+s14], $0x1000, s15, s14, $0x38;
	[tilespmem:$0x1E880] =	vst v63  }
0x26: {  	s31 =	rddreg [dreg:$0x5]  }
0x27: {  	v2 =	vimm.f32 $0.0e+00;
	v3 =	vimm.f32 $0.0e+00;
	[tilespmem:s16], [sflag:$0x2] =	stream.strided.gather [hbm4b:s31+s14], $0x1000, s15, s14, $0x38;
	[tilespmem:$0x1E880] =	vst v63  }
.LBB2_4:
0x28: {  	_ =	swait.ge [sflag:s17], $0x1000  }
0x29: {  	[sflag:s17] =	ssyncset.done $0x0  }
0x2a: {  	s28 =	simm.s32 $0x40;
	[sflag:s17] =	ssyncadd.s32 $0xFFFFF000  }
0x2b: {  	v5 =	vld [tilespmem:s28+$0xFFFFFFC0]  }
0x2c: {  	v15 =	vld [tilespmem:s28+$0xFFFFFFD0]  }
0x2d: {  	v16 =	vld [tilespmem:s28+$0xFFFFFFE0]  }
0x2e: {  	v17 =	vld [tilespmem:s28+$0xFFFFFFF0]  }
0x2f: {  	v20 =	vld [tilespmem:s28+$0x10];
	_ =	sdelay $0x1  }
0x30: {  	v18 =	vld [tilespmem:s28+$0x0]  }
0x31: {  	v21 =	vld [tilespmem:s28+$0x20];
	v6 =	vand.u32 $0x7FFFFFFF, v5;
	v4 =	vxor.u32 $0xFFFFFFFF, v5;
	vm0 =	vlt.s32 v5, $0x0  }
0x32: {  	v2 =	vadd.f32 v5, v2;
	v5 =	vand.u32 $0x7FFFFFFF, v15;
	v3 =	vadd.f32 v15, v3  }
0x33: {  	v8 =	vand.u32 $0x7FFFFFFF, v16;
	v10 =	vand.u32 $0x7FFFFFFF, v17;
	v12 =	vand.u32 $0x7FFFFFFF, v20  }
0x34: {  	v14 =	vxor.u32 $0xFFFFFFFF, v15;
	vm3 =	vlt.s32 v15, $0x0;
	v15 =	vxor.u32 $0xFFFFFFFF, v16  }
0x35: {  	vm1 =	vlt.s32 v16, $0x0;
	vm2 =	vlt.s32 v17, $0x0;
	vm6 =	vlt.s32 v18, $0x0  }
0x36: {  	vm4 =	vlt.s32 v20, $0x0;
	vm5 =	vlt.s32 v21, $0x0;
	v6 =	vxor.u32 $0x80000000, v6  }
0x37: {  	v7 =	vxor.u32 $0x80000000, v5;
	v5 =	vld [tilespmem:s28+$0x30];
	v9 =	vxor.u32 $0x80000000, v8;
	v2 =	vadd.f32 v16, v2  }
0x38: {  	v8 =	vxor.u32 $0x80000000, v10;
	v10 =	vand.u32 $0x7FFFFFFF, v18;
	v3 =	vadd.f32 v17, v3  }
0x39: {  	v11 =	vxor.u32 $0x80000000, v10;
	v10 =	vxor.u32 $0x80000000, v12;
	v2 =	vadd.f32 v18, v2  }
0x3a: {  	v12 =	vand.u32 $0x7FFFFFFF, v21;
	v16 =	vxor.u32 $0xFFFFFFFF, v17;
	v3 =	vadd.f32 v20, v3  }
0x3b: {  	v17 =	vxor.u32 $0xFFFFFFFF, v18;
	v13 =	vxor.u32 $0x80000000, v12;
	v2 =	vadd.f32 v21, v2  }
0x3c: {  	v19 =	vand.u32 $0x7FFFFFFF, v5;
	v3 =	vadd.f32 v5, v3;
	v18 =	vxor.u32 $0xFFFFFFFF, v5  }
0x3d: {  	s0 =	simm.s32 $0x0;
	v12 =	vxor.u32 $0x80000000, v19;
	v19 =	vxor.u32 $0xFFFFFFFF, v20;
	v20 =	vxor.u32 $0xFFFFFFFF, v21  }
.LBB2_5:
0x3e: {  	s0 =	sadd.s32 $0x8, s0;
	v4 =	vsel vm0, v4, v6;
	v6 =	vsel vm3, v14, v7;
	vm0 =	vlt.s32 v5, $0x0;
	s28 =	sadd.s32 $0x80, s28  }
0x3f: {  	v7 =	vsel vm1, v15, v9;
	v8 =	vsel vm2, v16, v8;
	v9 =	vsel vm6, v17, v11;
	v5 =	vld [tilespmem:s28+$0xFFFFFFC0];
	p0 =	slt.u32 s0, $0xF8  }
0x40: {  	v10 =	vsel vm4, v19, v10;
	v11 =	vsel vm5, v20, v13;
	v12 =	vsel vm0, v18, v12;
	v15 =	vld [tilespmem:s28+$0xFFFFFFD0]  }
0x41: {  	v13 =	vshrl.u32 v4, $0x10;
	v14 =	vshrl.u32 v6, $0x10;
	v17 =	vshrl.u32 v7, $0x10;
	v16 =	vld [tilespmem:s28+$0xFFFFFFE0]  }
0x42: {  	v19 =	vshrl.u32 v8, $0x10;
	v20 =	vshrl.u32 v9, $0x10;
	v21 =	vshrl.u32 v10, $0x10;
	v18 =	vld [tilespmem:s28+$0xFFFFFFF0]  }
0x43: {  	v23 =	vshrl.u32 v11, $0x10;
	v24 =	vshrl.u32 v12, $0x10;
	v22 =	vld [tilespmem:s28+$0x0]  }
0x44: {  	v6 =	vand.u32 $0x7FFFFFFF, v5;
	v4 =	vxor.u32 $0xFFFFFFFF, v5;
	vm0 =	vlt.s32 v5, $0x0;
	v25 =	vld [tilespmem:s28+$0x10]  }
0x45: {  	v2 =	vadd.f32 v5, v2;
	v5 =	vand.u32 $0x7FFFFFFF, v15;
	v3 =	vadd.f32 v15, v3;
	v26 =	vld [tilespmem:s28+$0x20]  }
0x46: {  	v6 =	vxor.u32 $0x80000000, v6;
	v7 =	vxor.u32 $0x80000000, v5;
	v8 =	vand.u32 $0x7FFFFFFF, v16;
	v5 =	vld [tilespmem:s28+$0x30]  }
0x47: {  	v2 =	vadd.f32 v16, v2;
	v10 =	vand.u32 $0x7FFFFFFF, v18;
	v3 =	vadd.f32 v18, v3;
	[tilespmem:v13+s18+$0x0] =	vst.idx.add.s32.msk $0xffff, v1  }
0x48: {  	v9 =	vxor.u32 $0x80000000, v8;
	v8 =	vxor.u32 $0x80000000, v10;
	v10 =	vand.u32 $0x7FFFFFFF, v22;
	[tilespmem:v14+s18+$0x0] =	vst.idx.add.s32.msk $0xffff, v1  }
0x49: {  	v2 =	vadd.f32 v22, v2;
	v12 =	vand.u32 $0x7FFFFFFF, v25;
	v3 =	vadd.f32 v25, v3;
	[tilespmem:v17+s18+$0x0] =	vst.idx.add.s32.msk $0xffff, v1  }
0x4a: {  	v11 =	vxor.u32 $0x80000000, v10;
	v10 =	vxor.u32 $0x80000000, v12;
	v12 =	vand.u32 $0x7FFFFFFF, v26;
	[tilespmem:v19+s18+$0x0] =	vst.idx.add.s32.msk $0xffff, v1  }
0x4b: {  	v2 =	vadd.f32 v26, v2;
	v17 =	vand.u32 $0x7FFFFFFF, v5;
	v3 =	vadd.f32 v5, v3;
	[tilespmem:v20+s18+$0x0] =	vst.idx.add.s32.msk $0xffff, v1  }
.Ltmp1:
0x4c: {  	v14 =	vxor.u32 $0xFFFFFFFF, v15;
	v13 =	vxor.u32 $0x80000000, v12;
	v12 =	vxor.u32 $0x80000000, v17;
	[tilespmem:v21+s18+$0x0] =	vst.idx.add.s32.msk $0xffff, v1;
	(pc) =	sbr.rel @p0 .LBB2_5-.Ltmp1, $4  }
0x4d: {  	vm3 =	vlt.s32 v15, $0x0;
	vm1 =	vlt.s32 v16, $0x0;
	v15 =	vxor.u32 $0xFFFFFFFF, v16;
	[tilespmem:v23+s18+$0x0] =	vst.idx.add.s32.msk $0xffff, v1  }
0x4e: {  	vm2 =	vlt.s32 v18, $0x0;
	v16 =	vxor.u32 $0xFFFFFFFF, v18;
	v17 =	vxor.u32 $0xFFFFFFFF, v22;
	[tilespmem:v24+s18+$0x0] =	vst.idx.add.s32.msk $0xffff, v1  }
0x4f: {  	vm6 =	vlt.s32 v22, $0x0;
	vm4 =	vlt.s32 v25, $0x0;
	v19 =	vxor.u32 $0xFFFFFFFF, v25  }
0x50: {  	vm5 =	vlt.s32 v26, $0x0;
	v20 =	vxor.u32 $0xFFFFFFFF, v26;
	v18 =	vxor.u32 $0xFFFFFFFF, v5  }
0x51: {  	v4 =	vsel vm0, v4, v6  }
0x52: {  	v6 =	vsel vm3, v14, v7;
	v4 =	vshrl.u32 v4, $0x10  }
0x53: {  	v7 =	vsel vm1, v15, v9;
	v6 =	vshrl.u32 v6, $0x10  }
0x54: {  	v8 =	vsel vm2, v16, v8;
	v7 =	vshrl.u32 v7, $0x10  }
0x55: {  	v9 =	vsel vm6, v17, v11;
	v8 =	vshrl.u32 v8, $0x10  }
0x56: {  	v10 =	vsel vm4, v19, v10;
	v9 =	vshrl.u32 v9, $0x10  }
0x57: {  	s28 =	sshll.u32 s26, $0x1;
	p0 =	seq.s32 s26, $0xF;
	vm0 =	vlt.s32 v5, $0x0;
	v5 =	vsel vm5, v20, v13;
	v10 =	vshrl.u32 v10, $0x10;
	[tilespmem:v4+s18+$0x0] =	vst.idx.add.s32.msk $0xffff, v1  }
0x58: {  	s0 =	sadd.s32 @!p0 $0x2, s28;
	v5 =	vshrl.u32 v5, $0x10;
	v4 =	vsel vm0, v18, v12;
	[tilespmem:v6+s18+$0x0] =	vst.idx.add.s32.msk $0xffff, v1  }
0x59: {  	s2 =	sshrl.u32 @!p0 s0, $0x3;
	[tilespmem:v7+s18+$0x0] =	vst.idx.add.s32.msk $0xffff, v1;
	v4 =	vshrl.u32 v4, $0x10  }
0x5a: {  	s2 =	sadd.s32 @!p0 s5, s2;
	[tilespmem:v8+s18+$0x0] =	vst.idx.add.s32.msk $0xffff, v1  }
0x5b: {  	s0 =	sshll.u32 @!p0 s0, $0xC;
	s6 =	sshll.u32 @!p0 s2, $0xC;
	s2 =	sshll.u32 @!p0 s2, $0x4;
	[tilespmem:v9+s18+$0x0] =	vst.idx.add.s32.msk $0xffff, v1  }
0x5c: {  	s0 =	sand.u32 @!p0 $0x6000, s0;
	s6 =	sand.u32 @!p0 $0xFFF8000, s6;
	s2 =	sand.u32 @!p0 $0x70, s2;
	[tilespmem:v10+s18+$0x0] =	vst.idx.add.s32.msk $0xffff, v1  }
0x5d: {  	s7 =	simm.s32 @!p0 $0x0;
	s0 =	sor.u32 @!p0 s6, s0;
	s2 =	sadd.s32 @!p0 s1, s2;
	[tilespmem:v5+s18+$0x0] =	vst.idx.add.s32.msk $0xffff, v1  }
0x5e: {  	s6 =	simm.s32 @!p0 $0x400;
	s0 =	sadd.s32 @!p0 s0, s2;
	s2 =	simm.s32 @!p0 $0x80;
	[tilespmem:v4+s18+$0x0] =	vst.idx.add.s32.msk $0xffff, v1  }
0x5f: {  	[tilespmem:s7], [sflag:$0x1] =	stream.strided.gather @!p0 [hbm4b:s0+s2], $0x1000, s6, s2, $0x38;
	[tilespmem:$0x1E880] =	vst v63  }
0x60: {  	_ =	swait.ge [sflag:s19], $0x1000  }
0x61: {  	[sflag:s19] =	ssyncset.done $0x0  }
0x62: {  	s29 =	simm.s32 $0x1040;
	[sflag:s19] =	ssyncadd.s32 $0xFFFFF000  }
0x63: {  	v5 =	vld [tilespmem:s29+$0xFFFFFFC0]  }
0x64: {  	v15 =	vld [tilespmem:s29+$0xFFFFFFD0]  }
0x65: {  	v16 =	vld [tilespmem:s29+$0xFFFFFFE0]  }
0x66: {  	v17 =	vld [tilespmem:s29+$0xFFFFFFF0]  }
0x67: {  	v19 =	vld [tilespmem:s29+$0x10];
	_ =	sdelay $0x1  }
0x68: {  	v18 =	vld [tilespmem:s29+$0x0]  }
0x69: {  	v20 =	vld [tilespmem:s29+$0x20];
	v6 =	vand.u32 $0x7FFFFFFF, v5;
	v4 =	vxor.u32 $0xFFFFFFFF, v5;
	vm0 =	vlt.s32 v5, $0x0  }
0x6a: {  	v2 =	vadd.f32 v5, v2;
	v5 =	vand.u32 $0x7FFFFFFF, v15;
	v3 =	vadd.f32 v15, v3  }
0x6b: {  	v8 =	vand.u32 $0x7FFFFFFF, v16;
	v10 =	vand.u32 $0x7FFFFFFF, v17;
	v12 =	vand.u32 $0x7FFFFFFF, v19  }
0x6c: {  	v14 =	vxor.u32 $0xFFFFFFFF, v15;
	vm3 =	vlt.s32 v15, $0x0;
	v15 =	vxor.u32 $0xFFFFFFFF, v16  }
0x6d: {  	vm1 =	vlt.s32 v16, $0x0;
	vm2 =	vlt.s32 v17, $0x0;
	vm5 =	vlt.s32 v18, $0x0  }
0x6e: {  	vm4 =	vlt.s32 v19, $0x0;
	vm6 =	vlt.s32 v20, $0x0;
	v6 =	vxor.u32 $0x80000000, v6  }
0x6f: {  	v7 =	vxor.u32 $0x80000000, v5;
	v5 =	vld [tilespmem:s29+$0x30];
	v9 =	vxor.u32 $0x80000000, v8;
	v8 =	vxor.u32 $0x80000000, v10  }
0x70: {  	v10 =	vand.u32 $0x7FFFFFFF, v18;
	v2 =	vadd.f32 v16, v2;
	v3 =	vadd.f32 v17, v3  }
0x71: {  	v11 =	vxor.u32 $0x80000000, v10;
	v10 =	vxor.u32 $0x80000000, v12;
	v12 =	vand.u32 $0x7FFFFFFF, v20  }
0x72: {  	v16 =	vxor.u32 $0xFFFFFFFF, v17;
	v17 =	vxor.u32 $0xFFFFFFFF, v18;
	v2 =	vadd.f32 v18, v2  }
0x73: {  	v13 =	vxor.u32 $0x80000000, v12;
	v3 =	vadd.f32 v19, v3;
	v18 =	vxor.u32 $0xFFFFFFFF, v19  }
0x74: {  	v19 =	vxor.u32 $0xFFFFFFFF, v20;
	v2 =	vadd.f32 v20, v2;
	v21 =	vand.u32 $0x7FFFFFFF, v5  }
0x75: {  	s0 =	simm.s32 $0x0;
	v3 =	vadd.f32 v5, v3;
	v20 =	vxor.u32 $0xFFFFFFFF, v5;
	v12 =	vxor.u32 $0x80000000, v21  }
.LBB2_7:
0x76: {  	s0 =	sadd.s32 $0x8, s0;
	v4 =	vsel vm0, v4, v6;
	v6 =	vsel vm3, v14, v7;
	vm0 =	vlt.s32 v5, $0x0;
	s29 =	sadd.s32 $0x80, s29  }
0x77: {  	v7 =	vsel vm1, v15, v9;
	v8 =	vsel vm2, v16, v8;
	v9 =	vsel vm5, v17, v11;
	v5 =	vld [tilespmem:s29+$0xFFFFFFC0];
	p1 =	slt.u32 s0, $0xF8  }
0x78: {  	v10 =	vsel vm4, v18, v10;
	v11 =	vsel vm6, v19, v13;
	v12 =	vsel vm0, v20, v12;
	v15 =	vld [tilespmem:s29+$0xFFFFFFD0]  }
0x79: {  	v13 =	vshrl.u32 v4, $0x10;
	v14 =	vshrl.u32 v6, $0x10;
	v17 =	vshrl.u32 v7, $0x10;
	v16 =	vld [tilespmem:s29+$0xFFFFFFE0]  }
0x7a: {  	v19 =	vshrl.u32 v8, $0x10;
	v20 =	vshrl.u32 v9, $0x10;
	v21 =	vshrl.u32 v10, $0x10;
	v18 =	vld [tilespmem:s29+$0xFFFFFFF0]  }
0x7b: {  	v23 =	vshrl.u32 v11, $0x10;
	v24 =	vshrl.u32 v12, $0x10;
	v22 =	vld [tilespmem:s29+$0x0]  }
0x7c: {  	v6 =	vand.u32 $0x7FFFFFFF, v5;
	v4 =	vxor.u32 $0xFFFFFFFF, v5;
	vm0 =	vlt.s32 v5, $0x0;
	v25 =	vld [tilespmem:s29+$0x10]  }
0x7d: {  	v2 =	vadd.f32 v5, v2;
	v5 =	vand.u32 $0x7FFFFFFF, v15;
	v3 =	vadd.f32 v15, v3;
	v26 =	vld [tilespmem:s29+$0x20]  }
0x7e: {  	v6 =	vxor.u32 $0x80000000, v6;
	v7 =	vxor.u32 $0x80000000, v5;
	v8 =	vand.u32 $0x7FFFFFFF, v16;
	v5 =	vld [tilespmem:s29+$0x30]  }
0x7f: {  	v2 =	vadd.f32 v16, v2;
	v10 =	vand.u32 $0x7FFFFFFF, v18;
	v3 =	vadd.f32 v18, v3;
	[tilespmem:v13+s18+$0x0] =	vst.idx.add.s32.msk $0xffff, v1  }
0x80: {  	v9 =	vxor.u32 $0x80000000, v8;
	v8 =	vxor.u32 $0x80000000, v10;
	v10 =	vand.u32 $0x7FFFFFFF, v22;
	[tilespmem:v14+s18+$0x0] =	vst.idx.add.s32.msk $0xffff, v1  }
0x81: {  	v2 =	vadd.f32 v22, v2;
	v12 =	vand.u32 $0x7FFFFFFF, v25;
	v3 =	vadd.f32 v25, v3;
	[tilespmem:v17+s18+$0x0] =	vst.idx.add.s32.msk $0xffff, v1  }
0x82: {  	v11 =	vxor.u32 $0x80000000, v10;
	v10 =	vxor.u32 $0x80000000, v12;
	v12 =	vand.u32 $0x7FFFFFFF, v26;
	[tilespmem:v19+s18+$0x0] =	vst.idx.add.s32.msk $0xffff, v1  }
0x83: {  	v2 =	vadd.f32 v26, v2;
	v17 =	vand.u32 $0x7FFFFFFF, v5;
	v3 =	vadd.f32 v5, v3;
	[tilespmem:v20+s18+$0x0] =	vst.idx.add.s32.msk $0xffff, v1  }
.Ltmp2:
0x84: {  	v14 =	vxor.u32 $0xFFFFFFFF, v15;
	v13 =	vxor.u32 $0x80000000, v12;
	v12 =	vxor.u32 $0x80000000, v17;
	[tilespmem:v21+s18+$0x0] =	vst.idx.add.s32.msk $0xffff, v1;
	(pc) =	sbr.rel @p1 .LBB2_7-.Ltmp2, $4  }
0x85: {  	vm3 =	vlt.s32 v15, $0x0;
	vm1 =	vlt.s32 v16, $0x0;
	v15 =	vxor.u32 $0xFFFFFFFF, v16;
	[tilespmem:v23+s18+$0x0] =	vst.idx.add.s32.msk $0xffff, v1  }
0x86: {  	vm2 =	vlt.s32 v18, $0x0;
	v16 =	vxor.u32 $0xFFFFFFFF, v18;
	v17 =	vxor.u32 $0xFFFFFFFF, v22;
	[tilespmem:v24+s18+$0x0] =	vst.idx.add.s32.msk $0xffff, v1  }
0x87: {  	vm5 =	vlt.s32 v22, $0x0;
	v18 =	vxor.u32 $0xFFFFFFFF, v25;
	vm4 =	vlt.s32 v25, $0x0  }
0x88: {  	v19 =	vxor.u32 $0xFFFFFFFF, v26;
	vm6 =	vlt.s32 v26, $0x0;
	v20 =	vxor.u32 $0xFFFFFFFF, v5  }
0x89: {  	v4 =	vsel vm0, v4, v6  }
0x8a: {  	v61 =	vsel vm3, v14, v7;
	v4 =	vshrl.u32 v4, $0x10  }
0x8b: {  	v62 =	vsel vm1, v15, v9;
	v6 =	vshrl.u32 v61, $0x10  }
0x8c: {  	v8 =	vsel vm2, v16, v8;
	v7 =	vshrl.u32 v62, $0x10  }
0x8d: {  	v63 =	vsel vm5, v17, v11;
	v8 =	vshrl.u32 v8, $0x10  }
0x8e: {  	v10 =	vsel vm4, v18, v10;
	v9 =	vshrl.u32 v63, $0x10  }
0x8f: {  	vm15 =	vlt.s32 v5, $0x0;
	v5 =	vsel vm6, v19, v13;
	v10 =	vshrl.u32 v10, $0x10;
	[tilespmem:v4+s18+$0x0] =	vst.idx.add.s32.msk $0xffff, v1  }
0x90: {  	v5 =	vshrl.u32 v5, $0x10;
	v4 =	vsel vm15, v20, v12;
	[tilespmem:v6+s18+$0x0] =	vst.idx.add.s32.msk $0xffff, v1  }
0x91: {  	[tilespmem:v7+s18+$0x0] =	vst.idx.add.s32.msk $0xffff, v1;
	v4 =	vshrl.u32 v4, $0x10  }
.Ltmp3:
0x92: {  	[tilespmem:v8+s18+$0x0] =	vst.idx.add.s32.msk $0xffff, v1;
	(pc) =	sbr.rel @p0 .LBB2_10-.Ltmp3, $4  }
0x93: {  	[tilespmem:v9+s18+$0x0] =	vst.idx.add.s32.msk $0xffff, v1  }
0x94: {  	[tilespmem:v10+s18+$0x0] =	vst.idx.add.s32.msk $0xffff, v1  }
0x95: {  	[tilespmem:v5+s18+$0x0] =	vst.idx.add.s32.msk $0xffff, v1  }
0x96: {  	[tilespmem:v4+s18+$0x0] =	vst.idx.add.s32.msk $0xffff, v1  }
0x97: {  	s0 =	sadd.s32 $0x3, s28  }
0x98: {  	s2 =	sshrl.u32 s0, $0x3  }
0x99: {  	s0 =	sshll.u32 s0, $0xC;
	s2 =	sadd.s32 s5, s2  }
.Ltmp4:
0x9a: {  	s6 =	sshll.u32 s2, $0xC;
	s2 =	sshll.u32 s2, $0x4;
	(pc) =	sbr.rel .LBB2_4-.Ltmp4, $4  }
0x9b: {  	s0 =	sand.u32 $0x7000, s0;
	s6 =	sand.u32 $0xFFF8000, s6;
	s2 =	sand.u32 $0x70, s2  }
0x9c: {  	s0 =	sor.u32 s6, s0;
	s2 =	sadd.s32 s1, s2  }
0x9d: {  	s26 =	sadd.s32 $0x1, s26;
	s0 =	sadd.s32 s0, s2  }
0x9e: {  	[tilespmem:s16], [sflag:$0x2] =	stream.strided.gather [hbm4b:s0+s14], $0x1000, s15, s14, $0x38;
	[tilespmem:$0x1E880] =	vst v63  }
.LBB2_10:
0x9f: {  	v2 =	vadd.f32 v2, v3;
	_ =	sdelay $0x1  }
0xa0: {  	s0 =	simm.s32 $0x0;
	s2 =	rddreg [dreg:$0x6];
	s6 =	simm.s32 $0x12000;
	[tilespmem:$0x12000] =	vst v2  }
0xa1: {  	[hbm4b:s2+s0] =	stream.linear.scatter [tilespmem:s6], [sflag:$0x3], $0x80, $0x38;
	[tilespmem:$0x1E880] =	vst v63  }
0xa2: {  	_ =	swait.ge [sflag:s21], $0x80  }
0xa3: {  	[sflag:s21] =	ssyncset.done $0x0  }
0xa4: {  	[sflag:s21] =	ssyncadd.s32 $0xFFFFFF80  }
0xa5: {  	[spmem:s8] =	stream.strided.scatter [tilespmem:s18], [sflag:$0x3], $0x8000, s15, s14, $0x38;
	[tilespmem:$0x1E880] =	vst v63  }
0xa6: {  	_ =	swait.ge [sflag:s21], $0x8000  }
0xa7: {  	[sflag:s21] =	ssyncset.done $0x0  }
0xa8: {  	[sflag:s21] =	ssyncadd.s32 $0xFFFF8000  }
0xa9: {  	[bflag:$0x0] =	sbarrier.arrive $0xFFFF  }
0xaa: {  	[tilespmem:s22], [sflag:$0x3] =	stream.linear.gather [spmem:s9], $0x4000, $0x38;
	[tilespmem:$0x1E880] =	vst v63  }
0xab: {  	s13 =	sand.u32 $0x40, s0;
	s20 =	sand.u32 $0x3C00, s0;
	_ =	swait.ge [sflag:s21], $0x4000  }
0xac: {  	s6 =	sadd.s32 $0x1A080, s20;
	s20 =	sor.u32 $0x30, s13;
	[sflag:s21] =	ssyncset.done $0x0  }
0xad: {  	s7 =	sor.u32 s20, s6;
	[sflag:s21] =	ssyncadd.s32 $0xFFFFC000  }
0xae: {  	v2 =	vld [tilespmem:s7+$0x0]  }
0xaf: {  	v3 =	vld [tilespmem:s7+$0x80]  }
0xb0: {  	v4 =	vld [tilespmem:s7+$0x100]  }
0xb1: {  	v5 =	vld [tilespmem:s7+$0x180]  }
0xb2: {  	v6 =	vld [tilespmem:s7+$0x200]  }
0xb3: {  	v7 =	vld [tilespmem:s7+$0x280]  }
0xb4: {  	v8 =	vld [tilespmem:s7+$0x300]  }
0xb5: {  	s25 =	sor.u32 s13, s6;
	v9 =	vld [tilespmem:s7+$0x380]  }
0xb6: {  	s24 =	sor.u32 $0x10, s13;
	v10 =	vld [tilespmem:s25+$0x0]  }
0xb7: {  	s23 =	sor.u32 s24, s6;
	v11 =	vld [tilespmem:s25+$0x80]  }
0xb8: {  	s2 =	sor.u32 $0x20, s13;
	v12 =	vld [tilespmem:s23+$0x0]  }
0xb9: {  	s6 =	sor.u32 s2, s6;
	v13 =	vld [tilespmem:s23+$0x80]  }
0xba: {  	v14 =	vld [tilespmem:s6+$0x0]  }
0xbb: {  	v15 =	vld [tilespmem:s6+$0x80]  }
0xbc: {  	v16 =	vld [tilespmem:s25+$0x100]  }
0xbd: {  	v17 =	vld [tilespmem:s23+$0x100]  }
0xbe: {  	v18 =	vld [tilespmem:s6+$0x100]  }
0xbf: {  	v19 =	vld [tilespmem:s25+$0x180]  }
0xc0: {  	v20 =	vld [tilespmem:s23+$0x180]  }
0xc1: {  	v21 =	vld [tilespmem:s6+$0x180]  }
0xc2: {  	v22 =	vld [tilespmem:s25+$0x200]  }
0xc3: {  	v23 =	vld [tilespmem:s23+$0x200]  }
0xc4: {  	v24 =	vld [tilespmem:s6+$0x200]  }
0xc5: {  	v25 =	vld [tilespmem:s25+$0x280]  }
0xc6: {  	v26 =	vld [tilespmem:s23+$0x280]  }
0xc7: {  	v27 =	vld [tilespmem:s6+$0x280]  }
0xc8: {  	v28 =	vld [tilespmem:s25+$0x300]  }
0xc9: {  	v29 =	vld [tilespmem:s23+$0x300]  }
0xca: {  	s26 =	simm.s32 $0x200;
	v30 =	vld [tilespmem:s6+$0x300]  }
0xcb: {  	s31 =	simm.s32 $0x40;
	s26 =	sand.u32 $0x3C00, s26;
	v31 =	vld [tilespmem:s25+$0x380]  }
0xcc: {  	s29 =	sand.u32 $0x40, s31;
	s30 =	sadd.s32 $0x1A080, s26;
	v32 =	vld [tilespmem:s23+$0x380]  }
0xcd: {  	s28 =	sor.u32 s29, s30;
	v33 =	vld [tilespmem:s6+$0x380]  }
0xce: {  	v42 =	vld [tilespmem:s28+$0x0]  }
0xcf: {  	v56 =	vld [tilespmem:s28+$0x180]  }
0xd0: {  	s12 =	sor.u32 $0x20, s29;
	v60 =	vld [tilespmem:s28+$0x200]  }
0xd1: {  	s25 =	sor.u32 $0x30, s29;
	s7 =	sor.u32 $0x10, s29;
	s29 =	sor.u32 s12, s30;
	v63 =	vld [tilespmem:s28+$0x280]  }
0xd2: {  	s26 =	sor.u32 s25, s30;
	v55 =	vld [tilespmem:s29+$0x100]  }
0xd3: {  	v34 =	vld [tilespmem:s26+$0x0]  }
0xd4: {  	v35 =	vld [tilespmem:s26+$0x80]  }
0xd5: {  	v36 =	vld [tilespmem:s26+$0x100]  }
0xd6: {  	v37 =	vld [tilespmem:s26+$0x180]  }
0xd7: {  	v38 =	vld [tilespmem:s26+$0x200]  }
0xd8: {  	v39 =	vld [tilespmem:s26+$0x280]  }
0xd9: {  	v2 =	vadd.s32 v2, v3;
	v3 =	vld [tilespmem:s28+$0x80]  }
0xda: {  	v40 =	vld [tilespmem:s26+$0x300];
	v2 =	vadd.s32 v4, v2  }
0xdb: {  	v41 =	vld [tilespmem:s26+$0x380];
	s26 =	sor.u32 s7, s30;
	v2 =	vadd.s32 v5, v2;
	v57 =	vadd.s32 v34, v35  }
0xdc: {  	v54 =	vadd.s32 v14, v15;
	v4 =	vld [tilespmem:s26+$0x0];
	v2 =	vadd.s32 v6, v2;
	v15 =	vadd.s32 v36, v57  }
0xdd: {  	v5 =	vld [tilespmem:s26+$0x80];
	v2 =	vadd.s32 v7, v2;
	v15 =	vadd.s32 v37, v15  }
0xde: {  	v6 =	vld [tilespmem:s29+$0x0];
	v2 =	vadd.s32 v8, v2;
	v15 =	vadd.s32 v38, v15;
	v3 =	vadd.s32 v42, v3  }
0xdf: {  	v7 =	vld [tilespmem:s29+$0x80];
	v2 =	vadd.s32 v9, v2;
	v9 =	vadd.s32 v10, v11;
	v10 =	vadd.s32 v12, v13  }
0xe0: {  	v59 =	vld [tilespmem:s29+$0x180];
	v12 =	vadd.s32 v18, v54;
	v15 =	vadd.s32 v39, v15;
	v9 =	vadd.s32 v16, v9  }
0xe1: {  	v8 =	vld [tilespmem:s28+$0x100];
	v10 =	vadd.s32 v17, v10;
	v12 =	vadd.s32 v21, v12;
	v15 =	vadd.s32 v40, v15  }
0xe2: {  	v11 =	vld [tilespmem:s26+$0x100];
	v4 =	vadd.s32 v4, v5;
	v9 =	vadd.s32 v19, v9;
	v10 =	vadd.s32 v20, v10  }
0xe3: {  	s0 =	sand.u32 $0x780, s0;
	v62 =	vld [tilespmem:s29+$0x200];
	v12 =	vadd.s32 v24, v12;
	v15 =	vadd.s32 v41, v15;
	v9 =	vadd.s32 v22, v9  }
0xe4: {  	s0 =	sadd.s32 $0x1E080, s0;
	s23 =	sand.u32 $0x780, s31;
	v58 =	vld [tilespmem:s26+$0x180];
	v10 =	vadd.s32 v23, v10;
	v12 =	vadd.s32 v27, v12;
	v5 =	vadd.s32 v6, v7  }
0xe5: {  	s20 =	sor.u32 s20, s0;
	s13 =	sor.u32 s24, s0;
	s24 =	sadd.s32 $0x1E080, s23;
	v61 =	vld [tilespmem:s26+$0x200];
	v9 =	vadd.s32 v25, v9;
	v10 =	vadd.s32 v26, v10;
	v12 =	vadd.s32 v30, v12  }
0xe6: {  	s25 =	sor.u32 s25, s24;
	[tilespmem:s20+$0x0] =	vst v2;
	v2 =	vld [tilespmem:s26+$0x280];
	v6 =	vadd.s32 v8, v3;
	v5 =	vadd.s32 v55, v5;
	v9 =	vadd.s32 v28, v9  }
0xe7: {  	s0 =	sor.u32 s2, s0;
	[tilespmem:s25+$0x0] =	vst v15;
	v3 =	vld [tilespmem:s29+$0x280];
	v10 =	vadd.s32 v29, v10;
	v12 =	vadd.s32 v33, v12;
	v7 =	vadd.s32 v11, v4  }
0xe8: {  	s30 =	simm.s32 $0x1E080;
	v6 =	vadd.s32 v56, v6;
	v4 =	vld [tilespmem:s28+$0x300];
	v8 =	vadd.s32 v59, v5;
	v9 =	vadd.s32 v31, v9;
	[tilespmem:s0+$0x0] =	vst v12  }
0xe9: {  	s2 =	simm.s32 $0x400;
	s31 =	simm.s32 $0x80;
	v5 =	vld [tilespmem:s26+$0x300];
	v10 =	vadd.s32 v32, v10;
	v7 =	vadd.s32 v58, v7;
	v6 =	vadd.s32 v60, v6;
	[tilespmem:s30+$0x0] =	vst v9  }
0xea: {  	s20 =	sor.u32 s7, s24;
	s24 =	sor.u32 s12, s24;
	s0 =	simm.s32 $0x4;
	v8 =	vadd.s32 v62, v8;
	[tilespmem:s13+$0x0] =	vst v10;
	v9 =	vadd.s32 v61, v7;
	v7 =	vadd.s32 v63, v6;
	v6 =	vld [tilespmem:s29+$0x300]  }
.LBB2_11:
0xeb: {  	s6 =	sand.u32 $0x40, s31;
	s7 =	sand.u32 $0x3C00, s2;
	v10 =	vld [tilespmem:s28+$0x380];
	v2 =	vadd.s32 v2, v9  }
0xec: {  	s0 =	sadd.s32 $0x4, s0;
	s7 =	sadd.s32 $0x1A080, s7;
	s25 =	sor.u32 $0x30, s6;
	v9 =	vld [tilespmem:s26+$0x380];
	v3 =	vadd.s32 v3, v8  }
0xed: {  	s23 =	sor.u32 $0x10, s6;
	p0 =	slt.u32 s0, $0x7C;
	s12 =	sor.u32 s25, s7;
	v4 =	vadd.s32 v4, v7;
	v7 =	vld [tilespmem:s29+$0x380]  }
0xee: {  	s28 =	sor.u32 s6, s7;
	s26 =	sor.u32 s23, s7;
	s6 =	sor.u32 $0x20, s6;
	v8 =	vld [tilespmem:s12+$0x0];
	v2 =	vadd.s32 v5, v2  }
0xef: {  	s29 =	sor.u32 s6, s7;
	v5 =	vld [tilespmem:s12+$0x80];
	v3 =	vadd.s32 v6, v3  }
0xf0: {  	s30 =	sadd.s32 $0x40, s30;
	v6 =	vld [tilespmem:s12+$0x100];
	v4 =	vadd.s32 v10, v4  }
0xf1: {  	v10 =	vld [tilespmem:s12+$0x180];
	[tilespmem:s30+$0x0] =	vst v4;
	v2 =	vadd.s32 v9, v2  }
0xf2: {  	v4 =	vld [tilespmem:s12+$0x200];
	[tilespmem:s20+$0x0] =	vst v2;
	v2 =	vadd.s32 v7, v3  }
0xf3: {  	v3 =	vld [tilespmem:s12+$0x280];
	[tilespmem:s24+$0x0] =	vst v2  }
0xf4: {  	v2 =	vadd.s32 v8, v5;
	v5 =	vld [tilespmem:s12+$0x300]  }
0xf5: {  	v2 =	vadd.s32 v6, v2;
	v6 =	vld [tilespmem:s12+$0x380]  }
0xf6: {  	v7 =	vld [tilespmem:s28+$0x0];
	v2 =	vadd.s32 v10, v2  }
0xf7: {  	v8 =	vld [tilespmem:s28+$0x80];
	v2 =	vadd.s32 v4, v2  }
0xf8: {  	s7 =	sand.u32 $0x780, s31;
	v4 =	vld [tilespmem:s26+$0x0];
	v2 =	vadd.s32 v3, v2  }
0xf9: {  	s7 =	sadd.s32 $0x1E080, s7;
	v3 =	vld [tilespmem:s26+$0x80];
	v2 =	vadd.s32 v5, v2  }
0xfa: {  	s20 =	sor.u32 s23, s7;
	s24 =	sor.u32 s6, s7;
	s6 =	sor.u32 s25, s7;
	v5 =	vld [tilespmem:s29+$0x0];
	v2 =	vadd.s32 v6, v2  }
0xfb: {  	v6 =	vld [tilespmem:s29+$0x80];
	[tilespmem:s6+$0x0] =	vst v2  }
0xfc: {  	v2 =	vadd.s32 v7, v8;
	v7 =	vld [tilespmem:s28+$0x100]  }
0xfd: {  	v8 =	vld [tilespmem:s26+$0x100]  }
0xfe: {  	v3 =	vadd.s32 v4, v3;
	v4 =	vld [tilespmem:s29+$0x100]  }
0xff: {  	v9 =	vld [tilespmem:s28+$0x180]  }
0x100: {  	v10 =	vld [tilespmem:s26+$0x180];
	v5 =	vadd.s32 v5, v6  }
0x101: {  	v2 =	vadd.s32 v7, v2;
	v6 =	vld [tilespmem:s29+$0x180]  }
0x102: {  	v7 =	vld [tilespmem:s28+$0x200];
	v3 =	vadd.s32 v8, v3  }
0x103: {  	v8 =	vld [tilespmem:s26+$0x200];
	v4 =	vadd.s32 v4, v5  }
0x104: {  	v5 =	vadd.s32 v9, v2;
	v11 =	vld [tilespmem:s29+$0x200]  }
0x105: {  	v12 =	vld [tilespmem:s28+$0x280];
	v9 =	vadd.s32 v10, v3  }
.Ltmp5:
0x106: {  	v2 =	vld [tilespmem:s26+$0x280];
	v6 =	vadd.s32 v6, v4;
	(pc) =	sbr.rel @p0 .LBB2_11-.Ltmp5, $4  }
0x107: {  	v7 =	vadd.s32 v7, v5;
	v3 =	vld [tilespmem:s29+$0x280]  }
0x108: {  	v4 =	vld [tilespmem:s28+$0x300];
	v9 =	vadd.s32 v8, v9  }
0x109: {  	v5 =	vld [tilespmem:s26+$0x300];
	v8 =	vadd.s32 v11, v6  }
0x10a: {  	s2 =	sadd.s32 $0x200, s2;
	s31 =	sadd.s32 $0x40, s31;
	v7 =	vadd.s32 v12, v7;
	v6 =	vld [tilespmem:s29+$0x300]  }
0x10b: {  	v10 =	vld [tilespmem:s28+$0x380]  }
0x10c: {  	v11 =	vld [tilespmem:s26+$0x380]  }
0x10d: {  	v12 =	vld [tilespmem:s29+$0x380];
	_ =	sdelay $0x1  }
0x10e: {  	v2 =	vadd.s32 v2, v9;
	v4 =	vadd.s32 v4, v7  }
0x10f: {  	s0 =	sadd.s32 $0x40, s30;
	v3 =	vadd.s32 v3, v8;
	v2 =	vadd.s32 v5, v2;
	v4 =	vadd.s32 v10, v4  }
0x110: {  	v3 =	vadd.s32 v6, v3;
	v2 =	vadd.s32 v11, v2;
	[tilespmem:s0+$0x0] =	vst v4  }
0x111: {  	[tilespmem:s20+$0x0] =	vst v2;
	v2 =	vadd.s32 v12, v3  }
0x112: {  	[tilespmem:s24+$0x0] =	vst v2  }
0x113: {  	[tilespmem:s22], [sflag:$0x3] =	stream.linear.gather [spmem:s11], $0x4000, $0x38;
	[tilespmem:$0x1E880] =	vst v63  }
0x114: {  	s23 =	simm.s32 $0x0;
	s26 =	simm.s32 $0x1E080;
	_ =	swait.ge [sflag:s21], $0x4000  }
0x115: {  	s2 =	sand.u32 $0x40, s23;
	s6 =	sand.u32 $0x3C00, s23;
	[sflag:s21] =	ssyncset.done $0x0  }
0x116: {  	s6 =	sadd.s32 $0x1A080, s6;
	s7 =	sor.u32 $0x30, s2;
	[sflag:s21] =	ssyncadd.s32 $0xFFFFC000  }
0x117: {  	s12 =	sor.u32 s7, s6;
	v2 =	vld [tilespmem:s26+$0x0]  }
0x118: {  	v3 =	vld [tilespmem:s12+$0x0]  }
0x119: {  	v4 =	vld [tilespmem:s12+$0x80]  }
0x11a: {  	v5 =	vld [tilespmem:s12+$0x100]  }
0x11b: {  	v6 =	vld [tilespmem:s12+$0x180]  }
0x11c: {  	v7 =	vld [tilespmem:s12+$0x200]  }
0x11d: {  	s0 =	sand.u32 $0x780, s23;
	v8 =	vld [tilespmem:s12+$0x280]  }
0x11e: {  	s0 =	sadd.s32 $0x1E080, s0;
	v9 =	vld [tilespmem:s12+$0x300]  }
0x11f: {  	s7 =	sor.u32 s7, s0;
	v10 =	vld [tilespmem:s12+$0x380]  }
0x120: {  	s24 =	sor.u32 s2, s6;
	v11 =	vld [tilespmem:s7+$0x0]  }
0x121: {  	s25 =	sor.u32 $0x10, s2;
	v60 =	vld [tilespmem:s24+$0x0]  }
0x122: {  	s23 =	sor.u32 s25, s6;
	v13 =	vld [tilespmem:s24+$0x80]  }
0x123: {  	s2 =	sor.u32 $0x20, s2;
	v14 =	vld [tilespmem:s23+$0x0]  }
0x124: {  	s6 =	sor.u32 s2, s6;
	v15 =	vld [tilespmem:s23+$0x80]  }
0x125: {  	v16 =	vld [tilespmem:s6+$0x0]  }
0x126: {  	v17 =	vld [tilespmem:s6+$0x80]  }
0x127: {  	v18 =	vld [tilespmem:s24+$0x100]  }
0x128: {  	v19 =	vld [tilespmem:s23+$0x100]  }
0x129: {  	v20 =	vld [tilespmem:s6+$0x100]  }
0x12a: {  	v21 =	vld [tilespmem:s24+$0x180]  }
0x12b: {  	v22 =	vld [tilespmem:s23+$0x180]  }
0x12c: {  	v23 =	vld [tilespmem:s23+$0x200];
	v3 =	vadd.s32 v3, v4  }
0x12d: {  	v24 =	vld [tilespmem:s6+$0x280];
	v3 =	vadd.s32 v5, v3  }
0x12e: {  	v4 =	vld [tilespmem:s6+$0x180];
	v3 =	vadd.s32 v6, v3  }
0x12f: {  	v5 =	vld [tilespmem:s24+$0x200];
	v3 =	vadd.s32 v7, v3  }
0x130: {  	v7 =	vld [tilespmem:s6+$0x200];
	v3 =	vadd.s32 v8, v3  }
0x131: {  	v8 =	vld [tilespmem:s24+$0x280];
	v3 =	vadd.s32 v9, v3  }
0x132: {  	v9 =	vld [tilespmem:s23+$0x280];
	v3 =	vadd.s32 v10, v3  }
0x133: {  	v10 =	vadd.s32 v11, v3;
	v3 =	vadd.s32 v60, v13;
	v11 =	vld [tilespmem:s24+$0x300]  }
0x134: {  	v61 =	vadd.s32 v14, v15;
	v62 =	vadd.s32 v16, v17;
	v6 =	vld [tilespmem:s23+$0x300];
	v3 =	vadd.s32 v18, v3  }
0x135: {  	v12 =	vadd.s32 v19, v61;
	v13 =	vadd.s32 v20, v62;
	v63 =	vadd.s32 v21, v3;
	v3 =	vld [tilespmem:s6+$0x300]  }
0x136: {  	v12 =	vadd.s32 v22, v12;
	v13 =	vadd.s32 v4, v13;
	v4 =	vld [tilespmem:s24+$0x380];
	v5 =	vadd.s32 v5, v63  }
0x137: {  	s29 =	simm.s32 $0x0;
	s31 =	simm.s32 $0x1E080;
	s30 =	sor.u32 s25, s0;
	v12 =	vadd.s32 v23, v12;
	v7 =	vadd.s32 v7, v13;
	v8 =	vadd.s32 v8, v5;
	v5 =	vld [tilespmem:s23+$0x380]  }
0x138: {  	s28 =	sor.u32 s2, s0;
	s0 =	simm.s32 $0x200;
	s2 =	simm.s32 $0x40;
	[tilespmem:s7+$0x0] =	vst v10;
	v10 =	vadd.s32 v9, v12;
	v9 =	vadd.s32 v24, v7;
	v7 =	vld [tilespmem:s6+$0x380];
	v8 =	vadd.s32 v11, v8  }
.LBB2_13:
0x139: {  	s6 =	sand.u32 $0x40, s2;
	s7 =	sand.u32 $0x3C00, s0;
	v6 =	vadd.s32 v6, v10;
	v10 =	vld [tilespmem:s30+$0x0];
	s26 =	sadd.s32 $0x40, s26  }
0x13a: {  	s29 =	sadd.s32 $0x4, s29;
	s7 =	sadd.s32 $0x1A080, s7;
	s12 =	sor.u32 $0x30, s6;
	v3 =	vadd.s32 v3, v9;
	v9 =	vld [tilespmem:s28+$0x0]  }
0x13b: {  	s23 =	sor.u32 $0x10, s6;
	p0 =	slt.u32 s29, $0x7C;
	v11 =	vld [tilespmem:s26+$0x0];
	s13 =	sor.u32 s12, s7;
	v4 =	vadd.s32 v4, v8  }
0x13c: {  	s24 =	sor.u32 s6, s7;
	s20 =	sor.u32 s23, s7;
	s6 =	sor.u32 $0x20, s6;
	v8 =	vld [tilespmem:s13+$0x0];
	v2 =	vadd.s32 v2, v4;
	v4 =	vadd.s32 v5, v6  }
0x13d: {  	s25 =	sor.u32 s6, s7;
	v5 =	vld [tilespmem:s13+$0x80];
	[tilespmem:s31+$0x0] =	vst v2;
	v2 =	vadd.s32 v7, v3;
	s31 =	smov.u32 s26  }
0x13e: {  	v3 =	vld [tilespmem:s13+$0x100];
	v4 =	vadd.s32 v10, v4  }
0x13f: {  	v6 =	vld [tilespmem:s13+$0x180];
	[tilespmem:s30+$0x0] =	vst v4;
	v7 =	vadd.s32 v9, v2  }
0x140: {  	v4 =	vld [tilespmem:s13+$0x200];
	[tilespmem:s28+$0x0] =	vst v7;
	v2 =	vmov v11  }
0x141: {  	s7 =	sand.u32 $0x780, s2;
	v7 =	vld [tilespmem:s13+$0x280]  }
0x142: {  	s7 =	sadd.s32 $0x1E080, s7;
	v5 =	vadd.s32 v8, v5;
	v8 =	vld [tilespmem:s13+$0x300]  }
0x143: {  	s30 =	sor.u32 s23, s7;
	s28 =	sor.u32 s6, s7;
	s6 =	sor.u32 s12, s7;
	v3 =	vadd.s32 v3, v5;
	v5 =	vld [tilespmem:s13+$0x380]  }
0x144: {  	v3 =	vadd.s32 v6, v3;
	v6 =	vld [tilespmem:s6+$0x0]  }
0x145: {  	v9 =	vld [tilespmem:s24+$0x0];
	v3 =	vadd.s32 v4, v3  }
0x146: {  	v4 =	vld [tilespmem:s24+$0x80];
	v3 =	vadd.s32 v7, v3  }
0x147: {  	v7 =	vld [tilespmem:s20+$0x0];
	v3 =	vadd.s32 v8, v3  }
0x148: {  	v8 =	vld [tilespmem:s20+$0x80];
	v3 =	vadd.s32 v5, v3  }
0x149: {  	v5 =	vld [tilespmem:s25+$0x0];
	v3 =	vadd.s32 v6, v3  }
0x14a: {  	v6 =	vld [tilespmem:s25+$0x80];
	[tilespmem:s6+$0x0] =	vst v3  }
0x14b: {  	v3 =	vadd.s32 v9, v4;
	v4 =	vld [tilespmem:s24+$0x100]  }
0x14c: {  	v9 =	vld [tilespmem:s20+$0x100]  }
0x14d: {  	v7 =	vadd.s32 v7, v8;
	v8 =	vld [tilespmem:s25+$0x100]  }
0x14e: {  	v10 =	vld [tilespmem:s24+$0x180]  }
0x14f: {  	v11 =	vld [tilespmem:s20+$0x180];
	v5 =	vadd.s32 v5, v6  }
0x150: {  	v3 =	vadd.s32 v4, v3;
	v4 =	vld [tilespmem:s25+$0x180]  }
0x151: {  	v6 =	vld [tilespmem:s24+$0x200];
	v7 =	vadd.s32 v9, v7  }
0x152: {  	v9 =	vld [tilespmem:s20+$0x200];
	v5 =	vadd.s32 v8, v5  }
0x153: {  	v3 =	vadd.s32 v10, v3;
	v8 =	vld [tilespmem:s25+$0x200]  }
0x154: {  	v10 =	vld [tilespmem:s24+$0x280];
	v7 =	vadd.s32 v11, v7  }
0x155: {  	v11 =	vld [tilespmem:s20+$0x280];
	v4 =	vadd.s32 v4, v5  }
0x156: {  	v3 =	vadd.s32 v6, v3;
	v12 =	vld [tilespmem:s25+$0x280]  }
0x157: {  	v13 =	vld [tilespmem:s24+$0x300];
	v5 =	vadd.s32 v9, v7  }
.Ltmp6:
0x158: {  	v6 =	vld [tilespmem:s20+$0x300];
	v7 =	vadd.s32 v8, v4;
	(pc) =	sbr.rel @p0 .LBB2_13-.Ltmp6, $4  }
0x159: {  	v8 =	vadd.s32 v10, v3;
	v3 =	vld [tilespmem:s25+$0x300]  }
0x15a: {  	v4 =	vld [tilespmem:s24+$0x380];
	v10 =	vadd.s32 v11, v5  }
0x15b: {  	v5 =	vld [tilespmem:s20+$0x380];
	v9 =	vadd.s32 v12, v7  }
0x15c: {  	s0 =	sadd.s32 $0x200, s0;
	s2 =	sadd.s32 $0x40, s2;
	v8 =	vadd.s32 v13, v8;
	v7 =	vld [tilespmem:s25+$0x380]  }
0x15d: {  	v11 =	vld [tilespmem:s30+$0x0]  }
0x15e: {  	v12 =	vld [tilespmem:s28+$0x0];
	_ =	sdelay $0x1  }
0x15f: {  	v6 =	vadd.s32 v6, v10;
	v4 =	vadd.s32 v4, v8  }
0x160: {  	v3 =	vadd.s32 v3, v9;
	v2 =	vadd.s32 v2, v4;
	v4 =	vadd.s32 v5, v6  }
0x161: {  	[tilespmem:s31+$0x0] =	vst v2;
	v2 =	vadd.s32 v7, v3;
	v3 =	vadd.s32 v11, v4  }
0x162: {  	v2 =	vadd.s32 v12, v2;
	[tilespmem:s30+$0x0] =	vst v3  }
0x163: {  	s26 =	simm.s32 $0x1E080;
	s0 =	simm.s32 $0x100;
	[tilespmem:s28+$0x0] =	vst v2  }
0x164: {  	[hbm4b:s10+s14] =	stream.strided.scatter [tilespmem:s26], [sflag:$0x3], $0x800, s0, s14, $0x38;
	[tilespmem:$0x1E880] =	vst v63  }
0x165: {  	_ =	swait.ge [sflag:s21], $0x800  }
0x166: {  	[sflag:s21] =	ssyncset.done $0x0  }
0x167: {  	[sflag:s21] =	ssyncadd.s32 $0xFFFFF800  }
0x168: {  	s24 =	simm.s32 $0xA000;
	[bflag:$0x0] =	sbarrier.arrive $0xFFFF  }
0x169: {  	[spmem:s8] =	stream.strided.scatter [tilespmem:s24], [sflag:$0x3], $0x8000, s15, s14, $0x38;
	[tilespmem:$0x1E880] =	vst v63  }
0x16a: {  	_ =	swait.ge [sflag:s21], $0x8000  }
0x16b: {  	[sflag:s21] =	ssyncset.done $0x0  }
0x16c: {  	[sflag:s21] =	ssyncadd.s32 $0xFFFF8000  }
0x16d: {  	s24 =	simm.s32 $0x0;
	[bflag:$0x0] =	sbarrier.arrive $0xFFFF  }
0x16e: {  	[tilespmem:s22], [sflag:$0x3] =	stream.linear.gather [spmem:s9], $0x4000, $0x38;
	[tilespmem:$0x1E880] =	vst v63  }
0x16f: {  	s25 =	sand.u32 $0x40, s24;
	s2 =	sand.u32 $0x3C00, s24;
	_ =	swait.ge [sflag:s21], $0x4000  }
0x170: {  	s6 =	sadd.s32 $0x1A080, s2;
	s2 =	sor.u32 $0x30, s25;
	[sflag:s21] =	ssyncset.done $0x0  }
0x171: {  	s7 =	sor.u32 s2, s6;
	[sflag:s21] =	ssyncadd.s32 $0xFFFFC000  }
0x172: {  	v2 =	vld [tilespmem:s7+$0x0]  }
0x173: {  	v3 =	vld [tilespmem:s7+$0x80]  }
0x174: {  	v4 =	vld [tilespmem:s7+$0x100]  }
0x175: {  	v5 =	vld [tilespmem:s7+$0x180]  }
0x176: {  	v6 =	vld [tilespmem:s7+$0x200]  }
0x177: {  	v7 =	vld [tilespmem:s7+$0x280]  }
0x178: {  	v8 =	vld [tilespmem:s7+$0x300]  }
0x179: {  	s12 =	sor.u32 s25, s6;
	v9 =	vld [tilespmem:s7+$0x380]  }
0x17a: {  	v10 =	vld [tilespmem:s12+$0x0]  }
0x17b: {  	v11 =	vld [tilespmem:s12+$0x80]  }
0x17c: {  	v16 =	vld [tilespmem:s12+$0x100]  }
0x17d: {  	v19 =	vld [tilespmem:s12+$0x180]  }
0x17e: {  	v22 =	vld [tilespmem:s12+$0x200]  }
0x17f: {  	v25 =	vld [tilespmem:s12+$0x280]  }
0x180: {  	s20 =	sor.u32 $0x10, s25;
	v28 =	vld [tilespmem:s12+$0x300]  }
0x181: {  	s7 =	sor.u32 s20, s6;
	v31 =	vld [tilespmem:s12+$0x380]  }
0x182: {  	s0 =	sor.u32 $0x20, s25;
	v53 =	vld [tilespmem:s7+$0x0]  }
0x183: {  	s6 =	sor.u32 s0, s6;
	v13 =	vld [tilespmem:s7+$0x80]  }
0x184: {  	v14 =	vld [tilespmem:s6+$0x0]  }
0x185: {  	v15 =	vld [tilespmem:s6+$0x80]  }
0x186: {  	v17 =	vld [tilespmem:s7+$0x100]  }
0x187: {  	v18 =	vld [tilespmem:s6+$0x100]  }
0x188: {  	v20 =	vld [tilespmem:s7+$0x180]  }
0x189: {  	v21 =	vld [tilespmem:s6+$0x180]  }
0x18a: {  	v23 =	vld [tilespmem:s7+$0x200]  }
0x18b: {  	v24 =	vld [tilespmem:s6+$0x200]  }
0x18c: {  	v26 =	vld [tilespmem:s7+$0x280]  }
0x18d: {  	v27 =	vld [tilespmem:s6+$0x280]  }
0x18e: {  	s13 =	simm.s32 $0x200;
	s31 =	simm.s32 $0x40;
	v29 =	vld [tilespmem:s7+$0x300]  }
0x18f: {  	s13 =	sand.u32 $0x3C00, s13;
	s23 =	sand.u32 $0x40, s31;
	v30 =	vld [tilespmem:s6+$0x300]  }
0x190: {  	s25 =	sor.u32 $0x30, s23;
	s12 =	sadd.s32 $0x1A080, s13;
	v32 =	vld [tilespmem:s7+$0x380]  }
0x191: {  	s13 =	sor.u32 s25, s12;
	v33 =	vld [tilespmem:s6+$0x380]  }
0x192: {  	v34 =	vld [tilespmem:s13+$0x0]  }
0x193: {  	v35 =	vld [tilespmem:s13+$0x80]  }
0x194: {  	v36 =	vld [tilespmem:s13+$0x100]  }
0x195: {  	v37 =	vld [tilespmem:s13+$0x180]  }
0x196: {  	v38 =	vld [tilespmem:s13+$0x200]  }
0x197: {  	v39 =	vld [tilespmem:s13+$0x280]  }
0x198: {  	v40 =	vld [tilespmem:s13+$0x300]  }
0x199: {  	s29 =	sor.u32 s23, s12;
	v41 =	vld [tilespmem:s13+$0x380]  }
0x19a: {  	v42 =	vld [tilespmem:s29+$0x0]  }
0x19b: {  	v56 =	vld [tilespmem:s29+$0x180]  }
0x19c: {  	s7 =	sor.u32 $0x20, s23;
	v60 =	vld [tilespmem:s29+$0x200]  }
0x19d: {  	s30 =	sor.u32 s7, s12;
	v63 =	vld [tilespmem:s29+$0x280]  }
0x19e: {  	s6 =	sor.u32 $0x10, s23;
	v55 =	vld [tilespmem:s30+$0x100];
	v2 =	vadd.s32 v2, v3  }
0x19f: {  	s28 =	sor.u32 s6, s12;
	v3 =	vld [tilespmem:s29+$0x80];
	v2 =	vadd.s32 v4, v2;
	v54 =	vadd.s32 v14, v15  }
0x1a0: {  	v58 =	vld [tilespmem:s28+$0x180];
	v2 =	vadd.s32 v5, v2;
	v12 =	vadd.s32 v18, v54;
	v57 =	vadd.s32 v34, v35  }
0x1a1: {  	v4 =	vld [tilespmem:s28+$0x0];
	v2 =	vadd.s32 v6, v2;
	v12 =	vadd.s32 v21, v12;
	v15 =	vadd.s32 v36, v57  }
0x1a2: {  	v5 =	vld [tilespmem:s28+$0x80];
	v2 =	vadd.s32 v7, v2;
	v12 =	vadd.s32 v24, v12;
	v15 =	vadd.s32 v37, v15  }
0x1a3: {  	v6 =	vld [tilespmem:s30+$0x0];
	v2 =	vadd.s32 v8, v2;
	v12 =	vadd.s32 v27, v12;
	v15 =	vadd.s32 v38, v15  }
0x1a4: {  	v7 =	vld [tilespmem:s30+$0x80];
	v3 =	vadd.s32 v42, v3;
	v2 =	vadd.s32 v9, v2;
	v9 =	vadd.s32 v10, v11  }
0x1a5: {  	v8 =	vld [tilespmem:s29+$0x100];
	v10 =	vadd.s32 v53, v13;
	v12 =	vadd.s32 v30, v12;
	v15 =	vadd.s32 v39, v15  }
0x1a6: {  	v11 =	vld [tilespmem:s28+$0x100];
	v9 =	vadd.s32 v16, v9;
	v10 =	vadd.s32 v17, v10;
	v15 =	vadd.s32 v40, v15  }
0x1a7: {  	s13 =	sand.u32 $0x780, s24;
	v59 =	vld [tilespmem:s30+$0x180];
	v12 =	vadd.s32 v33, v12;
	v4 =	vadd.s32 v4, v5;
	v9 =	vadd.s32 v19, v9  }
0x1a8: {  	v61 =	vld [tilespmem:s28+$0x200];
	s12 =	sadd.s32 $0x1E080, s13;
	v10 =	vadd.s32 v20, v10;
	v15 =	vadd.s32 v41, v15;
	v9 =	vadd.s32 v22, v9  }
0x1a9: {  	s23 =	sand.u32 $0x780, s31;
	v62 =	vld [tilespmem:s30+$0x200];
	s2 =	sor.u32 s2, s12;
	v10 =	vadd.s32 v23, v10;
	v5 =	vadd.s32 v6, v7;
	v9 =	vadd.s32 v25, v9  }
0x1aa: {  	s24 =	sadd.s32 $0x1E080, s23;
	s0 =	sor.u32 s0, s12;
	[tilespmem:s2+$0x0] =	vst v2;
	v2 =	vld [tilespmem:s28+$0x280];
	v10 =	vadd.s32 v26, v10;
	v6 =	vadd.s32 v8, v3;
	v5 =	vadd.s32 v55, v5  }
0x1ab: {  	s25 =	sor.u32 s25, s24;
	[tilespmem:s0+$0x0] =	vst v12;
	v3 =	vld [tilespmem:s30+$0x280];
	v9 =	vadd.s32 v28, v9;
	v10 =	vadd.s32 v29, v10;
	v7 =	vadd.s32 v11, v4  }
0x1ac: {  	[tilespmem:s25+$0x0] =	vst v15;
	v6 =	vadd.s32 v56, v6;
	v4 =	vld [tilespmem:s29+$0x300];
	v8 =	vadd.s32 v59, v5;
	v9 =	vadd.s32 v31, v9  }
0x1ad: {  	s31 =	simm.s32 $0x80;
	s20 =	sor.u32 s20, s12;
	s2 =	simm.s32 $0x400;
	v5 =	vld [tilespmem:s28+$0x300];
	v10 =	vadd.s32 v32, v10;
	v7 =	vadd.s32 v58, v7;
	v6 =	vadd.s32 v60, v6;
	[tilespmem:s26+$0x0] =	vst v9  }
0x1ae: {  	s0 =	simm.s32 $0x4;
	v8 =	vadd.s32 v62, v8;
	[tilespmem:s20+$0x0] =	vst v10;
	s20 =	sor.u32 s6, s24;
	v9 =	vadd.s32 v61, v7;
	s24 =	sor.u32 s7, s24;
	v7 =	vadd.s32 v63, v6;
	v6 =	vld [tilespmem:s30+$0x300]  }
.LBB2_15:
0x1af: {  	s6 =	sand.u32 $0x40, s31;
	s7 =	sand.u32 $0x3C00, s2;
	v10 =	vld [tilespmem:s29+$0x380];
	v2 =	vadd.s32 v2, v9  }
0x1b0: {  	s0 =	sadd.s32 $0x4, s0;
	s7 =	sadd.s32 $0x1A080, s7;
	s12 =	sor.u32 $0x30, s6;
	v9 =	vld [tilespmem:s28+$0x380];
	v3 =	vadd.s32 v3, v8  }
0x1b1: {  	s13 =	sor.u32 $0x10, s6;
	p0 =	slt.u32 s0, $0x7C;
	s23 =	sor.u32 s12, s7;
	v4 =	vadd.s32 v4, v7;
	v7 =	vld [tilespmem:s30+$0x380]  }
0x1b2: {  	s29 =	sor.u32 s6, s7;
	s28 =	sor.u32 s13, s7;
	s6 =	sor.u32 $0x20, s6;
	v8 =	vld [tilespmem:s23+$0x0];
	v2 =	vadd.s32 v5, v2  }
0x1b3: {  	s30 =	sor.u32 s6, s7;
	v5 =	vld [tilespmem:s23+$0x80];
	v3 =	vadd.s32 v6, v3  }
0x1b4: {  	s26 =	sadd.s32 $0x40, s26;
	v6 =	vld [tilespmem:s23+$0x100];
	v4 =	vadd.s32 v10, v4  }
0x1b5: {  	v10 =	vld [tilespmem:s23+$0x180];
	[tilespmem:s26+$0x0] =	vst v4;
	v2 =	vadd.s32 v9, v2  }
0x1b6: {  	v4 =	vld [tilespmem:s23+$0x200];
	[tilespmem:s20+$0x0] =	vst v2;
	v2 =	vadd.s32 v7, v3  }
0x1b7: {  	v3 =	vld [tilespmem:s23+$0x280];
	[tilespmem:s24+$0x0] =	vst v2  }
0x1b8: {  	v2 =	vadd.s32 v8, v5;
	v5 =	vld [tilespmem:s23+$0x300]  }
0x1b9: {  	v2 =	vadd.s32 v6, v2;
	v6 =	vld [tilespmem:s23+$0x380]  }
0x1ba: {  	v7 =	vld [tilespmem:s29+$0x0];
	v2 =	vadd.s32 v10, v2  }
0x1bb: {  	v8 =	vld [tilespmem:s29+$0x80];
	v2 =	vadd.s32 v4, v2  }
0x1bc: {  	s7 =	sand.u32 $0x780, s31;
	v4 =	vld [tilespmem:s28+$0x0];
	v2 =	vadd.s32 v3, v2  }
0x1bd: {  	s7 =	sadd.s32 $0x1E080, s7;
	v3 =	vld [tilespmem:s28+$0x80];
	v2 =	vadd.s32 v5, v2  }
0x1be: {  	s20 =	sor.u32 s13, s7;
	s24 =	sor.u32 s6, s7;
	s6 =	sor.u32 s12, s7;
	v5 =	vld [tilespmem:s30+$0x0];
	v2 =	vadd.s32 v6, v2  }
0x1bf: {  	v6 =	vld [tilespmem:s30+$0x80];
	[tilespmem:s6+$0x0] =	vst v2  }
0x1c0: {  	v2 =	vadd.s32 v7, v8;
	v7 =	vld [tilespmem:s29+$0x100]  }
0x1c1: {  	v8 =	vld [tilespmem:s28+$0x100]  }
0x1c2: {  	v3 =	vadd.s32 v4, v3;
	v4 =	vld [tilespmem:s30+$0x100]  }
0x1c3: {  	v9 =	vld [tilespmem:s29+$0x180]  }
0x1c4: {  	v10 =	vld [tilespmem:s28+$0x180];
	v5 =	vadd.s32 v5, v6  }
0x1c5: {  	v2 =	vadd.s32 v7, v2;
	v6 =	vld [tilespmem:s30+$0x180]  }
0x1c6: {  	v7 =	vld [tilespmem:s29+$0x200];
	v3 =	vadd.s32 v8, v3  }
0x1c7: {  	v8 =	vld [tilespmem:s28+$0x200];
	v4 =	vadd.s32 v4, v5  }
0x1c8: {  	v5 =	vadd.s32 v9, v2;
	v11 =	vld [tilespmem:s30+$0x200]  }
0x1c9: {  	v12 =	vld [tilespmem:s29+$0x280];
	v9 =	vadd.s32 v10, v3  }
.Ltmp7:
0x1ca: {  	v2 =	vld [tilespmem:s28+$0x280];
	v6 =	vadd.s32 v6, v4;
	(pc) =	sbr.rel @p0 .LBB2_15-.Ltmp7, $4  }
0x1cb: {  	v7 =	vadd.s32 v7, v5;
	v3 =	vld [tilespmem:s30+$0x280]  }
0x1cc: {  	v4 =	vld [tilespmem:s29+$0x300];
	v9 =	vadd.s32 v8, v9  }
0x1cd: {  	v5 =	vld [tilespmem:s28+$0x300];
	v8 =	vadd.s32 v11, v6  }
0x1ce: {  	s2 =	sadd.s32 $0x200, s2;
	s31 =	sadd.s32 $0x40, s31;
	v7 =	vadd.s32 v12, v7;
	v6 =	vld [tilespmem:s30+$0x300]  }
0x1cf: {  	v10 =	vld [tilespmem:s29+$0x380]  }
0x1d0: {  	v11 =	vld [tilespmem:s28+$0x380]  }
0x1d1: {  	v12 =	vld [tilespmem:s30+$0x380];
	_ =	sdelay $0x1  }
0x1d2: {  	v2 =	vadd.s32 v2, v9;
	v4 =	vadd.s32 v4, v7  }
0x1d3: {  	s0 =	sadd.s32 $0x40, s26;
	v3 =	vadd.s32 v3, v8;
	v2 =	vadd.s32 v5, v2;
	v4 =	vadd.s32 v10, v4  }
0x1d4: {  	v3 =	vadd.s32 v6, v3;
	v2 =	vadd.s32 v11, v2;
	[tilespmem:s0+$0x0] =	vst v4  }
0x1d5: {  	[tilespmem:s20+$0x0] =	vst v2;
	v2 =	vadd.s32 v12, v3  }
0x1d6: {  	[tilespmem:s24+$0x0] =	vst v2  }
0x1d7: {  	[tilespmem:s22], [sflag:$0x3] =	stream.linear.gather [spmem:s11], $0x4000, $0x38;
	[tilespmem:$0x1E880] =	vst v63  }
0x1d8: {  	s23 =	simm.s32 $0x0;
	s26 =	simm.s32 $0x1E080;
	_ =	swait.ge [sflag:s21], $0x4000  }
0x1d9: {  	s2 =	sand.u32 $0x40, s23;
	s6 =	sand.u32 $0x3C00, s23;
	[sflag:s21] =	ssyncset.done $0x0  }
0x1da: {  	s6 =	sadd.s32 $0x1A080, s6;
	s7 =	sor.u32 $0x30, s2;
	[sflag:s21] =	ssyncadd.s32 $0xFFFFC000  }
0x1db: {  	s12 =	sor.u32 s7, s6;
	v2 =	vld [tilespmem:s26+$0x0]  }
0x1dc: {  	v3 =	vld [tilespmem:s12+$0x0]  }
0x1dd: {  	v4 =	vld [tilespmem:s12+$0x80]  }
0x1de: {  	v5 =	vld [tilespmem:s12+$0x100]  }
0x1df: {  	v6 =	vld [tilespmem:s12+$0x180]  }
0x1e0: {  	v7 =	vld [tilespmem:s12+$0x200]  }
0x1e1: {  	s0 =	sand.u32 $0x780, s23;
	v8 =	vld [tilespmem:s12+$0x280]  }
0x1e2: {  	s0 =	sadd.s32 $0x1E080, s0;
	v9 =	vld [tilespmem:s12+$0x300]  }
0x1e3: {  	s7 =	sor.u32 s7, s0;
	v10 =	vld [tilespmem:s12+$0x380]  }
0x1e4: {  	s24 =	sor.u32 s2, s6;
	v11 =	vld [tilespmem:s7+$0x0]  }
0x1e5: {  	s13 =	sor.u32 $0x10, s2;
	v60 =	vld [tilespmem:s24+$0x0]  }
0x1e6: {  	s25 =	sor.u32 s13, s6;
	v13 =	vld [tilespmem:s24+$0x80]  }
0x1e7: {  	s2 =	sor.u32 $0x20, s2;
	v14 =	vld [tilespmem:s25+$0x0]  }
0x1e8: {  	s6 =	sor.u32 s2, s6;
	v15 =	vld [tilespmem:s25+$0x80]  }
0x1e9: {  	v16 =	vld [tilespmem:s6+$0x0]  }
0x1ea: {  	v17 =	vld [tilespmem:s6+$0x80]  }
0x1eb: {  	v18 =	vld [tilespmem:s24+$0x100]  }
0x1ec: {  	v19 =	vld [tilespmem:s25+$0x100]  }
0x1ed: {  	v20 =	vld [tilespmem:s6+$0x100]  }
0x1ee: {  	v21 =	vld [tilespmem:s24+$0x180]  }
0x1ef: {  	v22 =	vld [tilespmem:s25+$0x180]  }
0x1f0: {  	v23 =	vld [tilespmem:s25+$0x200];
	v3 =	vadd.s32 v3, v4  }
0x1f1: {  	v24 =	vld [tilespmem:s6+$0x280];
	v3 =	vadd.s32 v5, v3  }
0x1f2: {  	v4 =	vld [tilespmem:s6+$0x180];
	v3 =	vadd.s32 v6, v3  }
0x1f3: {  	v5 =	vld [tilespmem:s24+$0x200];
	v3 =	vadd.s32 v7, v3  }
0x1f4: {  	v7 =	vld [tilespmem:s6+$0x200];
	v3 =	vadd.s32 v8, v3  }
0x1f5: {  	v8 =	vld [tilespmem:s24+$0x280];
	v3 =	vadd.s32 v9, v3  }
0x1f6: {  	v9 =	vld [tilespmem:s25+$0x280];
	v3 =	vadd.s32 v10, v3  }
0x1f7: {  	v10 =	vadd.s32 v11, v3;
	v3 =	vadd.s32 v60, v13;
	v11 =	vld [tilespmem:s24+$0x300]  }
0x1f8: {  	v61 =	vadd.s32 v14, v15;
	v62 =	vadd.s32 v16, v17;
	v6 =	vld [tilespmem:s25+$0x300];
	v3 =	vadd.s32 v18, v3  }
0x1f9: {  	v12 =	vadd.s32 v19, v61;
	v13 =	vadd.s32 v20, v62;
	v63 =	vadd.s32 v21, v3;
	v3 =	vld [tilespmem:s6+$0x300]  }
0x1fa: {  	v12 =	vadd.s32 v22, v12;
	v13 =	vadd.s32 v4, v13;
	v4 =	vld [tilespmem:s24+$0x380];
	v5 =	vadd.s32 v5, v63  }
0x1fb: {  	s29 =	simm.s32 $0x0;
	s31 =	simm.s32 $0x1E080;
	s30 =	sor.u32 s13, s0;
	v12 =	vadd.s32 v23, v12;
	v7 =	vadd.s32 v7, v13;
	v8 =	vadd.s32 v8, v5;
	v5 =	vld [tilespmem:s25+$0x380]  }
0x1fc: {  	s28 =	sor.u32 s2, s0;
	s0 =	simm.s32 $0x200;
	s2 =	simm.s32 $0x40;
	[tilespmem:s7+$0x0] =	vst v10;
	v10 =	vadd.s32 v9, v12;
	v9 =	vadd.s32 v24, v7;
	v7 =	vld [tilespmem:s6+$0x380];
	v8 =	vadd.s32 v11, v8  }
.LBB2_17:
0x1fd: {  	s6 =	sand.u32 $0x40, s2;
	s7 =	sand.u32 $0x3C00, s0;
	v6 =	vadd.s32 v6, v10;
	v10 =	vld [tilespmem:s30+$0x0];
	s26 =	sadd.s32 $0x40, s26  }
0x1fe: {  	s29 =	sadd.s32 $0x4, s29;
	s7 =	sadd.s32 $0x1A080, s7;
	s12 =	sor.u32 $0x30, s6;
	v3 =	vadd.s32 v3, v9;
	v9 =	vld [tilespmem:s28+$0x0]  }
0x1ff: {  	s13 =	sor.u32 $0x10, s6;
	p0 =	slt.u32 s29, $0x7C;
	v11 =	vld [tilespmem:s26+$0x0];
	s23 =	sor.u32 s12, s7;
	v4 =	vadd.s32 v4, v8  }
0x200: {  	s24 =	sor.u32 s6, s7;
	s20 =	sor.u32 s13, s7;
	s6 =	sor.u32 $0x20, s6;
	v8 =	vld [tilespmem:s23+$0x0];
	v2 =	vadd.s32 v2, v4;
	v4 =	vadd.s32 v5, v6  }
0x201: {  	s25 =	sor.u32 s6, s7;
	v5 =	vld [tilespmem:s23+$0x80];
	[tilespmem:s31+$0x0] =	vst v2;
	v2 =	vadd.s32 v7, v3;
	s31 =	smov.u32 s26  }
0x202: {  	v3 =	vld [tilespmem:s23+$0x100];
	v4 =	vadd.s32 v10, v4  }
0x203: {  	v6 =	vld [tilespmem:s23+$0x180];
	[tilespmem:s30+$0x0] =	vst v4;
	v7 =	vadd.s32 v9, v2  }
0x204: {  	v4 =	vld [tilespmem:s23+$0x200];
	[tilespmem:s28+$0x0] =	vst v7;
	v2 =	vmov v11  }
0x205: {  	s7 =	sand.u32 $0x780, s2;
	v7 =	vld [tilespmem:s23+$0x280]  }
0x206: {  	s7 =	sadd.s32 $0x1E080, s7;
	v5 =	vadd.s32 v8, v5;
	v8 =	vld [tilespmem:s23+$0x300]  }
0x207: {  	s30 =	sor.u32 s13, s7;
	s28 =	sor.u32 s6, s7;
	s6 =	sor.u32 s12, s7;
	v3 =	vadd.s32 v3, v5;
	v5 =	vld [tilespmem:s23+$0x380]  }
0x208: {  	v3 =	vadd.s32 v6, v3;
	v6 =	vld [tilespmem:s6+$0x0]  }
0x209: {  	v9 =	vld [tilespmem:s24+$0x0];
	v3 =	vadd.s32 v4, v3  }
0x20a: {  	v4 =	vld [tilespmem:s24+$0x80];
	v3 =	vadd.s32 v7, v3  }
0x20b: {  	v7 =	vld [tilespmem:s20+$0x0];
	v3 =	vadd.s32 v8, v3  }
0x20c: {  	v8 =	vld [tilespmem:s20+$0x80];
	v3 =	vadd.s32 v5, v3  }
0x20d: {  	v5 =	vld [tilespmem:s25+$0x0];
	v3 =	vadd.s32 v6, v3  }
0x20e: {  	v6 =	vld [tilespmem:s25+$0x80];
	[tilespmem:s6+$0x0] =	vst v3  }
0x20f: {  	v3 =	vadd.s32 v9, v4;
	v4 =	vld [tilespmem:s24+$0x100]  }
0x210: {  	v9 =	vld [tilespmem:s20+$0x100]  }
0x211: {  	v7 =	vadd.s32 v7, v8;
	v8 =	vld [tilespmem:s25+$0x100]  }
0x212: {  	v10 =	vld [tilespmem:s24+$0x180]  }
0x213: {  	v11 =	vld [tilespmem:s20+$0x180];
	v5 =	vadd.s32 v5, v6  }
0x214: {  	v3 =	vadd.s32 v4, v3;
	v4 =	vld [tilespmem:s25+$0x180]  }
0x215: {  	v6 =	vld [tilespmem:s24+$0x200];
	v7 =	vadd.s32 v9, v7  }
0x216: {  	v9 =	vld [tilespmem:s20+$0x200];
	v5 =	vadd.s32 v8, v5  }
0x217: {  	v3 =	vadd.s32 v10, v3;
	v8 =	vld [tilespmem:s25+$0x200]  }
0x218: {  	v10 =	vld [tilespmem:s24+$0x280];
	v7 =	vadd.s32 v11, v7  }
0x219: {  	v11 =	vld [tilespmem:s20+$0x280];
	v4 =	vadd.s32 v4, v5  }
0x21a: {  	v3 =	vadd.s32 v6, v3;
	v12 =	vld [tilespmem:s25+$0x280]  }
0x21b: {  	v13 =	vld [tilespmem:s24+$0x300];
	v5 =	vadd.s32 v9, v7  }
.Ltmp8:
0x21c: {  	v6 =	vld [tilespmem:s20+$0x300];
	v7 =	vadd.s32 v8, v4;
	(pc) =	sbr.rel @p0 .LBB2_17-.Ltmp8, $4  }
0x21d: {  	v8 =	vadd.s32 v10, v3;
	v3 =	vld [tilespmem:s25+$0x300]  }
0x21e: {  	v4 =	vld [tilespmem:s24+$0x380];
	v10 =	vadd.s32 v11, v5  }
0x21f: {  	v5 =	vld [tilespmem:s20+$0x380];
	v9 =	vadd.s32 v12, v7  }
0x220: {  	s0 =	sadd.s32 $0x200, s0;
	s2 =	sadd.s32 $0x40, s2;
	v8 =	vadd.s32 v13, v8;
	v7 =	vld [tilespmem:s25+$0x380]  }
0x221: {  	v11 =	vld [tilespmem:s30+$0x0]  }
0x222: {  	v12 =	vld [tilespmem:s28+$0x0];
	_ =	sdelay $0x1  }
0x223: {  	v6 =	vadd.s32 v6, v10;
	v4 =	vadd.s32 v4, v8  }
0x224: {  	v3 =	vadd.s32 v3, v9;
	v2 =	vadd.s32 v2, v4;
	v63 =	vadd.s32 v5, v6  }
0x225: {  	[tilespmem:s31+$0x0] =	vst v2;
	v2 =	vadd.s32 v7, v3;
	v3 =	vadd.s32 v11, v63  }
0x226: {  	v2 =	vadd.s32 v12, v2;
	[tilespmem:s30+$0x0] =	vst v3  }
0x227: {  	[tilespmem:s28+$0x0] =	vst v2  }
0x228: {  	s2 =	simm.s32 $0x100;
	s6 =	simm.s32 $0x1E080;
	s0 =	rddreg [dreg:$0x7]  }
0x229: {  	[hbm4b:s0+s14] =	stream.strided.scatter [tilespmem:s6], [sflag:$0x3], $0x800, s2, s14, $0x38;
	[tilespmem:$0x1E880] =	vst v63  }
0x22a: {  	_ =	swait.ge [sflag:s21], $0x800  }
0x22b: {  	s3 =	sadd.s32 $0x1, s3;
	s31 =	rddreg [dreg:$0x8]  }
0x22c: {  	p0 =	sne.s32 s3, s31  }
.Ltmp9:
0x22d: {  	_ = 	snop;
	(pc) =	sbr.rel @p0 .LBB2_1-.Ltmp9, $3  }
0x22e: {  	[sflag:s21] =	ssyncset.done $0x0  }
0x22f: {  	[sflag:s21] =	ssyncadd.s32 $0xFFFFF800  }
0x230: {  	[bflag:$0x0] =	sbarrier.arrive $0xFFFF;
	_ =	sdelay $0x1  }
0x231: {  	_ =	sfence.sel $0x180000  }
0x232: {  	[bflag:$0x0] =	sbarrier.arrive $0xFFFF  }
0x233: {  	_ =	strace $0x90000047  }
0x234: {  	s0 =	stileid.u32;
	[bflag:$0x2] =	sbarrier.arrive $0xFFFF  }
0x235: {  	p0 =	sne.s32 s0, $0x0;
	s0 =	rddreg [dreg:$0x4]  }
0x236: {  	s0 =	sadd.s32 @!p0 $0x100000, s0  }
0x237: {  	[sflag:s0] =	ssyncadd.tile.s32 @!p0 $0x1;
	_ =	shalt  }
.Lfunc_end2:
_tile_overlayer_lowered:
.L_overlay_start_2:
0x238: {  	(tag) =	ssettag $0x2  }
0x239: {  	s0 =	rddreg [dreg:$0x0];
	s2 =	stileid.u32  }
0x23a: {  	s1 =	rddreg [dreg:$0x1];
	p0 =	sne.s32 s2, $0x0  }
0x23b: {  	s3 =	rddreg [dreg:$0x2];
	[bflag:$0x3] =	sbarrier.arrive $0xFFFF;
	s2 =	simm.s32 @!p0 $0x1C03  }
0x23c: {  	[timem:s3], [sflag:s2] =	dma.local @!p0 [hbm:s0], s1  }
0x23d: {  	s0 =	simm.s32 @!p0 $0x3  }
0x23e: {  	_ =	swait.ge @!p0 [sflag:s0], s1  }
0x23f: {  	s1 =	ssub.s32 @!p0 $0x0, s1;
	[sflag:s0] =	ssyncset.done @!p0 $0x0  }
0x240: {  	[sflag:s0] =	ssyncadd.s32 @!p0 s1  }
0x241: {  	[bflag:$0x3] =	sbarrier.arrive $0xFFFF  }
0x242: {  	_ =	shalt  }

// kernel: kernel.9.cloned.1.call-start
scs
__scs_entry_jumppad:
0x0: {  	(pc) =	sbr.rel $0x88, $3  }
0x1: {  	(tag) =	ssettag $0x0;
	lr =	simm.s32 $0x1  }
0x2: {  	[smem:$0x3FA0] =	sst lr;
	_ =	strace $0xD0000000  }
0x3: {  	_ = 	snop  }
0x4: {  	_ = 	snop  }
0x5: {  	_ = 	snop  }
0x6: {  	_ = 	snop  }
0x7: {  	_ = 	snop  }
__scs_overlays_trampoline_lowered:
0x8: {  	[smem:$0x3FAF] =	sst s0  }
0x9: {  	[smem:$0x3FB0] =	sst s1  }
0xa: {  	[smem:$0x3FB1] =	sst s2  }
0xb: {  	[smem:$0x3FB2] =	sst s3  }
0xc: {  	[smem:$0x3FB3] =	sst s4  }
0xd: {  	[smem:$0x3FB4] =	sst s5  }
0xe: {  	[smem:$0x3FB5] =	sst s6  }
0xf: {  	[smem:$0x3FB6] =	sst s7  }
0x10: {  	[smem:$0x3FB7] =	sst s8  }
0x11: {  	[smem:$0x3FB8] =	sst s9;
	s0 =	simm.s32 @!p0 $0x0  }
0x12: {  	s1 =	sld [smem:$0x3F9E];
	s0 =	simm.s32 @p0 $0x1  }
0x13: {  	[smem:$0x3FB9] =	sst s0;
	s0 =	simm.s32 @!p1 $0x0  }
0x14: {  	s2 =	sld [smem:$0x3F9D];
	s0 =	simm.s32 @p1 $0x1  }
0x15: {  	[smem:$0x3FBA] =	sst s0;
	s0 =	simm.s32 @!p2 $0x0  }
0x16: {  	s3 =	sld [smem:$0x3FDB];
	s0 =	simm.s32 @p2 $0x1  }
0x17: {  	s4 =	simm.s32 $0x1BF5;
	[smem:$0x3FBC] =	sst s0  }
0x18: {  	s0 =	sld [smem:$0x3F9F];
	_ =	swait.ge [sflag:s4], $0x0  }
0x19: {  	s7 =	sld [smem:$0x3FA0]  }
0x1a: {  	s8 =	sadd.s32 $0xFFFFE003, lr  }
0x1b: {  	s9 =	sadd.s32 $0xFFFFFEF7, lr;
	s5 =	simm.s32 $0xFFFFFFFF;
	p2 =	slt.u32 s8, $0xFFFFF086  }
0x1c: {  	p1 =	slt.u32 s9, $0xF7A;
	s5 =	simm.s32 @!p2 $0x0  }
0x1d: {  	s5 =	simm.s32 @p1 $0x1;
	p0 =	seq.s32 s7, s2  }
0x1e: {  	s7 =	smul.u32 @!p0 $0xF7A, s2;
	p2 =	seq.s32 @!p0 s5, $0x0  }
0x1f: {  	s9 =	smul.u32 $0xF7A, s1;
	s8 =	simm.s32 @!p0 $0x1BF5;
	p2 =	por !p2, p0  }
0x20: {  	[sflag:s8] =	ssyncset.s32 @!p0 $0xFFFFF086;
	s6 =	sadd.s32 @!p0 s3, s7;
	s7 =	simm.s32 @!p0 $0x108  }
0x21: {  	s3 =	sadd.s32 s3, s9;
	s6 =	sadd.s32 @!p0 $0x88, s6;
	s7 =	simm.s32 @p2 $0x1082  }
0x22: {  	[simem:s7], [sflag:s8] =	dma.local @!p0 [hbm:s6], $0xF7A  }
0x23: {  	s9 =	sor.u32 $0xD0000000, s2;
	s6 =	simm.s32 $0x108;
	_ =	swait.ge @!p0 [sflag:s8], $0x0  }
0x24: {  	s3 =	sadd.s32 $0x88, s3;
	s6 =	simm.s32 @!p1 $0x1082;
	[sflag:s4] =	ssyncset.s32 $0xFFFFF086  }
0x25: {  	[simem:s6], [sflag:s4] =	dma.local [hbm:s3], $0xF7A  }
0x26: {  	[smem:$0x3FA0] =	sst s1;
	(tag) =	ssettag s2;
	_ =	strace s9  }
0x27: {  	s1 =	sld [smem:$0x3FB0]  }
0x28: {  	s2 =	sld [smem:$0x3FB1]  }
0x29: {  	s4 =	sld [smem:$0x3FB3]  }
0x2a: {  	p0 =	seq.s32 s5, $0x0;
	s5 =	sld [smem:$0x3FB4]  }
0x2b: {  	s6 =	sld [smem:$0x3FB5]  }
0x2c: {  	s7 =	sld [smem:$0x3FB6]  }
0x2d: {  	s3 =	simm.s32 $0x108;
	s8 =	sld [smem:$0x3FB7]  }
0x2e: {  	s3 =	simm.s32 @!p0 $0x1082;
	s9 =	sld [smem:$0x3FB8]  }
0x2f: {  	lr =	sadd.s32 s0, s3;
	s0 =	sld [smem:$0x3FAF]  }
0x30: {  	s3 =	sld [smem:$0x3FB2]  }
0x31: {  	[smem:$0x3FBB] =	sst s10  }
0x32: {  	s10 =	sld [smem:$0x3FB9];
	_ =	sdelay $0x3  }
0x33: {  	p0 =	seq.s32 s10, $0x1;
	s10 =	sld [smem:$0x3FBB];
	_ =	sdelay $0x3  }
0x34: {  	[smem:$0x3FBB] =	sst s10  }
0x35: {  	s10 =	sld [smem:$0x3FBA];
	_ =	sdelay $0x3  }
0x36: {  	p1 =	seq.s32 s10, $0x1;
	s10 =	sld [smem:$0x3FBB];
	_ =	sdelay $0x3  }
0x37: {  	[smem:$0x3FBB] =	sst s10  }
0x38: {  	s10 =	sld [smem:$0x3FBC]  }
0x39: {  	_ = 	snop;
	(pc) =	sbr.ind lr, $3  }
0x3a: {  	_ = 	snop  }
0x3b: {  	_ = 	snop  }
0x3c: {  	p2 =	seq.s32 s10, $0x1;
	s10 =	sld [smem:$0x3FBB]  }
0x3d: {  	_ =	shalt  }
0x3e: {  	_ =	shalt  }
0x3f: {  	_ =	shalt  }
0x40: {  	_ =	shalt  }
0x41: {  	_ =	shalt  }
0x42: {  	_ =	shalt  }
0x43: {  	_ =	shalt  }
0x44: {  	_ =	shalt  }
0x45: {  	_ =	shalt  }
0x46: {  	_ =	shalt  }
0x47: {  	_ =	shalt  }
0x48: {  	_ =	shalt  }
0x49: {  	_ =	shalt  }
0x4a: {  	_ =	shalt  }
0x4b: {  	_ =	shalt  }
0x4c: {  	_ =	shalt  }
0x4d: {  	_ =	shalt  }
0x4e: {  	_ =	shalt  }
0x4f: {  	_ =	shalt  }
0x50: {  	_ =	shalt  }
0x51: {  	_ =	shalt  }
0x52: {  	_ =	shalt  }
0x53: {  	_ =	shalt  }
0x54: {  	_ =	shalt  }
0x55: {  	_ =	shalt  }
0x56: {  	_ =	shalt  }
0x57: {  	_ =	shalt  }
0x58: {  	_ =	shalt  }
0x59: {  	_ =	shalt  }
0x5a: {  	_ =	shalt  }
0x5b: {  	_ =	shalt  }
0x5c: {  	_ =	shalt  }
0x5d: {  	_ =	shalt  }
0x5e: {  	_ =	shalt  }
0x5f: {  	_ =	shalt  }
0x60: {  	_ =	shalt  }
0x61: {  	_ =	shalt  }
0x62: {  	_ =	shalt  }
0x63: {  	_ =	shalt  }
0x64: {  	_ =	shalt  }
0x65: {  	_ =	shalt  }
0x66: {  	_ =	shalt  }
0x67: {  	_ =	shalt  }
0x68: {  	_ =	shalt  }
0x69: {  	_ =	shalt  }
0x6a: {  	_ =	shalt  }
0x6b: {  	_ =	shalt  }
0x6c: {  	_ =	shalt  }
0x6d: {  	_ =	shalt  }
0x6e: {  	_ =	shalt  }
0x6f: {  	_ =	shalt  }
0x70: {  	_ =	shalt  }
0x71: {  	_ =	shalt  }
0x72: {  	_ =	shalt  }
0x73: {  	_ =	shalt  }
0x74: {  	_ =	shalt  }
0x75: {  	_ =	shalt  }
0x76: {  	_ =	shalt  }
0x77: {  	_ =	shalt  }
0x78: {  	_ =	shalt  }
0x79: {  	_ =	shalt  }
0x7a: {  	_ =	shalt  }
0x7b: {  	_ =	shalt  }
0x7c: {  	_ =	shalt  }
0x7d: {  	_ =	shalt  }
0x7e: {  	_ =	shalt  }
0x7f: {  	_ =	shalt  }
0x80: {  	_ =	shalt  }
0x81: {  	_ =	shalt  }
0x82: {  	_ =	shalt  }
0x83: {  	_ =	shalt  }
0x84: {  	_ =	shalt  }
0x85: {  	_ =	shalt  }
0x86: {  	_ =	shalt  }
0x87: {  	_ =	shalt  }
.Lfunc_end0:
.L_simem_size_0:
called_computation.1_lowered:
.L_overlay_start_0:
0x88: {  	s2 =	sld [smem:$0x3FD9]  }
0x89: {  	s3 =	sld [smem:$0x3FFE];
	_ =	sdelay $0x1  }
0x8a: {  	s1 =	srdreg.scid  }
0x8b: {  	s0 =	sand.u32 $0x1, s1  }
0x8c: {  	s17 =	sshll.u32 s0, $0xA;
	s2 =	sadd.s32 s3, s2  }
0x8d: {  	s2 =	sadd.s32 s2, s17  }
0x8e: {  	[smem:$0x3FC7] =	sst s2  }
0x8f: {  	_ = 	snop  }
0x90: {  	s2 =	sld [smem:$0x3FC9]  }
0x91: {  	s18 =	sld [smem:$0x3FD0];
	(tm) =	ssettm $0x1  }
0x92: {  	s4 =	sld [smem:$0x3FFB];
	_ =	sdelay $0x3  }
0x93: {  	_ =	strace s4  }
0x94: {  	s4 =	sld [smem:$0x3FFC];
	_ =	sdelay $0x3  }
0x95: {  	_ =	strace s4  }
0x96: {  	s4 =	sld [smem:$0x3FFD];
	_ =	sdelay $0x3  }
0x97: {  	_ =	strace s4  }
0x98: {  	_ =	strace $0x8FFFFFFF  }
0x99: {  	s19 =	sld [smem:$0x3FDB];
	_ =	sdelay $0x1  }
0x9a: {  	s5 =	simm.s32 $_scs_section_size  }
0x9b: {  	s6 =	simm.s32 $_size__tile_overlayer_lowered;
	s7 =	simm.s32 $_tile_overlayer_lowered  }
0x9c: {  	s22 =	simm.s32 $0x1BFF;
	s21 =	sshll.u32 s7, $0x1;
	s4 =	sadd.s32 s5, s19  }
0x9d: {  	s8 =	simm.s32 $0x0;
	s20 =	sshll.u32 s6, $0x1;
	s6 =	sadd.s32 s21, s4  }
0x9e: {  	[timem:s8], [sflag:s22] =	dma.local [hbm:s6], s20  }
0x9f: {  	_ =	swait.ge [sflag:s22], s20  }
0xa0: {  	s5 =	ssub.s32 $0x0, s20;
	[sflag:s22] =	ssyncset.done $0x0  }
0xa1: {  	[sflag:s22] =	ssyncadd.s32 s5;
	_ =	sdelay $0x1  }
0xa2: {  	s23 =	simm.s32 $0x1B8B  }
0xa3: {  	_ =	swait.ge [sflag:s23], $0x1  }
0xa4: {  	[sflag:s23] =	ssyncset.done $0x0  }
0xa5: {  	s25 =	simm.s32 $0x1B8E;
	s24 =	sld [smem:$0x3FFE];
	[sflag:s23] =	ssyncadd.s32 $0xFFFFFFFF  }
0xa6: {  	s26 =	simm.s32 $execute0_lowered;
	[smem:$0x3FD2] =	sst s25  }
0xa7: {  	s6 =	sshll.u32 s26, $0x1;
	_ =	strace $0x80000049;
	[dreg:$0x1] =	wrdreg $0xFFFFFFFF  }
0xa8: {  	s28 =	simm.s32 $_size_execute0_lowered;
	s4 =	sadd.s32 s4, s6;
	[dreg:$0x0] =	wrdreg $0x0  }
0xa9: {  	s6 =	sshll.u32 s28, $0x1;
	[dreg:$0x2] =	wrdreg s4  }
0xaa: {  	[dreg:$0x3] =	wrdreg s6  }
0xab: {  	[dreg:$0x4] =	wrdreg $0xC0  }
0xac: {  	_ =	task [dreg:s8], $0x5FFFF  }
0xad: {  	[dreg:$0x1] =	wrdreg $0xFFFFFFFF  }
0xae: {  	[dreg:$0x0] =	wrdreg $0x60  }
0xaf: {  	[dreg:$0x2] =	wrdreg s2  }
0xb0: {  	[dreg:$0x3] =	wrdreg s24  }
0xb1: {  	[dreg:$0x4] =	wrdreg s18  }
0xb2: {  	[dreg:$0x5] =	wrdreg $0x121000  }
0xb3: {  	[dreg:$0x6] =	wrdreg $0x9  }
0xb4: {  	_ =	task.clear_ibuf [dreg:s8], $0x7FFFF;
	_ =	strace $0x90000049  }
0xb5: {  	s29 =	simm.s32 $0x9;
	_ =	strace $0x8000004B  }
0xb6: {  	_ =	swait.ge [sflag:s29], $0x1  }
0xb7: {  	[sflag:s29] =	ssyncadd.s32 $0xFFFFFFFF  }
0xb8: {  	_ =	strace $0x9000004B  }
0xb9: {  	_ =	sfence  }
0xba: {  	s30 =	sld [smem:$0x0];
	_ =	sdelay $0x2  }
0xbb: {  	s31 =	sshll.u32 s1, $0xD;
	s1 =	sshrl.u32 s1, $0x2  }
0xbc: {  	s3 =	sand.u32 $0x4000, s31;
	s1 =	sadd.s32 s1, s30  }
0xbd: {  	s0 =	sor.u32 s3, s0;
	s1 =	sshll.u32 s1, $0x11  }
0xbe: {  	s0 =	sor.u32 s1, s0  }
0xbf: {  	s0 =	sadd.s32 $0x8F2B, s0  }
0xc0: {  	[sflag:s0] =	ssyncadd.remote.s32 $0x1  }
0xc1: {  	_ =	sfence.sel $0xFFFF  }
0xc2: {  	[dreg:$0x0] =	wrdreg $0xFFFFFFFF;
	(pc) =	sbr.abs _section_cstart, $3  }
0xc3: {  	[dreg:$0x1] =	wrdreg $0xFFFFFFFF  }
0xc4: {  	_ =	task.clear_ibuf [dreg:s8], $0x2FFFF;
	_ =	strace $0x9FFFFFFF  }
0xc5: {  	(tm) =	ssettm $0x7FFFFFFF  }
tec
execute0_lowered:
.L_overlay_start_1:
0x0: {  	(tag) =	ssettag $0x1  }
0x1: {  	s1 =	rddreg [dreg:$0x0]  }
0x2: {  	s0 =	rddreg [dreg:$0x1]  }
0x3: {  	s2 =	rddreg [dreg:$0x2]  }
0x4: {  	s4 =	rddreg [dreg:$0x3]  }
0x5: {  	s3 =	simm.s32 $0x0;
	s5 =	srdreg.scid;
	s12 =	stileid.u32  }
0x6: {  	s16 =	simm.s32 $0x3;
	s17 =	simm.s32 $0x80;
	s18 =	simm.s32 $0x400  }
0x7: {  	s19 =	simm.s32 $0x1000;
	s20 =	simm.s32 $0x1;
	[smem:$0x7FF] =	sst s3  }
0x8: {  	s7 =	sand.u32 $0x1, s5;
	s21 =	sshll.u32 s12, $0x1;
	s6 =	sadd.s32 $0x2E00, s0  }
0x9: {  	s9 =	sshll.u32 s12, $0xF;
	s24 =	sshll.u32 s12, $0x7;
	s26 =	sshll.u32 s12, $0x9  }
0xa: {  	s28 =	sshll.u32 s12, $0xE;
	_ =	strace $0x8000004A;
	[dreg:$0x5] =	wrdreg s6  }
0xb: {  	s22 =	sor.u32 s7, s21;
	s23 =	ssub.s32 $0x2, s7;
	s8 =	sshll.u32 s7, $0x6  }
0xc: {  	s25 =	sand.u32 $0x40000, s9;
	s7 =	sshll.u32 s7, $0x4;
	s21 =	simm.s32 $0x2000  }
0xd: {  	s10 =	sshll.u32 s22, $0x4;
	s11 =	sshrl.u32 s23, $0x1;
	s8 =	sor.u32 s8, s9  }
0xe: {  	s6 =	sshll.u32 s22, $0x2;
	s9 =	sadd.s32 s28, s4;
	s29 =	sor.u32 s7, s26  }
0xf: {  	s22 =	simm.s32 $0x2;
	s0 =	sadd.s32 s10, s0;
	s5 =	sadd.s32 s1, s8  }
0x10: {  	s14 =	ssub.s32 s23, s11;
	s10 =	sand.u32 $0x380, s24;
	s8 =	sadd.s32 $0x1000, s5  }
0x11: {  	s12 =	sadd.s32 s2, s29;
	s0 =	sadd.s32 $0x3000, s0;
	[dreg:$0x6] =	wrdreg s8  }
0x12: {  	s11 =	sadd.s32 $0x40000, s9;
	s30 =	sadd.s32 $0x2000, s12;
	[dreg:$0x7] =	wrdreg s0  }
0x13: {  	s31 =	smax.u32 s14, $0x1;
	s0 =	sadd.s32 s25, s4;
	[dreg:$0x8] =	wrdreg s30  }
0x14: {  	v0 =	vimm.s32 $0x0;
	v1 =	vimm.s32 $0x1;
	s24 =	simm.s32 $0x1A100;
	[dreg:$0x9] =	wrdreg s31;
	s10 =	sadd.s32 s10, s0  }
.LBB2_1:
0x15: {  	s0 =	simm.s32 $0x2040  }
0x16: {  	[tilespmem:s0+$0xFFFFFFC0] =	vst v0  }
0x17: {  	[tilespmem:s0+$0x30] =	vst v0  }
0x18: {  	[tilespmem:s0+$0x20] =	vst v0  }
0x19: {  	[tilespmem:s0+$0x10] =	vst v0  }
0x1a: {  	[tilespmem:s0+$0x0] =	vst v0  }
0x1b: {  	[tilespmem:s0+$0xFFFFFFF0] =	vst v0  }
0x1c: {  	s2 =	simm.s32 $0x0;
	[tilespmem:s0+$0xFFFFFFE0] =	vst v0  }
.LBB2_2:
0x1d: {  	s2 =	sadd.s32 $0x8, s2;
	[tilespmem:s0+$0xFFFFFFD0] =	vst v0;
	s0 =	sadd.s32 $0x80, s0  }
0x1e: {  	[tilespmem:s0+$0xFFFFFFC0] =	vst v0;
	p0 =	slt.u32 s2, $0xFF8  }
0x1f: {  	[tilespmem:s0+$0x30] =	vst v0  }
.Ltmp0:
0x20: {  	[tilespmem:s0+$0x20] =	vst v0;
	(pc) =	sbr.rel @p0 .LBB2_2-.Ltmp0, $4  }
0x21: {  	[tilespmem:s0+$0x10] =	vst v0  }
0x22: {  	[tilespmem:s0+$0x0] =	vst v0  }
0x23: {  	[tilespmem:s0+$0xFFFFFFF0] =	vst v0  }
0x24: {  	[tilespmem:s0+$0xFFFFFFE0] =	vst v0  }
0x25: {  	[tilespmem:s0+$0xFFFFFFD0] =	vst v0;
	s29 =	simm.s32 $0x0;
	s30 =	rddreg [dreg:$0x5];
	s2 =	simm.s32 $0x12000  }
0x26: {  	[tilespmem:s2], [sflag:$0x3] =	stream.linear.gather [hbm4b:s30+s29], $0x80, $0x38;
	[tilespmem:$0x1E900] =	vst v63  }
0x27: {  	_ =	swait.ge [sflag:s16], $0x80  }
0x28: {  	[sflag:s16] =	ssyncset.done $0x0  }
0x29: {  	[sflag:s16] =	ssyncadd.s32 $0xFFFFFF80  }
0x2a: {  	v2 =	vld [tilespmem:$0x12000];
	_ =	sdelay $0x1  }
0x2b: {  	[tilespmem:s29], [sflag:$0x1] =	stream.strided.gather [hbm4b:s5+s17], $0x1000, s18, s17, $0x38;
	[tilespmem:$0x1E900] =	vst v63  }
0x2c: {  	s31 =	rddreg [dreg:$0x6]  }
0x2d: {  	v3 =	vimm.s32 $0x7FFFFFFF;
	v4 =	vimm.s32 $0x7FFFFFFF;
	[tilespmem:s19], [sflag:$0x2] =	stream.strided.gather [hbm4b:s31+s17], $0x1000, s18, s17, $0x38;
	[tilespmem:$0x1E900] =	vst v63  }
.LBB2_4:
0x2e: {  	_ =	swait.ge [sflag:s20], $0x1000  }
0x2f: {  	[sflag:s20] =	ssyncset.done $0x0  }
0x30: {  	s0 =	simm.s32 $0x40;
	[sflag:s20] =	ssyncadd.s32 $0xFFFFF000  }
0x31: {  	v5 =	vld [tilespmem:s0+$0x0]  }
0x32: {  	v6 =	vld [tilespmem:s0+$0x10]  }
0x33: {  	v7 =	vld [tilespmem:s0+$0x20]  }
0x34: {  	v8 =	vld [tilespmem:s0+$0x30]  }
0x35: {  	v9 =	vld [tilespmem:s0+$0xFFFFFFE0]  }
0x36: {  	v10 =	vld [tilespmem:s0+$0xFFFFFFF0];
	v11 =	vor.u32 $0x80000000, v5;
	v12 =	vxor.u32 $0xFFFFFFFF, v5;
	vm0 =	vlt.s32 v5, $0x0  }
0x37: {  	v13 =	vor.u32 $0x80000000, v6;
	v14 =	vxor.u32 $0xFFFFFFFF, v6;
	vm1 =	vlt.s32 v6, $0x0  }
0x38: {  	v15 =	vor.u32 $0x80000000, v7;
	v16 =	vxor.u32 $0xFFFFFFFF, v7;
	vm2 =	vlt.s32 v7, $0x0  }
0x39: {  	v5 =	vld [tilespmem:s0+$0xFFFFFFC0];
	v7 =	vor.u32 $0x80000000, v8;
	v17 =	vxor.u32 $0xFFFFFFFF, v8;
	vm3 =	vlt.s32 v8, $0x0  }
0x3a: {  	v6 =	vld [tilespmem:s0+$0xFFFFFFD0];
	v18 =	vor.u32 $0x80000000, v9;
	v19 =	vxor.u32 $0xFFFFFFFF, v9;
	vm4 =	vlt.s32 v9, $0x0  }
0x3b: {  	v9 =	vor.u32 $0x80000000, v10;
	v20 =	vxor.u32 $0xFFFFFFFF, v10;
	vm5 =	vlt.s32 v10, $0x0  }
0x3c: {  	v8 =	vsel vm0, v12, v11;
	v10 =	vsel vm4, v19, v18;
	v7 =	vsel vm3, v17, v7  }
0x3d: {  	v9 =	vsel vm5, v20, v9;
	v19 =	vxor.u32 $0x80000000, v8;
	v60 =	vxor.u32 $0x80000000, v7  }
0x3e: {  	v18 =	vxor.u32 $0x80000000, v10;
	v63 =	vxor.u32 $0x80000000, v9;
	v21 =	vor.u32 $0x80000000, v5  }
0x3f: {  	v22 =	vxor.u32 $0xFFFFFFFF, v5;
	vm6 =	vlt.s32 v5, $0x0;
	v23 =	vor.u32 $0x80000000, v6  }
0x40: {  	v24 =	vxor.u32 $0xFFFFFFFF, v6;
	vm7 =	vlt.s32 v6, $0x0;
	v6 =	vsel vm1, v14, v13  }
0x41: {  	v5 =	vsel vm2, v16, v15;
	v15 =	vshrl.u32 v10, $0x10;
	v14 =	vshrl.u32 v8, $0x10  }
0x42: {  	v16 =	vshrl.u32 v9, $0x10;
	v12 =	vsel vm6, v22, v21;
	v11 =	vsel vm7, v24, v23  }
0x43: {  	v20 =	vxor.u32 $0x80000000, v5;
	v59 =	vxor.u32 $0x80000000, v6;
	v61 =	vshrl.u32 v12, $0x10  }
0x44: {  	v62 =	vxor.u32 $0x80000000, v12;
	v17 =	vshrl.u32 v11, $0x10;
	v25 =	vxor.u32 $0x80000000, v11  }
0x45: {  	vm0 =	vgt.s32 v61, v2;
	vm1 =	vlt.s32 v3, v62;
	vm2 =	vlt.s32 v4, v25  }
0x46: {  	v24 =	vsel vm1, v3, v62;
	vm1 =	vgt.s32 v17, v2;
	v25 =	vsel vm2, v4, v25  }
0x47: {  	v13 =	vshrl.u32 v6, $0x10;
	v3 =	vsel vm0, v24, v3;
	v4 =	vsel vm1, v25, v4  }
0x48: {  	vm0 =	vgt.s32 v15, v2;
	vm1 =	vlt.s32 v3, v18;
	vm2 =	vlt.s32 v4, v63  }
0x49: {  	v18 =	vsel vm1, v3, v18;
	vm1 =	vgt.s32 v16, v2;
	v24 =	vsel vm2, v4, v63  }
0x4a: {  	v3 =	vsel vm0, v18, v3;
	v4 =	vsel vm1, v24, v4;
	v18 =	vshrl.u32 v5, $0x10  }
0x4b: {  	vm0 =	vgt.s32 v14, v2;
	vm1 =	vlt.s32 v3, v19;
	vm2 =	vlt.s32 v4, v59  }
0x4c: {  	v19 =	vsel vm1, v3, v19;
	vm1 =	vgt.s32 v13, v2;
	v21 =	vsel vm2, v4, v59  }
0x4d: {  	v3 =	vsel vm0, v19, v3;
	v4 =	vsel vm1, v21, v4;
	v19 =	vshrl.u32 v7, $0x10  }
0x4e: {  	vm0 =	vgt.s32 v18, v2;
	vm1 =	vlt.s32 v3, v20;
	vm2 =	vlt.s32 v4, v60  }
0x4f: {  	v20 =	vsel vm1, v3, v20;
	vm1 =	vgt.s32 v19, v2;
	v21 =	vsel vm2, v4, v60  }
0x50: {  	s30 =	simm.s32 $0xC0;
	s0 =	simm.s32 $0x0;
	vm3 =	veq.s32 v61, v2;
	v3 =	vsel vm0, v20, v3;
	v4 =	vsel vm1, v21, v4  }
.LBB2_5:
0x51: {  	v20 =	vld [tilespmem:s30+$0x0];
	vm7 =	veq.s32 v17, v2;
	vm6 =	veq.s32 v15, v2;
	vm5 =	veq.s32 v16, v2  }
0x52: {  	vm4 =	veq.s32 v14, v2;
	vm2 =	veq.s32 v13, v2;
	vm0 =	veq.s32 v18, v2;
	v15 =	vld [tilespmem:s30+$0x10]  }
0x53: {  	v12 =	vand.u32 $0xFFFF, v12;
	v11 =	vand.u32 $0xFFFF, v11;
	vm1 =	veq.s32 v19, v2;
	v13 =	vld [tilespmem:s30+$0x20]  }
0x54: {  	v10 =	vand.u32 $0xFFFF, v10;
	v9 =	vand.u32 $0xFFFF, v9;
	v8 =	vand.u32 $0xFFFF, v8;
	v14 =	vld [tilespmem:s30+$0x30]  }
0x55: {  	v17 =	vand.u32 $0xFFFF, v6;
	v18 =	vand.u32 $0xFFFF, v5;
	v19 =	vand.u32 $0xFFFF, v7;
	v16 =	vld [tilespmem:s30+$0xFFFFFFE0]  }
0x56: {  	v5 =	vld [tilespmem:s30+$0xFFFFFFF0];
	v6 =	vor.u32 $0x80000000, v20;
	v7 =	vxor.u32 $0xFFFFFFFF, v20;
	vm8 =	vlt.s32 v20, $0x0  }
0x57: {  	v20 =	vld [tilespmem:s30+$0xFFFFFFC0];
	v21 =	vor.u32 $0x80000000, v15;
	v22 =	vxor.u32 $0xFFFFFFFF, v15;
	vm9 =	vlt.s32 v15, $0x0  }
0x58: {  	v15 =	vld [tilespmem:s30+$0xFFFFFFD0];
	v23 =	vor.u32 $0x80000000, v13;
	v24 =	vxor.u32 $0xFFFFFFFF, v13;
	vm10 =	vlt.s32 v13, $0x0  }
0x59: {  	v13 =	vor.u32 $0x80000000, v14;
	v25 =	vxor.u32 $0xFFFFFFFF, v14;
	vm11 =	vlt.s32 v14, $0x0;
	[tilespmem:v12+s21+$0x0] =	vst.idx.add.s32.msk vm3, v1  }
0x5a: {  	v12 =	vor.u32 $0x80000000, v16;
	v14 =	vxor.u32 $0xFFFFFFFF, v16;
	vm3 =	vlt.s32 v16, $0x0;
	[tilespmem:v11+s21+$0x0] =	vst.idx.add.s32.msk vm7, v1  }
0x5b: {  	v11 =	vor.u32 $0x80000000, v5;
	v16 =	vxor.u32 $0xFFFFFFFF, v5;
	vm7 =	vlt.s32 v5, $0x0;
	[tilespmem:v10+s21+$0x0] =	vst.idx.add.s32.msk vm6, v1  }
0x5c: {  	v26 =	vor.u32 $0x80000000, v20;
	v27 =	vxor.u32 $0xFFFFFFFF, v20;
	vm6 =	vlt.s32 v20, $0x0;
	[tilespmem:v9+s21+$0x0] =	vst.idx.add.s32.msk vm5, v1  }
0x5d: {  	s0 =	sadd.s32 $0x8, s0;
	v20 =	vor.u32 $0x80000000, v15;
	v28 =	vxor.u32 $0xFFFFFFFF, v15;
	vm5 =	vlt.s32 v15, $0x0;
	[tilespmem:v8+s21+$0x0] =	vst.idx.add.s32.msk vm4, v1  }
0x5e: {  	p0 =	slt.u32 s0, $0xF8;
	v5 =	vsel vm10, v24, v23;
	v8 =	vsel vm8, v7, v6;
	v6 =	vsel vm9, v22, v21  }
0x5f: {  	v10 =	vsel vm3, v14, v12;
	v9 =	vsel vm7, v16, v11;
	v7 =	vsel vm11, v25, v13  }
0x60: {  	v12 =	vsel vm6, v27, v26;
	v11 =	vsel vm5, v28, v20;
	v20 =	vxor.u32 $0x80000000, v5;
	[tilespmem:v17+s21+$0x0] =	vst.idx.add.s32.msk vm2, v1  }
0x61: {  	v21 =	vxor.u32 $0x80000000, v8;
	v22 =	vxor.u32 $0x80000000, v6;
	v23 =	vxor.u32 $0x80000000, v7;
	[tilespmem:v18+s21+$0x0] =	vst.idx.add.s32.msk vm0, v1  }
0x62: {  	v15 =	vshrl.u32 v10, $0x10;
	v14 =	vshrl.u32 v8, $0x10;
	v13 =	vshrl.u32 v6, $0x10;
	[tilespmem:v19+s21+$0x0] =	vst.idx.add.s32.msk vm1, v1  }
0x63: {  	v16 =	vshrl.u32 v9, $0x10;
	v24 =	vshrl.u32 v12, $0x10;
	v18 =	vxor.u32 $0x80000000, v10  }
0x64: {  	v25 =	vxor.u32 $0x80000000, v11;
	v17 =	vshrl.u32 v11, $0x10;
	v19 =	vxor.u32 $0x80000000, v12  }
0x65: {  	vm2 =	vlt.s32 v4, v25;
	vm0 =	vgt.s32 v24, v2;
	vm1 =	vlt.s32 v3, v19  }
0x66: {  	v25 =	vsel vm2, v4, v25;
	v19 =	vsel vm1, v3, v19;
	vm1 =	vgt.s32 v17, v2  }
0x67: {  	v3 =	vsel vm0, v19, v3;
	v4 =	vsel vm1, v25, v4;
	v19 =	vxor.u32 $0x80000000, v9  }
0x68: {  	vm0 =	vgt.s32 v15, v2;
	vm1 =	vlt.s32 v3, v18;
	vm2 =	vlt.s32 v4, v19  }
0x69: {  	v18 =	vsel vm1, v3, v18;
	vm1 =	vgt.s32 v16, v2;
	v19 =	vsel vm2, v4, v19  }
0x6a: {  	v3 =	vsel vm0, v18, v3;
	v4 =	vsel vm1, v19, v4;
	v18 =	vshrl.u32 v5, $0x10  }
0x6b: {  	vm0 =	vgt.s32 v14, v2;
	vm1 =	vlt.s32 v3, v21;
	vm2 =	vlt.s32 v4, v22  }
.Ltmp1:
0x6c: {  	v19 =	vsel vm1, v3, v21;
	vm1 =	vgt.s32 v13, v2;
	v21 =	vsel vm2, v4, v22;
	(pc) =	sbr.rel @p0 .LBB2_5-.Ltmp1, $4  }
0x6d: {  	v3 =	vsel vm0, v19, v3;
	v4 =	vsel vm1, v21, v4;
	v19 =	vshrl.u32 v7, $0x10  }
0x6e: {  	vm0 =	vgt.s32 v18, v2;
	vm1 =	vlt.s32 v3, v20;
	vm2 =	vlt.s32 v4, v23  }
0x6f: {  	v20 =	vsel vm1, v3, v20;
	vm1 =	vgt.s32 v19, v2;
	v21 =	vsel vm2, v4, v23  }
0x70: {  	s30 =	sadd.s32 $0x80, s30;
	vm3 =	veq.s32 v24, v2;
	v3 =	vsel vm0, v20, v3;
	v4 =	vsel vm1, v21, v4  }
0x71: {  	vm0 =	veq.s32 v17, v2;
	v12 =	vand.u32 $0xFFFF, v12  }
0x72: {  	vm1 =	veq.s32 v15, v2;
	v11 =	vand.u32 $0xFFFF, v11  }
0x73: {  	vm2 =	veq.s32 v16, v2;
	v10 =	vand.u32 $0xFFFF, v10  }
0x74: {  	vm4 =	veq.s32 v14, v2;
	v9 =	vand.u32 $0xFFFF, v9  }
0x75: {  	vm5 =	veq.s32 v13, v2;
	v8 =	vand.u32 $0xFFFF, v8  }
0x76: {  	s30 =	sshll.u32 s29, $0x1;
	p0 =	seq.s32 s29, $0xF;
	vm6 =	veq.s32 v18, v2;
	v6 =	vand.u32 $0xFFFF, v6;
	[tilespmem:v12+s21+$0x0] =	vst.idx.add.s32.msk vm3, v1  }
0x77: {  	v5 =	vand.u32 $0xFFFF, v5;
	s0 =	sadd.s32 @!p0 $0x2, s30;
	vm3 =	veq.s32 v19, v2;
	[tilespmem:v11+s21+$0x0] =	vst.idx.add.s32.msk vm0, v1  }
0x78: {  	v7 =	vand.u32 $0xFFFF, v7;
	s2 =	sshrl.u32 @!p0 s0, $0x3;
	[tilespmem:v10+s21+$0x0] =	vst.idx.add.s32.msk vm1, v1  }
0x79: {  	s2 =	sadd.s32 @!p0 s6, s2;
	[tilespmem:v9+s21+$0x0] =	vst.idx.add.s32.msk vm2, v1  }
0x7a: {  	s0 =	sshll.u32 @!p0 s0, $0xC;
	s4 =	sshll.u32 @!p0 s2, $0xC;
	s2 =	sshll.u32 @!p0 s2, $0x4;
	[tilespmem:v8+s21+$0x0] =	vst.idx.add.s32.msk vm4, v1  }
0x7b: {  	s0 =	sand.u32 @!p0 $0x6000, s0;
	s4 =	sand.u32 @!p0 $0xFFF8000, s4;
	s2 =	sand.u32 @!p0 $0x70, s2;
	[tilespmem:v6+s21+$0x0] =	vst.idx.add.s32.msk vm5, v1  }
0x7c: {  	s7 =	simm.s32 @!p0 $0x0;
	s0 =	sor.u32 @!p0 s4, s0;
	s2 =	sadd.s32 @!p0 s1, s2;
	[tilespmem:v5+s21+$0x0] =	vst.idx.add.s32.msk vm6, v1  }
0x7d: {  	s4 =	simm.s32 @!p0 $0x400;
	s0 =	sadd.s32 @!p0 s0, s2;
	s2 =	simm.s32 @!p0 $0x80;
	[tilespmem:v7+s21+$0x0] =	vst.idx.add.s32.msk vm3, v1  }
0x7e: {  	[tilespmem:s7], [sflag:$0x1] =	stream.strided.gather @!p0 [hbm4b:s0+s2], $0x1000, s4, s2, $0x38;
	[tilespmem:$0x1E900] =	vst v63  }
0x7f: {  	_ =	swait.ge [sflag:s22], $0x1000  }
0x80: {  	[sflag:s22] =	ssyncset.done $0x0  }
0x81: {  	s28 =	simm.s32 $0x1040;
	[sflag:s22] =	ssyncadd.s32 $0xFFFFF000  }
0x82: {  	v5 =	vld [tilespmem:s28+$0x0]  }
0x83: {  	v6 =	vld [tilespmem:s28+$0x10]  }
0x84: {  	v7 =	vld [tilespmem:s28+$0x20]  }
0x85: {  	v8 =	vld [tilespmem:s28+$0x30]  }
0x86: {  	v9 =	vld [tilespmem:s28+$0xFFFFFFE0]  }
0x87: {  	v10 =	vld [tilespmem:s28+$0xFFFFFFF0];
	v11 =	vor.u32 $0x80000000, v5;
	v12 =	vxor.u32 $0xFFFFFFFF, v5;
	vm0 =	vlt.s32 v5, $0x0  }
0x88: {  	v13 =	vor.u32 $0x80000000, v6;
	v14 =	vxor.u32 $0xFFFFFFFF, v6;
	vm1 =	vlt.s32 v6, $0x0  }
0x89: {  	v15 =	vor.u32 $0x80000000, v7;
	v16 =	vxor.u32 $0xFFFFFFFF, v7;
	vm2 =	vlt.s32 v7, $0x0  }
0x8a: {  	v5 =	vld [tilespmem:s28+$0xFFFFFFC0];
	v17 =	vor.u32 $0x80000000, v8;
	v18 =	vxor.u32 $0xFFFFFFFF, v8;
	vm3 =	vlt.s32 v8, $0x0  }
0x8b: {  	v6 =	vld [tilespmem:s28+$0xFFFFFFD0];
	v8 =	vor.u32 $0x80000000, v9;
	v19 =	vxor.u32 $0xFFFFFFFF, v9;
	vm4 =	vlt.s32 v9, $0x0  }
0x8c: {  	v9 =	vor.u32 $0x80000000, v10;
	v20 =	vxor.u32 $0xFFFFFFFF, v10;
	vm5 =	vlt.s32 v10, $0x0  }
0x8d: {  	v7 =	vsel vm0, v12, v11;
	v10 =	vsel vm4, v19, v8;
	v8 =	vsel vm3, v18, v17  }
0x8e: {  	v9 =	vsel vm5, v20, v9;
	v19 =	vxor.u32 $0x80000000, v7;
	v60 =	vxor.u32 $0x80000000, v8  }
0x8f: {  	v18 =	vxor.u32 $0x80000000, v10;
	v63 =	vxor.u32 $0x80000000, v9;
	v21 =	vor.u32 $0x80000000, v5  }
0x90: {  	v22 =	vxor.u32 $0xFFFFFFFF, v5;
	vm15 =	vlt.s32 v5, $0x0;
	v23 =	vor.u32 $0x80000000, v6  }
0x91: {  	v24 =	vxor.u32 $0xFFFFFFFF, v6;
	vm7 =	vlt.s32 v6, $0x0;
	v6 =	vsel vm1, v14, v13  }
0x92: {  	v5 =	vsel vm2, v16, v15;
	v15 =	vshrl.u32 v10, $0x10;
	v14 =	vshrl.u32 v7, $0x10  }
0x93: {  	v16 =	vshrl.u32 v9, $0x10;
	v12 =	vsel vm15, v22, v21;
	v11 =	vsel vm7, v24, v23  }
0x94: {  	v20 =	vxor.u32 $0x80000000, v5;
	v59 =	vxor.u32 $0x80000000, v6;
	v61 =	vshrl.u32 v12, $0x10  }
0x95: {  	v62 =	vxor.u32 $0x80000000, v12;
	v17 =	vshrl.u32 v11, $0x10;
	v25 =	vxor.u32 $0x80000000, v11  }
0x96: {  	vm0 =	vgt.s32 v61, v2;
	vm1 =	vlt.s32 v3, v62;
	vm2 =	vlt.s32 v4, v25  }
0x97: {  	v24 =	vsel vm1, v3, v62;
	vm1 =	vgt.s32 v17, v2;
	v25 =	vsel vm2, v4, v25  }
0x98: {  	v13 =	vshrl.u32 v6, $0x10;
	v3 =	vsel vm0, v24, v3;
	v4 =	vsel vm1, v25, v4  }
0x99: {  	vm0 =	vgt.s32 v15, v2;
	vm1 =	vlt.s32 v3, v18;
	vm2 =	vlt.s32 v4, v63  }
0x9a: {  	v18 =	vsel vm1, v3, v18;
	vm1 =	vgt.s32 v16, v2;
	v24 =	vsel vm2, v4, v63  }
0x9b: {  	v3 =	vsel vm0, v18, v3;
	v4 =	vsel vm1, v24, v4;
	v18 =	vshrl.u32 v5, $0x10  }
0x9c: {  	vm0 =	vgt.s32 v14, v2;
	vm1 =	vlt.s32 v3, v19;
	vm2 =	vlt.s32 v4, v59  }
0x9d: {  	v19 =	vsel vm1, v3, v19;
	vm1 =	vgt.s32 v13, v2;
	v21 =	vsel vm2, v4, v59  }
0x9e: {  	v3 =	vsel vm0, v19, v3;
	v4 =	vsel vm1, v21, v4;
	v19 =	vshrl.u32 v8, $0x10  }
0x9f: {  	vm0 =	vgt.s32 v18, v2;
	vm1 =	vlt.s32 v3, v20;
	vm2 =	vlt.s32 v4, v60  }
0xa0: {  	v20 =	vsel vm1, v3, v20;
	vm1 =	vgt.s32 v19, v2;
	v21 =	vsel vm2, v4, v60  }
0xa1: {  	s31 =	simm.s32 $0x10C0;
	s0 =	simm.s32 $0x0;
	vm3 =	veq.s32 v61, v2;
	v3 =	vsel vm0, v20, v3;
	v4 =	vsel vm1, v21, v4  }
.LBB2_7:
0xa2: {  	v20 =	vld [tilespmem:s31+$0x0];
	vm7 =	veq.s32 v17, v2;
	vm6 =	veq.s32 v15, v2;
	vm5 =	veq.s32 v16, v2  }
0xa3: {  	vm4 =	veq.s32 v14, v2;
	vm2 =	veq.s32 v13, v2;
	vm0 =	veq.s32 v18, v2;
	v15 =	vld [tilespmem:s31+$0x10]  }
0xa4: {  	v12 =	vand.u32 $0xFFFF, v12;
	v11 =	vand.u32 $0xFFFF, v11;
	vm1 =	veq.s32 v19, v2;
	v13 =	vld [tilespmem:s31+$0x20]  }
0xa5: {  	v10 =	vand.u32 $0xFFFF, v10;
	v9 =	vand.u32 $0xFFFF, v9;
	v7 =	vand.u32 $0xFFFF, v7;
	v14 =	vld [tilespmem:s31+$0x30]  }
0xa6: {  	v17 =	vand.u32 $0xFFFF, v6;
	v18 =	vand.u32 $0xFFFF, v5;
	v19 =	vand.u32 $0xFFFF, v8;
	v16 =	vld [tilespmem:s31+$0xFFFFFFE0]  }
0xa7: {  	v5 =	vld [tilespmem:s31+$0xFFFFFFF0];
	v6 =	vor.u32 $0x80000000, v20;
	v8 =	vxor.u32 $0xFFFFFFFF, v20;
	vm8 =	vlt.s32 v20, $0x0  }
0xa8: {  	v20 =	vld [tilespmem:s31+$0xFFFFFFC0];
	v21 =	vor.u32 $0x80000000, v15;
	v22 =	vxor.u32 $0xFFFFFFFF, v15;
	vm9 =	vlt.s32 v15, $0x0  }
0xa9: {  	v15 =	vld [tilespmem:s31+$0xFFFFFFD0];
	v23 =	vor.u32 $0x80000000, v13;
	v24 =	vxor.u32 $0xFFFFFFFF, v13;
	vm10 =	vlt.s32 v13, $0x0  }
0xaa: {  	v13 =	vor.u32 $0x80000000, v14;
	v25 =	vxor.u32 $0xFFFFFFFF, v14;
	vm11 =	vlt.s32 v14, $0x0;
	[tilespmem:v12+s21+$0x0] =	vst.idx.add.s32.msk vm3, v1  }
0xab: {  	v12 =	vor.u32 $0x80000000, v16;
	v14 =	vxor.u32 $0xFFFFFFFF, v16;
	vm3 =	vlt.s32 v16, $0x0;
	[tilespmem:v11+s21+$0x0] =	vst.idx.add.s32.msk vm7, v1  }
0xac: {  	v11 =	vor.u32 $0x80000000, v5;
	v16 =	vxor.u32 $0xFFFFFFFF, v5;
	vm7 =	vlt.s32 v5, $0x0;
	[tilespmem:v10+s21+$0x0] =	vst.idx.add.s32.msk vm6, v1  }
0xad: {  	v26 =	vor.u32 $0x80000000, v20;
	v27 =	vxor.u32 $0xFFFFFFFF, v20;
	vm6 =	vlt.s32 v20, $0x0;
	[tilespmem:v9+s21+$0x0] =	vst.idx.add.s32.msk vm5, v1  }
0xae: {  	s0 =	sadd.s32 $0x8, s0;
	v20 =	vor.u32 $0x80000000, v15;
	v28 =	vxor.u32 $0xFFFFFFFF, v15;
	vm5 =	vlt.s32 v15, $0x0;
	[tilespmem:v7+s21+$0x0] =	vst.idx.add.s32.msk vm4, v1  }
0xaf: {  	p1 =	slt.u32 s0, $0xF8;
	v5 =	vsel vm10, v24, v23;
	v7 =	vsel vm8, v8, v6;
	v6 =	vsel vm9, v22, v21  }
0xb0: {  	v10 =	vsel vm3, v14, v12;
	v9 =	vsel vm7, v16, v11;
	v8 =	vsel vm11, v25, v13  }
0xb1: {  	v12 =	vsel vm6, v27, v26;
	v11 =	vsel vm5, v28, v20;
	v20 =	vxor.u32 $0x80000000, v5;
	[tilespmem:v17+s21+$0x0] =	vst.idx.add.s32.msk vm2, v1  }
0xb2: {  	v21 =	vxor.u32 $0x80000000, v7;
	v22 =	vxor.u32 $0x80000000, v6;
	v23 =	vxor.u32 $0x80000000, v8;
	[tilespmem:v18+s21+$0x0] =	vst.idx.add.s32.msk vm0, v1  }
0xb3: {  	v15 =	vshrl.u32 v10, $0x10;
	v14 =	vshrl.u32 v7, $0x10;
	v13 =	vshrl.u32 v6, $0x10;
	[tilespmem:v19+s21+$0x0] =	vst.idx.add.s32.msk vm1, v1  }
0xb4: {  	v16 =	vshrl.u32 v9, $0x10;
	v24 =	vshrl.u32 v12, $0x10;
	v18 =	vxor.u32 $0x80000000, v10  }
0xb5: {  	v25 =	vxor.u32 $0x80000000, v11;
	v17 =	vshrl.u32 v11, $0x10;
	v19 =	vxor.u32 $0x80000000, v12  }
0xb6: {  	vm2 =	vlt.s32 v4, v25;
	vm0 =	vgt.s32 v24, v2;
	vm1 =	vlt.s32 v3, v19  }
0xb7: {  	v25 =	vsel vm2, v4, v25;
	v19 =	vsel vm1, v3, v19;
	vm1 =	vgt.s32 v17, v2  }
0xb8: {  	v3 =	vsel vm0, v19, v3;
	v4 =	vsel vm1, v25, v4;
	v19 =	vxor.u32 $0x80000000, v9  }
0xb9: {  	vm0 =	vgt.s32 v15, v2;
	vm1 =	vlt.s32 v3, v18;
	vm2 =	vlt.s32 v4, v19  }
0xba: {  	v18 =	vsel vm1, v3, v18;
	vm1 =	vgt.s32 v16, v2;
	v19 =	vsel vm2, v4, v19  }
0xbb: {  	v3 =	vsel vm0, v18, v3;
	v4 =	vsel vm1, v19, v4;
	v18 =	vshrl.u32 v5, $0x10  }
0xbc: {  	vm0 =	vgt.s32 v14, v2;
	vm1 =	vlt.s32 v3, v21;
	vm2 =	vlt.s32 v4, v22  }
.Ltmp2:
0xbd: {  	v19 =	vsel vm1, v3, v21;
	vm1 =	vgt.s32 v13, v2;
	v21 =	vsel vm2, v4, v22;
	(pc) =	sbr.rel @p1 .LBB2_7-.Ltmp2, $4  }
0xbe: {  	v3 =	vsel vm0, v19, v3;
	v4 =	vsel vm1, v21, v4;
	v19 =	vshrl.u32 v8, $0x10  }
0xbf: {  	vm0 =	vgt.s32 v18, v2;
	vm1 =	vlt.s32 v3, v20;
	vm2 =	vlt.s32 v4, v23  }
0xc0: {  	v20 =	vsel vm1, v3, v20;
	vm1 =	vgt.s32 v19, v2;
	v21 =	vsel vm2, v4, v23  }
0xc1: {  	s31 =	sadd.s32 $0x80, s31;
	vm3 =	veq.s32 v24, v2;
	v3 =	vsel vm0, v20, v3;
	v4 =	vsel vm1, v21, v4  }
0xc2: {  	vm0 =	veq.s32 v17, v2;
	v12 =	vand.u32 $0xFFFF, v12  }
0xc3: {  	vm1 =	veq.s32 v15, v2;
	v11 =	vand.u32 $0xFFFF, v11  }
0xc4: {  	vm2 =	veq.s32 v16, v2;
	v10 =	vand.u32 $0xFFFF, v10  }
0xc5: {  	vm4 =	veq.s32 v14, v2;
	v9 =	vand.u32 $0xFFFF, v9  }
0xc6: {  	vm5 =	veq.s32 v13, v2;
	v7 =	vand.u32 $0xFFFF, v7  }
0xc7: {  	vm6 =	veq.s32 v18, v2;
	v6 =	vand.u32 $0xFFFF, v6;
	[tilespmem:v12+s21+$0x0] =	vst.idx.add.s32.msk vm3, v1  }
0xc8: {  	vm15 =	veq.s32 v19, v2;
	v5 =	vand.u32 $0xFFFF, v5;
	[tilespmem:v11+s21+$0x0] =	vst.idx.add.s32.msk vm0, v1  }
0xc9: {  	v8 =	vand.u32 $0xFFFF, v8;
	[tilespmem:v10+s21+$0x0] =	vst.idx.add.s32.msk vm1, v1  }
.Ltmp3:
0xca: {  	[tilespmem:v9+s21+$0x0] =	vst.idx.add.s32.msk vm2, v1;
	(pc) =	sbr.rel @p0 .LBB2_10-.Ltmp3, $4  }
0xcb: {  	[tilespmem:v7+s21+$0x0] =	vst.idx.add.s32.msk vm4, v1  }
0xcc: {  	[tilespmem:v6+s21+$0x0] =	vst.idx.add.s32.msk vm5, v1  }
0xcd: {  	[tilespmem:v5+s21+$0x0] =	vst.idx.add.s32.msk vm6, v1  }
0xce: {  	[tilespmem:v8+s21+$0x0] =	vst.idx.add.s32.msk vm15, v1  }
0xcf: {  	s0 =	sadd.s32 $0x3, s30  }
0xd0: {  	s2 =	sshrl.u32 s0, $0x3  }
0xd1: {  	s0 =	sshll.u32 s0, $0xC;
	s2 =	sadd.s32 s6, s2  }
.Ltmp4:
0xd2: {  	s4 =	sshll.u32 s2, $0xC;
	s2 =	sshll.u32 s2, $0x4;
	(pc) =	sbr.rel .LBB2_4-.Ltmp4, $4  }
0xd3: {  	s0 =	sand.u32 $0x7000, s0;
	s4 =	sand.u32 $0xFFF8000, s4;
	s2 =	sand.u32 $0x70, s2  }
0xd4: {  	s0 =	sor.u32 s4, s0;
	s2 =	sadd.s32 s1, s2  }
0xd5: {  	s29 =	sadd.s32 $0x1, s29;
	s0 =	sadd.s32 s0, s2  }
0xd6: {  	[tilespmem:s19], [sflag:$0x2] =	stream.strided.gather [hbm4b:s0+s17], $0x1000, s18, s17, $0x38;
	[tilespmem:$0x1E900] =	vst v63  }
.LBB2_10:
0xd7: {  	vm0 =	vlt.s32 v4, v3  }
0xd8: {  	v2 =	vsel vm0, v4, v3  }
0xd9: {  	s0 =	simm.s32 $0x0;
	s2 =	rddreg [dreg:$0x7];
	s4 =	simm.s32 $0x12080;
	[tilespmem:$0x12080] =	vst v2  }
0xda: {  	[hbm4b:s2+s0] =	stream.linear.scatter [tilespmem:s4], [sflag:$0x3], $0x80, $0x38;
	[tilespmem:$0x1E900] =	vst v63  }
0xdb: {  	_ =	swait.ge [sflag:s16], $0x80  }
0xdc: {  	[sflag:s16] =	ssyncset.done $0x0  }
0xdd: {  	[sflag:s16] =	ssyncadd.s32 $0xFFFFFF80  }
0xde: {  	[spmem:s10] =	stream.strided.scatter [tilespmem:s21], [sflag:$0x3], $0x8000, s18, s17, $0x38;
	[tilespmem:$0x1E900] =	vst v63  }
0xdf: {  	_ =	swait.ge [sflag:s16], $0x8000  }
0xe0: {  	[sflag:s16] =	ssyncset.done $0x0  }
0xe1: {  	[sflag:s16] =	ssyncadd.s32 $0xFFFF8000  }
0xe2: {  	[bflag:$0x0] =	sbarrier.arrive $0xFFFF  }
0xe3: {  	[tilespmem:s24], [sflag:$0x3] =	stream.linear.gather [spmem:s9], $0x4000, $0x38;
	[tilespmem:$0x1E900] =	vst v63  }
0xe4: {  	s8 =	sand.u32 $0x40, s0;
	s13 =	sand.u32 $0x3C00, s0;
	_ =	swait.ge [sflag:s16], $0x4000  }
0xe5: {  	s15 =	sor.u32 $0x30, s8;
	s4 =	sadd.s32 $0x1A100, s13;
	[sflag:s16] =	ssyncset.done $0x0  }
0xe6: {  	s7 =	sor.u32 s15, s4;
	[sflag:s16] =	ssyncadd.s32 $0xFFFFC000  }
0xe7: {  	v2 =	vld [tilespmem:s7+$0x0]  }
0xe8: {  	v3 =	vld [tilespmem:s7+$0x80]  }
0xe9: {  	v4 =	vld [tilespmem:s7+$0x100]  }
0xea: {  	v5 =	vld [tilespmem:s7+$0x180]  }
0xeb: {  	v6 =	vld [tilespmem:s7+$0x200]  }
0xec: {  	v7 =	vld [tilespmem:s7+$0x280]  }
0xed: {  	v8 =	vld [tilespmem:s7+$0x300]  }
0xee: {  	s25 =	sor.u32 s8, s4;
	v9 =	vld [tilespmem:s7+$0x380]  }
0xef: {  	s23 =	sor.u32 $0x10, s8;
	v10 =	vld [tilespmem:s25+$0x0]  }
0xf0: {  	s14 =	sor.u32 s23, s4;
	v11 =	vld [tilespmem:s25+$0x80]  }
0xf1: {  	s2 =	sor.u32 $0x20, s8;
	v12 =	vld [tilespmem:s14+$0x0]  }
0xf2: {  	s28 =	sor.u32 s2, s4;
	v13 =	vld [tilespmem:s14+$0x80]  }
0xf3: {  	v14 =	vld [tilespmem:s28+$0x0]  }
0xf4: {  	v15 =	vld [tilespmem:s28+$0x80]  }
0xf5: {  	v16 =	vld [tilespmem:s25+$0x100]  }
0xf6: {  	v17 =	vld [tilespmem:s14+$0x100]  }
0xf7: {  	v18 =	vld [tilespmem:s28+$0x100]  }
0xf8: {  	v19 =	vld [tilespmem:s25+$0x180]  }
0xf9: {  	v20 =	vld [tilespmem:s14+$0x180]  }
0xfa: {  	v21 =	vld [tilespmem:s28+$0x180]  }
0xfb: {  	v22 =	vld [tilespmem:s25+$0x200]  }
0xfc: {  	v23 =	vld [tilespmem:s14+$0x200]  }
0xfd: {  	v24 =	vld [tilespmem:s28+$0x200]  }
0xfe: {  	v25 =	vld [tilespmem:s25+$0x280]  }
0xff: {  	v26 =	vld [tilespmem:s14+$0x280]  }
0x100: {  	v27 =	vld [tilespmem:s28+$0x280]  }
0x101: {  	v28 =	vld [tilespmem:s25+$0x300]  }
0x102: {  	v29 =	vld [tilespmem:s14+$0x300]  }
0x103: {  	s8 =	simm.s32 $0x200;
	v30 =	vld [tilespmem:s28+$0x300]  }
0x104: {  	s26 =	simm.s32 $0x40;
	s4 =	sand.u32 $0x3C00, s8;
	v31 =	vld [tilespmem:s25+$0x380]  }
0x105: {  	s31 =	sand.u32 $0x40, s26;
	s13 =	sadd.s32 $0x1A100, s4;
	v32 =	vld [tilespmem:s14+$0x380]  }
0x106: {  	s30 =	sor.u32 s31, s13;
	v33 =	vld [tilespmem:s28+$0x380]  }
0x107: {  	v42 =	vld [tilespmem:s30+$0x0]  }
0x108: {  	v56 =	vld [tilespmem:s30+$0x180]  }
0x109: {  	s4 =	sor.u32 $0x30, s31;
	v60 =	vld [tilespmem:s30+$0x200]  }
0x10a: {  	s14 =	sor.u32 s4, s13;
	v63 =	vld [tilespmem:s30+$0x280]  }
0x10b: {  	v34 =	vld [tilespmem:s14+$0x0]  }
0x10c: {  	v35 =	vld [tilespmem:s14+$0x80]  }
0x10d: {  	v36 =	vld [tilespmem:s14+$0x100]  }
0x10e: {  	v37 =	vld [tilespmem:s14+$0x180]  }
0x10f: {  	v38 =	vld [tilespmem:s14+$0x200]  }
0x110: {  	v39 =	vld [tilespmem:s14+$0x280]  }
0x111: {  	v40 =	vld [tilespmem:s14+$0x300]  }
0x112: {  	s7 =	sor.u32 $0x20, s31;
	v41 =	vld [tilespmem:s14+$0x380];
	v2 =	vadd.s32 v2, v3  }
0x113: {  	s28 =	sor.u32 $0x10, s31;
	s31 =	sor.u32 s7, s13;
	v3 =	vld [tilespmem:s30+$0x80];
	v2 =	vadd.s32 v4, v2;
	v57 =	vadd.s32 v34, v35  }
0x114: {  	s29 =	sor.u32 s28, s13;
	v55 =	vld [tilespmem:s31+$0x100];
	v54 =	vadd.s32 v14, v15;
	v2 =	vadd.s32 v5, v2;
	v15 =	vadd.s32 v36, v57  }
0x115: {  	v4 =	vld [tilespmem:s29+$0x0];
	v2 =	vadd.s32 v6, v2;
	v15 =	vadd.s32 v37, v15  }
0x116: {  	v5 =	vld [tilespmem:s29+$0x80];
	v2 =	vadd.s32 v7, v2;
	v15 =	vadd.s32 v38, v15  }
0x117: {  	v6 =	vld [tilespmem:s31+$0x0];
	v2 =	vadd.s32 v8, v2;
	v15 =	vadd.s32 v39, v15  }
0x118: {  	v7 =	vld [tilespmem:s31+$0x80];
	v3 =	vadd.s32 v42, v3;
	v2 =	vadd.s32 v9, v2;
	v9 =	vadd.s32 v10, v11  }
0x119: {  	v58 =	vld [tilespmem:s29+$0x180];
	v10 =	vadd.s32 v12, v13;
	v12 =	vadd.s32 v18, v54;
	v15 =	vadd.s32 v40, v15  }
0x11a: {  	v8 =	vld [tilespmem:s30+$0x100];
	v9 =	vadd.s32 v16, v9;
	v10 =	vadd.s32 v17, v10;
	v12 =	vadd.s32 v21, v12  }
0x11b: {  	v11 =	vld [tilespmem:s29+$0x100];
	v15 =	vadd.s32 v41, v15;
	v4 =	vadd.s32 v4, v5;
	v9 =	vadd.s32 v19, v9  }
0x11c: {  	s0 =	sand.u32 $0x780, s0;
	v59 =	vld [tilespmem:s31+$0x180];
	v10 =	vadd.s32 v20, v10;
	v12 =	vadd.s32 v24, v12;
	v9 =	vadd.s32 v22, v9  }
0x11d: {  	s8 =	sadd.s32 $0x1E100, s0;
	s14 =	sand.u32 $0x780, s26;
	v61 =	vld [tilespmem:s29+$0x200];
	v10 =	vadd.s32 v23, v10;
	v12 =	vadd.s32 v27, v12;
	v5 =	vadd.s32 v6, v7  }
0x11e: {  	s0 =	sor.u32 s15, s8;
	v62 =	vld [tilespmem:s31+$0x200];
	s25 =	sadd.s32 $0x1E100, s14;
	v9 =	vadd.s32 v25, v9;
	v10 =	vadd.s32 v26, v10;
	v12 =	vadd.s32 v30, v12  }
0x11f: {  	s4 =	sor.u32 s4, s25;
	[tilespmem:s0+$0x0] =	vst v2;
	v2 =	vld [tilespmem:s29+$0x280];
	v6 =	vadd.s32 v8, v3;
	v5 =	vadd.s32 v55, v5;
	v9 =	vadd.s32 v28, v9  }
0x120: {  	s2 =	sor.u32 s2, s8;
	[tilespmem:s4+$0x0] =	vst v15;
	v3 =	vld [tilespmem:s31+$0x280];
	v10 =	vadd.s32 v29, v10;
	v12 =	vadd.s32 v33, v12;
	v7 =	vadd.s32 v11, v4  }
0x121: {  	s0 =	simm.s32 $0x1E100;
	v6 =	vadd.s32 v56, v6;
	v4 =	vld [tilespmem:s30+$0x300];
	v8 =	vadd.s32 v59, v5;
	v9 =	vadd.s32 v31, v9;
	[tilespmem:s2+$0x0] =	vst v12  }
0x122: {  	s15 =	simm.s32 $0x400;
	s13 =	sor.u32 s23, s8;
	s23 =	simm.s32 $0x80;
	v5 =	vld [tilespmem:s29+$0x300];
	v10 =	vadd.s32 v32, v10;
	v7 =	vadd.s32 v58, v7;
	v6 =	vadd.s32 v60, v6;
	[tilespmem:s0+$0x0] =	vst v9  }
0x123: {  	s26 =	sor.u32 s28, s25;
	s28 =	sor.u32 s7, s25;
	s2 =	simm.s32 $0x4;
	v8 =	vadd.s32 v62, v8;
	[tilespmem:s13+$0x0] =	vst v10;
	v9 =	vadd.s32 v61, v7;
	v7 =	vadd.s32 v63, v6;
	v6 =	vld [tilespmem:s31+$0x300]  }
.LBB2_11:
0x124: {  	s4 =	sand.u32 $0x40, s23;
	s7 =	sand.u32 $0x3C00, s15;
	v10 =	vld [tilespmem:s30+$0x380];
	v2 =	vadd.s32 v2, v9  }
0x125: {  	s2 =	sadd.s32 $0x4, s2;
	s7 =	sadd.s32 $0x1A100, s7;
	s25 =	sor.u32 $0x30, s4;
	v9 =	vld [tilespmem:s29+$0x380];
	v3 =	vadd.s32 v3, v8  }
0x126: {  	s8 =	sor.u32 $0x10, s4;
	p0 =	slt.u32 s2, $0x7C;
	s13 =	sor.u32 s25, s7;
	v4 =	vadd.s32 v4, v7;
	v7 =	vld [tilespmem:s31+$0x380]  }
0x127: {  	s30 =	sor.u32 s4, s7;
	s29 =	sor.u32 s8, s7;
	s4 =	sor.u32 $0x20, s4;
	v8 =	vld [tilespmem:s13+$0x0];
	v2 =	vadd.s32 v5, v2  }
0x128: {  	s31 =	sor.u32 s4, s7;
	v5 =	vld [tilespmem:s13+$0x80];
	v3 =	vadd.s32 v6, v3  }
0x129: {  	s0 =	sadd.s32 $0x40, s0;
	v6 =	vld [tilespmem:s13+$0x100];
	v4 =	vadd.s32 v10, v4  }
0x12a: {  	v10 =	vld [tilespmem:s13+$0x180];
	[tilespmem:s0+$0x0] =	vst v4;
	v2 =	vadd.s32 v9, v2  }
0x12b: {  	v4 =	vld [tilespmem:s13+$0x200];
	[tilespmem:s26+$0x0] =	vst v2;
	v2 =	vadd.s32 v7, v3  }
0x12c: {  	v3 =	vld [tilespmem:s13+$0x280];
	[tilespmem:s28+$0x0] =	vst v2  }
0x12d: {  	v2 =	vadd.s32 v8, v5;
	v5 =	vld [tilespmem:s13+$0x300]  }
0x12e: {  	v2 =	vadd.s32 v6, v2;
	v6 =	vld [tilespmem:s13+$0x380]  }
0x12f: {  	v7 =	vld [tilespmem:s30+$0x0];
	v2 =	vadd.s32 v10, v2  }
0x130: {  	v8 =	vld [tilespmem:s30+$0x80];
	v2 =	vadd.s32 v4, v2  }
0x131: {  	s7 =	sand.u32 $0x780, s23;
	v4 =	vld [tilespmem:s29+$0x0];
	v2 =	vadd.s32 v3, v2  }
0x132: {  	s7 =	sadd.s32 $0x1E100, s7;
	v3 =	vld [tilespmem:s29+$0x80];
	v2 =	vadd.s32 v5, v2  }
0x133: {  	s26 =	sor.u32 s8, s7;
	s28 =	sor.u32 s4, s7;
	s4 =	sor.u32 s25, s7;
	v5 =	vld [tilespmem:s31+$0x0];
	v2 =	vadd.s32 v6, v2  }
0x134: {  	v6 =	vld [tilespmem:s31+$0x80];
	[tilespmem:s4+$0x0] =	vst v2  }
0x135: {  	v2 =	vadd.s32 v7, v8;
	v7 =	vld [tilespmem:s30+$0x100]  }
0x136: {  	v8 =	vld [tilespmem:s29+$0x100]  }
0x137: {  	v3 =	vadd.s32 v4, v3;
	v4 =	vld [tilespmem:s31+$0x100]  }
0x138: {  	v9 =	vld [tilespmem:s30+$0x180]  }
0x139: {  	v10 =	vld [tilespmem:s29+$0x180];
	v5 =	vadd.s32 v5, v6  }
0x13a: {  	v2 =	vadd.s32 v7, v2;
	v6 =	vld [tilespmem:s31+$0x180]  }
0x13b: {  	v7 =	vld [tilespmem:s30+$0x200];
	v3 =	vadd.s32 v8, v3  }
0x13c: {  	v8 =	vld [tilespmem:s29+$0x200];
	v4 =	vadd.s32 v4, v5  }
0x13d: {  	v5 =	vadd.s32 v9, v2;
	v11 =	vld [tilespmem:s31+$0x200]  }
0x13e: {  	v12 =	vld [tilespmem:s30+$0x280];
	v9 =	vadd.s32 v10, v3  }
.Ltmp5:
0x13f: {  	v2 =	vld [tilespmem:s29+$0x280];
	v6 =	vadd.s32 v6, v4;
	(pc) =	sbr.rel @p0 .LBB2_11-.Ltmp5, $4  }
0x140: {  	v7 =	vadd.s32 v7, v5;
	v3 =	vld [tilespmem:s31+$0x280]  }
0x141: {  	v4 =	vld [tilespmem:s30+$0x300];
	v9 =	vadd.s32 v8, v9  }
0x142: {  	v5 =	vld [tilespmem:s29+$0x300];
	v8 =	vadd.s32 v11, v6  }
0x143: {  	s15 =	sadd.s32 $0x200, s15;
	s23 =	sadd.s32 $0x40, s23;
	v7 =	vadd.s32 v12, v7;
	v6 =	vld [tilespmem:s31+$0x300]  }
0x144: {  	v10 =	vld [tilespmem:s30+$0x380]  }
0x145: {  	v11 =	vld [tilespmem:s29+$0x380]  }
0x146: {  	v12 =	vld [tilespmem:s31+$0x380];
	_ =	sdelay $0x1  }
0x147: {  	v2 =	vadd.s32 v2, v9;
	v4 =	vadd.s32 v4, v7  }
0x148: {  	s0 =	sadd.s32 $0x40, s0;
	v3 =	vadd.s32 v3, v8;
	v2 =	vadd.s32 v5, v2;
	v4 =	vadd.s32 v10, v4  }
0x149: {  	v3 =	vadd.s32 v6, v3;
	v2 =	vadd.s32 v11, v2;
	[tilespmem:s0+$0x0] =	vst v4  }
0x14a: {  	[tilespmem:s26+$0x0] =	vst v2;
	v2 =	vadd.s32 v12, v3  }
0x14b: {  	[tilespmem:s28+$0x0] =	vst v2  }
0x14c: {  	[tilespmem:s24], [sflag:$0x3] =	stream.linear.gather [spmem:s11], $0x4000, $0x38;
	[tilespmem:$0x1E900] =	vst v63  }
0x14d: {  	s29 =	simm.s32 $0x1E100;
	s26 =	simm.s32 $0x0;
	_ =	swait.ge [sflag:s16], $0x4000  }
0x14e: {  	s2 =	sand.u32 $0x40, s26;
	s4 =	sand.u32 $0x3C00, s26;
	[sflag:s16] =	ssyncset.done $0x0  }
0x14f: {  	s4 =	sadd.s32 $0x1A100, s4;
	s7 =	sor.u32 $0x30, s2;
	[sflag:s16] =	ssyncadd.s32 $0xFFFFC000  }
0x150: {  	s8 =	sor.u32 s7, s4;
	v2 =	vld [tilespmem:s29+$0x0]  }
0x151: {  	v3 =	vld [tilespmem:s8+$0x0]  }
0x152: {  	v4 =	vld [tilespmem:s8+$0x80]  }
0x153: {  	v5 =	vld [tilespmem:s8+$0x100]  }
0x154: {  	v6 =	vld [tilespmem:s8+$0x180]  }
0x155: {  	v7 =	vld [tilespmem:s8+$0x200]  }
0x156: {  	s0 =	sand.u32 $0x780, s26;
	v8 =	vld [tilespmem:s8+$0x280]  }
0x157: {  	s0 =	sadd.s32 $0x1E100, s0;
	v9 =	vld [tilespmem:s8+$0x300]  }
0x158: {  	s7 =	sor.u32 s7, s0;
	v10 =	vld [tilespmem:s8+$0x380]  }
0x159: {  	s28 =	sor.u32 s2, s4;
	v11 =	vld [tilespmem:s7+$0x0]  }
0x15a: {  	s13 =	sor.u32 $0x10, s2;
	v60 =	vld [tilespmem:s28+$0x0]  }
0x15b: {  	s15 =	sor.u32 s13, s4;
	v13 =	vld [tilespmem:s28+$0x80]  }
0x15c: {  	s2 =	sor.u32 $0x20, s2;
	v14 =	vld [tilespmem:s15+$0x0]  }
0x15d: {  	s4 =	sor.u32 s2, s4;
	v15 =	vld [tilespmem:s15+$0x80]  }
0x15e: {  	v16 =	vld [tilespmem:s4+$0x0]  }
0x15f: {  	v17 =	vld [tilespmem:s4+$0x80]  }
0x160: {  	v18 =	vld [tilespmem:s28+$0x100]  }
0x161: {  	v19 =	vld [tilespmem:s15+$0x100]  }
0x162: {  	v20 =	vld [tilespmem:s4+$0x100]  }
0x163: {  	v21 =	vld [tilespmem:s28+$0x180]  }
0x164: {  	v22 =	vld [tilespmem:s15+$0x180]  }
0x165: {  	v23 =	vld [tilespmem:s15+$0x200];
	v3 =	vadd.s32 v3, v4  }
0x166: {  	v24 =	vld [tilespmem:s4+$0x280];
	v3 =	vadd.s32 v5, v3  }
0x167: {  	v4 =	vld [tilespmem:s4+$0x180];
	v3 =	vadd.s32 v6, v3  }
0x168: {  	v5 =	vld [tilespmem:s28+$0x200];
	v3 =	vadd.s32 v7, v3  }
0x169: {  	v7 =	vld [tilespmem:s4+$0x200];
	v3 =	vadd.s32 v8, v3  }
0x16a: {  	v8 =	vld [tilespmem:s28+$0x280];
	v3 =	vadd.s32 v9, v3  }
0x16b: {  	v9 =	vld [tilespmem:s15+$0x280];
	v3 =	vadd.s32 v10, v3  }
0x16c: {  	v10 =	vadd.s32 v11, v3;
	v3 =	vadd.s32 v60, v13;
	v11 =	vld [tilespmem:s28+$0x300]  }
0x16d: {  	v61 =	vadd.s32 v14, v15;
	v62 =	vadd.s32 v16, v17;
	v6 =	vld [tilespmem:s15+$0x300];
	v3 =	vadd.s32 v18, v3  }
0x16e: {  	v12 =	vadd.s32 v19, v61;
	v13 =	vadd.s32 v20, v62;
	v63 =	vadd.s32 v21, v3;
	v3 =	vld [tilespmem:s4+$0x300]  }
0x16f: {  	v12 =	vadd.s32 v22, v12;
	v13 =	vadd.s32 v4, v13;
	v4 =	vld [tilespmem:s28+$0x380];
	v5 =	vadd.s32 v5, v63  }
0x170: {  	s30 =	simm.s32 $0x0;
	s23 =	simm.s32 $0x40;
	s31 =	sor.u32 s13, s0;
	v12 =	vadd.s32 v23, v12;
	v7 =	vadd.s32 v7, v13;
	v8 =	vadd.s32 v8, v5;
	v5 =	vld [tilespmem:s15+$0x380]  }
0x171: {  	s0 =	sor.u32 s2, s0;
	s2 =	simm.s32 $0x1E100;
	[tilespmem:s7+$0x0] =	vst v10;
	v10 =	vadd.s32 v9, v12;
	v9 =	vadd.s32 v24, v7;
	v7 =	vld [tilespmem:s4+$0x380];
	s15 =	simm.s32 $0x200;
	v8 =	vadd.s32 v11, v8  }
.LBB2_13:
0x172: {  	s4 =	sand.u32 $0x40, s23;
	s7 =	sand.u32 $0x3C00, s15;
	v6 =	vadd.s32 v6, v10;
	v10 =	vld [tilespmem:s31+$0x0];
	s29 =	sadd.s32 $0x40, s29  }
0x173: {  	s30 =	sadd.s32 $0x4, s30;
	s7 =	sadd.s32 $0x1A100, s7;
	s8 =	sor.u32 $0x30, s4;
	v3 =	vadd.s32 v3, v9;
	v9 =	vld [tilespmem:s0+$0x0]  }
0x174: {  	s13 =	sor.u32 $0x10, s4;
	p0 =	slt.u32 s30, $0x7C;
	v11 =	vld [tilespmem:s29+$0x0];
	s25 =	sor.u32 s8, s7;
	v4 =	vadd.s32 v4, v8  }
0x175: {  	s14 =	sor.u32 $0x20, s4;
	s28 =	sor.u32 s4, s7;
	s26 =	sor.u32 s13, s7;
	v8 =	vld [tilespmem:s25+$0x0];
	v2 =	vadd.s32 v2, v4;
	v4 =	vadd.s32 v5, v6  }
0x176: {  	s4 =	sor.u32 s14, s7;
	v5 =	vld [tilespmem:s25+$0x80];
	[tilespmem:s2+$0x0] =	vst v2;
	v2 =	vadd.s32 v7, v3;
	s2 =	smov.u32 s29  }
0x177: {  	v3 =	vld [tilespmem:s25+$0x100];
	v4 =	vadd.s32 v10, v4  }
0x178: {  	v6 =	vld [tilespmem:s25+$0x180];
	[tilespmem:s31+$0x0] =	vst v4;
	v7 =	vadd.s32 v9, v2  }
0x179: {  	v4 =	vld [tilespmem:s25+$0x200];
	[tilespmem:s0+$0x0] =	vst v7;
	v2 =	vmov v11  }
0x17a: {  	s0 =	sand.u32 $0x780, s23;
	v7 =	vld [tilespmem:s25+$0x280]  }
0x17b: {  	s7 =	sadd.s32 $0x1E100, s0;
	v5 =	vadd.s32 v8, v5;
	v8 =	vld [tilespmem:s25+$0x300]  }
0x17c: {  	s31 =	sor.u32 s13, s7;
	s0 =	sor.u32 s14, s7;
	s7 =	sor.u32 s8, s7;
	v3 =	vadd.s32 v3, v5;
	v5 =	vld [tilespmem:s25+$0x380]  }
0x17d: {  	v3 =	vadd.s32 v6, v3;
	v6 =	vld [tilespmem:s7+$0x0]  }
0x17e: {  	v9 =	vld [tilespmem:s28+$0x0];
	v3 =	vadd.s32 v4, v3  }
0x17f: {  	v4 =	vld [tilespmem:s28+$0x80];
	v3 =	vadd.s32 v7, v3  }
0x180: {  	v7 =	vld [tilespmem:s26+$0x0];
	v3 =	vadd.s32 v8, v3  }
0x181: {  	v8 =	vld [tilespmem:s26+$0x80];
	v3 =	vadd.s32 v5, v3  }
0x182: {  	v5 =	vld [tilespmem:s4+$0x0];
	v3 =	vadd.s32 v6, v3  }
0x183: {  	v6 =	vld [tilespmem:s4+$0x80];
	[tilespmem:s7+$0x0] =	vst v3  }
0x184: {  	v3 =	vadd.s32 v9, v4;
	v4 =	vld [tilespmem:s28+$0x100]  }
0x185: {  	v9 =	vld [tilespmem:s26+$0x100]  }
0x186: {  	v7 =	vadd.s32 v7, v8;
	v8 =	vld [tilespmem:s4+$0x100]  }
0x187: {  	v10 =	vld [tilespmem:s28+$0x180]  }
0x188: {  	v11 =	vld [tilespmem:s26+$0x180];
	v5 =	vadd.s32 v5, v6  }
0x189: {  	v3 =	vadd.s32 v4, v3;
	v4 =	vld [tilespmem:s4+$0x180]  }
0x18a: {  	v6 =	vld [tilespmem:s28+$0x200];
	v7 =	vadd.s32 v9, v7  }
0x18b: {  	v9 =	vld [tilespmem:s26+$0x200];
	v5 =	vadd.s32 v8, v5  }
0x18c: {  	v3 =	vadd.s32 v10, v3;
	v8 =	vld [tilespmem:s4+$0x200]  }
0x18d: {  	v10 =	vld [tilespmem:s28+$0x280];
	v7 =	vadd.s32 v11, v7  }
0x18e: {  	v11 =	vld [tilespmem:s26+$0x280];
	v4 =	vadd.s32 v4, v5  }
0x18f: {  	v3 =	vadd.s32 v6, v3;
	v12 =	vld [tilespmem:s4+$0x280]  }
0x190: {  	v13 =	vld [tilespmem:s28+$0x300];
	v5 =	vadd.s32 v9, v7  }
.Ltmp6:
0x191: {  	v6 =	vld [tilespmem:s26+$0x300];
	v7 =	vadd.s32 v8, v4;
	(pc) =	sbr.rel @p0 .LBB2_13-.Ltmp6, $4  }
0x192: {  	v8 =	vadd.s32 v10, v3;
	v3 =	vld [tilespmem:s4+$0x300]  }
0x193: {  	v4 =	vld [tilespmem:s28+$0x380];
	v10 =	vadd.s32 v11, v5  }
0x194: {  	v5 =	vld [tilespmem:s26+$0x380];
	v9 =	vadd.s32 v12, v7  }
0x195: {  	s15 =	sadd.s32 $0x200, s15;
	s23 =	sadd.s32 $0x40, s23;
	v8 =	vadd.s32 v13, v8;
	v7 =	vld [tilespmem:s4+$0x380]  }
0x196: {  	v11 =	vld [tilespmem:s31+$0x0]  }
0x197: {  	v12 =	vld [tilespmem:s0+$0x0];
	_ =	sdelay $0x1  }
0x198: {  	v6 =	vadd.s32 v6, v10;
	v4 =	vadd.s32 v4, v8  }
0x199: {  	v3 =	vadd.s32 v3, v9;
	v2 =	vadd.s32 v2, v4;
	v4 =	vadd.s32 v5, v6  }
0x19a: {  	[tilespmem:s2+$0x0] =	vst v2;
	v2 =	vadd.s32 v7, v3;
	v3 =	vadd.s32 v11, v4  }
0x19b: {  	v2 =	vadd.s32 v12, v2;
	[tilespmem:s31+$0x0] =	vst v3  }
0x19c: {  	s29 =	simm.s32 $0x1E100;
	s8 =	simm.s32 $0x100;
	[tilespmem:s0+$0x0] =	vst v2  }
0x19d: {  	[hbm4b:s12+s17] =	stream.strided.scatter [tilespmem:s29], [sflag:$0x3], $0x800, s8, s17, $0x38;
	[tilespmem:$0x1E900] =	vst v63  }
0x19e: {  	_ =	swait.ge [sflag:s16], $0x800  }
0x19f: {  	[sflag:s16] =	ssyncset.done $0x0  }
0x1a0: {  	[sflag:s16] =	ssyncadd.s32 $0xFFFFF800  }
0x1a1: {  	s13 =	simm.s32 $0xA000;
	[bflag:$0x0] =	sbarrier.arrive $0xFFFF  }
0x1a2: {  	[spmem:s10] =	stream.strided.scatter [tilespmem:s13], [sflag:$0x3], $0x8000, s18, s17, $0x38;
	[tilespmem:$0x1E900] =	vst v63  }
0x1a3: {  	_ =	swait.ge [sflag:s16], $0x8000  }
0x1a4: {  	[sflag:s16] =	ssyncset.done $0x0  }
0x1a5: {  	[sflag:s16] =	ssyncadd.s32 $0xFFFF8000  }
0x1a6: {  	s26 =	simm.s32 $0x0;
	[bflag:$0x0] =	sbarrier.arrive $0xFFFF  }
0x1a7: {  	[tilespmem:s24], [sflag:$0x3] =	stream.linear.gather [spmem:s9], $0x4000, $0x38;
	[tilespmem:$0x1E900] =	vst v63  }
0x1a8: {  	s14 =	sand.u32 $0x40, s26;
	s23 =	sand.u32 $0x3C00, s26;
	_ =	swait.ge [sflag:s16], $0x4000  }
0x1a9: {  	s4 =	sadd.s32 $0x1A100, s23;
	s15 =	sor.u32 $0x30, s14;
	[sflag:s16] =	ssyncset.done $0x0  }
0x1aa: {  	s2 =	sor.u32 s15, s4;
	[sflag:s16] =	ssyncadd.s32 $0xFFFFC000  }
0x1ab: {  	v2 =	vld [tilespmem:s2+$0x0]  }
0x1ac: {  	v3 =	vld [tilespmem:s2+$0x80]  }
0x1ad: {  	v4 =	vld [tilespmem:s2+$0x100]  }
0x1ae: {  	v5 =	vld [tilespmem:s2+$0x180]  }
0x1af: {  	v6 =	vld [tilespmem:s2+$0x200]  }
0x1b0: {  	v7 =	vld [tilespmem:s2+$0x280]  }
0x1b1: {  	v8 =	vld [tilespmem:s2+$0x300]  }
0x1b2: {  	s7 =	sor.u32 s14, s4;
	v9 =	vld [tilespmem:s2+$0x380]  }
0x1b3: {  	s23 =	sor.u32 $0x10, s14;
	v10 =	vld [tilespmem:s7+$0x0]  }
0x1b4: {  	s8 =	sor.u32 s23, s4;
	v11 =	vld [tilespmem:s7+$0x80]  }
0x1b5: {  	v53 =	vld [tilespmem:s8+$0x0]  }
0x1b6: {  	v13 =	vld [tilespmem:s8+$0x80]  }
0x1b7: {  	v16 =	vld [tilespmem:s7+$0x100]  }
0x1b8: {  	v17 =	vld [tilespmem:s8+$0x100]  }
0x1b9: {  	v19 =	vld [tilespmem:s7+$0x180]  }
0x1ba: {  	v20 =	vld [tilespmem:s8+$0x180]  }
0x1bb: {  	v22 =	vld [tilespmem:s7+$0x200]  }
0x1bc: {  	v23 =	vld [tilespmem:s8+$0x200]  }
0x1bd: {  	v25 =	vld [tilespmem:s7+$0x280]  }
0x1be: {  	v26 =	vld [tilespmem:s8+$0x280]  }
0x1bf: {  	v28 =	vld [tilespmem:s7+$0x300]  }
0x1c0: {  	v29 =	vld [tilespmem:s8+$0x300]  }
0x1c1: {  	s2 =	sor.u32 $0x20, s14;
	v31 =	vld [tilespmem:s7+$0x380]  }
0x1c2: {  	v32 =	vld [tilespmem:s8+$0x380];
	s0 =	sor.u32 s2, s4  }
0x1c3: {  	v14 =	vld [tilespmem:s0+$0x0]  }
0x1c4: {  	v15 =	vld [tilespmem:s0+$0x80]  }
0x1c5: {  	v18 =	vld [tilespmem:s0+$0x100]  }
0x1c6: {  	v21 =	vld [tilespmem:s0+$0x180]  }
0x1c7: {  	s25 =	simm.s32 $0x200;
	s28 =	simm.s32 $0x40;
	v24 =	vld [tilespmem:s0+$0x200]  }
0x1c8: {  	s13 =	sand.u32 $0x40, s28;
	s4 =	sand.u32 $0x3C00, s25;
	v27 =	vld [tilespmem:s0+$0x280]  }
0x1c9: {  	v30 =	vld [tilespmem:s0+$0x300];
	s14 =	sadd.s32 $0x1A100, s4;
	s4 =	sor.u32 $0x30, s13  }
0x1ca: {  	v33 =	vld [tilespmem:s0+$0x380];
	s8 =	sor.u32 s4, s14  }
0x1cb: {  	v34 =	vld [tilespmem:s8+$0x0]  }
0x1cc: {  	v35 =	vld [tilespmem:s8+$0x80]  }
0x1cd: {  	v36 =	vld [tilespmem:s8+$0x100]  }
0x1ce: {  	v37 =	vld [tilespmem:s8+$0x180]  }
0x1cf: {  	v38 =	vld [tilespmem:s8+$0x200]  }
0x1d0: {  	v39 =	vld [tilespmem:s8+$0x280]  }
0x1d1: {  	v40 =	vld [tilespmem:s8+$0x300]  }
0x1d2: {  	s25 =	sor.u32 $0x20, s13;
	s31 =	sor.u32 s13, s14;
	v41 =	vld [tilespmem:s8+$0x380]  }
0x1d3: {  	s0 =	sor.u32 s25, s14;
	v42 =	vld [tilespmem:s31+$0x0]  }
0x1d4: {  	s7 =	sor.u32 $0x10, s13;
	v55 =	vld [tilespmem:s0+$0x100]  }
0x1d5: {  	s30 =	sor.u32 s7, s14;
	v56 =	vld [tilespmem:s31+$0x180]  }
0x1d6: {  	v58 =	vld [tilespmem:s30+$0x180];
	v2 =	vadd.s32 v2, v3  }
0x1d7: {  	v3 =	vld [tilespmem:s31+$0x80];
	v2 =	vadd.s32 v4, v2  }
0x1d8: {  	v59 =	vld [tilespmem:s0+$0x180];
	v2 =	vadd.s32 v5, v2;
	v54 =	vadd.s32 v14, v15  }
0x1d9: {  	v4 =	vld [tilespmem:s30+$0x0];
	v2 =	vadd.s32 v6, v2;
	v12 =	vadd.s32 v18, v54  }
0x1da: {  	v5 =	vld [tilespmem:s30+$0x80];
	v2 =	vadd.s32 v7, v2;
	v12 =	vadd.s32 v21, v12;
	v57 =	vadd.s32 v34, v35  }
0x1db: {  	v60 =	vld [tilespmem:s31+$0x200];
	v2 =	vadd.s32 v8, v2;
	v12 =	vadd.s32 v24, v12;
	v15 =	vadd.s32 v36, v57  }
0x1dc: {  	v6 =	vld [tilespmem:s0+$0x0];
	v3 =	vadd.s32 v42, v3;
	v2 =	vadd.s32 v9, v2;
	v9 =	vadd.s32 v10, v11  }
0x1dd: {  	v7 =	vld [tilespmem:s0+$0x80];
	v10 =	vadd.s32 v53, v13;
	v15 =	vadd.s32 v37, v15;
	v12 =	vadd.s32 v27, v12  }
0x1de: {  	v8 =	vld [tilespmem:s31+$0x100];
	v9 =	vadd.s32 v16, v9;
	v10 =	vadd.s32 v17, v10;
	v15 =	vadd.s32 v38, v15  }
0x1df: {  	v11 =	vld [tilespmem:s30+$0x100];
	v12 =	vadd.s32 v30, v12;
	v4 =	vadd.s32 v4, v5;
	v9 =	vadd.s32 v19, v9  }
0x1e0: {  	s14 =	sand.u32 $0x780, s26;
	v61 =	vld [tilespmem:s30+$0x200];
	v10 =	vadd.s32 v20, v10;
	v15 =	vadd.s32 v39, v15;
	v12 =	vadd.s32 v33, v12  }
0x1e1: {  	s8 =	sadd.s32 $0x1E100, s14;
	v62 =	vld [tilespmem:s0+$0x200];
	v9 =	vadd.s32 v22, v9;
	v10 =	vadd.s32 v23, v10;
	v15 =	vadd.s32 v40, v15  }
0x1e2: {  	v63 =	vld [tilespmem:s31+$0x280];
	s26 =	sor.u32 s15, s8;
	s15 =	sand.u32 $0x780, s28;
	v5 =	vadd.s32 v6, v7;
	v9 =	vadd.s32 v25, v9;
	v10 =	vadd.s32 v26, v10  }
0x1e3: {  	s14 =	sor.u32 s23, s8;
	s2 =	sor.u32 s2, s8;
	s23 =	sadd.s32 $0x1E100, s15;
	[tilespmem:s26+$0x0] =	vst v2;
	v2 =	vld [tilespmem:s30+$0x280];
	v15 =	vadd.s32 v41, v15;
	v6 =	vadd.s32 v8, v3;
	v5 =	vadd.s32 v55, v5  }
0x1e4: {  	s4 =	sor.u32 s4, s23;
	[tilespmem:s2+$0x0] =	vst v12;
	v3 =	vld [tilespmem:s0+$0x280];
	v9 =	vadd.s32 v28, v9;
	v10 =	vadd.s32 v29, v10;
	v7 =	vadd.s32 v11, v4  }
0x1e5: {  	v6 =	vadd.s32 v56, v6;
	v4 =	vld [tilespmem:s31+$0x300];
	v8 =	vadd.s32 v59, v5;
	[tilespmem:s4+$0x0] =	vst v15;
	v9 =	vadd.s32 v31, v9  }
0x1e6: {  	s15 =	simm.s32 $0x400;
	s28 =	sor.u32 s25, s23;
	v5 =	vld [tilespmem:s30+$0x300];
	v10 =	vadd.s32 v32, v10;
	v7 =	vadd.s32 v58, v7;
	v6 =	vadd.s32 v60, v6;
	[tilespmem:s29+$0x0] =	vst v9  }
0x1e7: {  	s26 =	sor.u32 s7, s23;
	s23 =	simm.s32 $0x80;
	s2 =	simm.s32 $0x4;
	v8 =	vadd.s32 v62, v8;
	[tilespmem:s14+$0x0] =	vst v10;
	v9 =	vadd.s32 v61, v7;
	v7 =	vadd.s32 v63, v6;
	v6 =	vld [tilespmem:s0+$0x300]  }
.LBB2_15:
0x1e8: {  	s4 =	sand.u32 $0x40, s23;
	s7 =	sand.u32 $0x3C00, s15;
	v10 =	vld [tilespmem:s31+$0x380];
	v2 =	vadd.s32 v2, v9  }
0x1e9: {  	s2 =	sadd.s32 $0x4, s2;
	s7 =	sadd.s32 $0x1A100, s7;
	s8 =	sor.u32 $0x30, s4;
	v9 =	vld [tilespmem:s30+$0x380];
	v3 =	vadd.s32 v3, v8  }
0x1ea: {  	s13 =	sor.u32 $0x10, s4;
	p0 =	slt.u32 s2, $0x7C;
	s14 =	sor.u32 s8, s7;
	v4 =	vadd.s32 v4, v7;
	v7 =	vld [tilespmem:s0+$0x380]  }
0x1eb: {  	s31 =	sor.u32 s4, s7;
	s30 =	sor.u32 s13, s7;
	s4 =	sor.u32 $0x20, s4;
	v8 =	vld [tilespmem:s14+$0x0];
	v2 =	vadd.s32 v5, v2  }
0x1ec: {  	s0 =	sor.u32 s4, s7;
	v5 =	vld [tilespmem:s14+$0x80];
	v3 =	vadd.s32 v6, v3  }
0x1ed: {  	s29 =	sadd.s32 $0x40, s29;
	v6 =	vld [tilespmem:s14+$0x100];
	v4 =	vadd.s32 v10, v4  }
0x1ee: {  	v10 =	vld [tilespmem:s14+$0x180];
	[tilespmem:s29+$0x0] =	vst v4;
	v2 =	vadd.s32 v9, v2  }
0x1ef: {  	v4 =	vld [tilespmem:s14+$0x200];
	[tilespmem:s26+$0x0] =	vst v2;
	v2 =	vadd.s32 v7, v3  }
0x1f0: {  	v3 =	vld [tilespmem:s14+$0x280];
	[tilespmem:s28+$0x0] =	vst v2  }
0x1f1: {  	v2 =	vadd.s32 v8, v5;
	v5 =	vld [tilespmem:s14+$0x300]  }
0x1f2: {  	v2 =	vadd.s32 v6, v2;
	v6 =	vld [tilespmem:s14+$0x380]  }
0x1f3: {  	v7 =	vld [tilespmem:s31+$0x0];
	v2 =	vadd.s32 v10, v2  }
0x1f4: {  	v8 =	vld [tilespmem:s31+$0x80];
	v2 =	vadd.s32 v4, v2  }
0x1f5: {  	s7 =	sand.u32 $0x780, s23;
	v4 =	vld [tilespmem:s30+$0x0];
	v2 =	vadd.s32 v3, v2  }
0x1f6: {  	s7 =	sadd.s32 $0x1E100, s7;
	v3 =	vld [tilespmem:s30+$0x80];
	v2 =	vadd.s32 v5, v2  }
0x1f7: {  	s26 =	sor.u32 s13, s7;
	s28 =	sor.u32 s4, s7;
	s4 =	sor.u32 s8, s7;
	v5 =	vld [tilespmem:s0+$0x0];
	v2 =	vadd.s32 v6, v2  }
0x1f8: {  	v6 =	vld [tilespmem:s0+$0x80];
	[tilespmem:s4+$0x0] =	vst v2  }
0x1f9: {  	v2 =	vadd.s32 v7, v8;
	v7 =	vld [tilespmem:s31+$0x100]  }
0x1fa: {  	v8 =	vld [tilespmem:s30+$0x100]  }
0x1fb: {  	v3 =	vadd.s32 v4, v3;
	v4 =	vld [tilespmem:s0+$0x100]  }
0x1fc: {  	v9 =	vld [tilespmem:s31+$0x180]  }
0x1fd: {  	v10 =	vld [tilespmem:s30+$0x180];
	v5 =	vadd.s32 v5, v6  }
0x1fe: {  	v2 =	vadd.s32 v7, v2;
	v6 =	vld [tilespmem:s0+$0x180]  }
0x1ff: {  	v7 =	vld [tilespmem:s31+$0x200];
	v3 =	vadd.s32 v8, v3  }
0x200: {  	v8 =	vld [tilespmem:s30+$0x200];
	v4 =	vadd.s32 v4, v5  }
0x201: {  	v5 =	vadd.s32 v9, v2;
	v11 =	vld [tilespmem:s0+$0x200]  }
0x202: {  	v12 =	vld [tilespmem:s31+$0x280];
	v9 =	vadd.s32 v10, v3  }
.Ltmp7:
0x203: {  	v2 =	vld [tilespmem:s30+$0x280];
	v6 =	vadd.s32 v6, v4;
	(pc) =	sbr.rel @p0 .LBB2_15-.Ltmp7, $4  }
0x204: {  	v7 =	vadd.s32 v7, v5;
	v3 =	vld [tilespmem:s0+$0x280]  }
0x205: {  	v4 =	vld [tilespmem:s31+$0x300];
	v9 =	vadd.s32 v8, v9  }
0x206: {  	v5 =	vld [tilespmem:s30+$0x300];
	v8 =	vadd.s32 v11, v6  }
0x207: {  	s15 =	sadd.s32 $0x200, s15;
	s23 =	sadd.s32 $0x40, s23;
	v7 =	vadd.s32 v12, v7;
	v6 =	vld [tilespmem:s0+$0x300]  }
0x208: {  	v10 =	vld [tilespmem:s31+$0x380]  }
0x209: {  	v11 =	vld [tilespmem:s30+$0x380]  }
0x20a: {  	v12 =	vld [tilespmem:s0+$0x380];
	_ =	sdelay $0x1  }
0x20b: {  	v2 =	vadd.s32 v2, v9;
	v4 =	vadd.s32 v4, v7  }
0x20c: {  	s25 =	sadd.s32 $0x40, s29;
	v3 =	vadd.s32 v3, v8;
	v2 =	vadd.s32 v5, v2;
	v4 =	vadd.s32 v10, v4  }
0x20d: {  	v3 =	vadd.s32 v6, v3;
	v2 =	vadd.s32 v11, v2;
	[tilespmem:s25+$0x0] =	vst v4  }
0x20e: {  	[tilespmem:s26+$0x0] =	vst v2;
	v2 =	vadd.s32 v12, v3  }
0x20f: {  	[tilespmem:s28+$0x0] =	vst v2  }
0x210: {  	[tilespmem:s24], [sflag:$0x3] =	stream.linear.gather [spmem:s11], $0x4000, $0x38;
	[tilespmem:$0x1E900] =	vst v63  }
0x211: {  	s29 =	simm.s32 $0x1E100;
	s26 =	simm.s32 $0x0;
	_ =	swait.ge [sflag:s16], $0x4000  }
0x212: {  	s2 =	sand.u32 $0x40, s26;
	s4 =	sand.u32 $0x3C00, s26;
	[sflag:s16] =	ssyncset.done $0x0  }
0x213: {  	s4 =	sadd.s32 $0x1A100, s4;
	s7 =	sor.u32 $0x30, s2;
	[sflag:s16] =	ssyncadd.s32 $0xFFFFC000  }
0x214: {  	s8 =	sor.u32 s7, s4;
	v2 =	vld [tilespmem:s29+$0x0]  }
0x215: {  	v3 =	vld [tilespmem:s8+$0x0]  }
0x216: {  	v4 =	vld [tilespmem:s8+$0x80]  }
0x217: {  	v5 =	vld [tilespmem:s8+$0x100]  }
0x218: {  	v6 =	vld [tilespmem:s8+$0x180]  }
0x219: {  	v7 =	vld [tilespmem:s8+$0x200]  }
0x21a: {  	s0 =	sand.u32 $0x780, s26;
	v8 =	vld [tilespmem:s8+$0x280]  }
0x21b: {  	s0 =	sadd.s32 $0x1E100, s0;
	v9 =	vld [tilespmem:s8+$0x300]  }
0x21c: {  	s7 =	sor.u32 s7, s0;
	v10 =	vld [tilespmem:s8+$0x380]  }
0x21d: {  	s28 =	sor.u32 s2, s4;
	v11 =	vld [tilespmem:s7+$0x0]  }
0x21e: {  	s13 =	sor.u32 $0x10, s2;
	v60 =	vld [tilespmem:s28+$0x0]  }
0x21f: {  	s14 =	sor.u32 s13, s4;
	v13 =	vld [tilespmem:s28+$0x80]  }
0x220: {  	s2 =	sor.u32 $0x20, s2;
	v14 =	vld [tilespmem:s14+$0x0]  }
0x221: {  	s4 =	sor.u32 s2, s4;
	v15 =	vld [tilespmem:s14+$0x80]  }
0x222: {  	v16 =	vld [tilespmem:s4+$0x0]  }
0x223: {  	v17 =	vld [tilespmem:s4+$0x80]  }
0x224: {  	v18 =	vld [tilespmem:s28+$0x100]  }
0x225: {  	v19 =	vld [tilespmem:s14+$0x100]  }
0x226: {  	v20 =	vld [tilespmem:s4+$0x100]  }
0x227: {  	v21 =	vld [tilespmem:s28+$0x180]  }
0x228: {  	v22 =	vld [tilespmem:s14+$0x180]  }
0x229: {  	v23 =	vld [tilespmem:s14+$0x200];
	v3 =	vadd.s32 v3, v4  }
0x22a: {  	v24 =	vld [tilespmem:s4+$0x280];
	v3 =	vadd.s32 v5, v3  }
0x22b: {  	v4 =	vld [tilespmem:s4+$0x180];
	v3 =	vadd.s32 v6, v3  }
0x22c: {  	v5 =	vld [tilespmem:s28+$0x200];
	v3 =	vadd.s32 v7, v3  }
0x22d: {  	v7 =	vld [tilespmem:s4+$0x200];
	v3 =	vadd.s32 v8, v3  }
0x22e: {  	v8 =	vld [tilespmem:s28+$0x280];
	v3 =	vadd.s32 v9, v3  }
0x22f: {  	v9 =	vld [tilespmem:s14+$0x280];
	v3 =	vadd.s32 v10, v3  }
0x230: {  	v10 =	vadd.s32 v11, v3;
	v3 =	vadd.s32 v60, v13;
	v11 =	vld [tilespmem:s28+$0x300]  }
0x231: {  	v61 =	vadd.s32 v14, v15;
	v62 =	vadd.s32 v16, v17;
	v6 =	vld [tilespmem:s14+$0x300];
	v3 =	vadd.s32 v18, v3  }
0x232: {  	v12 =	vadd.s32 v19, v61;
	v13 =	vadd.s32 v20, v62;
	v63 =	vadd.s32 v21, v3;
	v3 =	vld [tilespmem:s4+$0x300]  }
0x233: {  	v12 =	vadd.s32 v22, v12;
	v13 =	vadd.s32 v4, v13;
	v4 =	vld [tilespmem:s28+$0x380];
	v5 =	vadd.s32 v5, v63  }
0x234: {  	s30 =	simm.s32 $0x0;
	s15 =	simm.s32 $0x200;
	s23 =	simm.s32 $0x40;
	v12 =	vadd.s32 v23, v12;
	v7 =	vadd.s32 v7, v13;
	v8 =	vadd.s32 v8, v5;
	v5 =	vld [tilespmem:s14+$0x380]  }
0x235: {  	s31 =	sor.u32 s13, s0;
	s0 =	sor.u32 s2, s0;
	s2 =	simm.s32 $0x1E100;
	[tilespmem:s7+$0x0] =	vst v10;
	v10 =	vadd.s32 v9, v12;
	v9 =	vadd.s32 v24, v7;
	v7 =	vld [tilespmem:s4+$0x380];
	v8 =	vadd.s32 v11, v8  }
.LBB2_17:
0x236: {  	s7 =	sand.u32 $0x40, s23;
	s4 =	sand.u32 $0x3C00, s15;
	v6 =	vadd.s32 v6, v10;
	v10 =	vld [tilespmem:s31+$0x0];
	s29 =	sadd.s32 $0x40, s29  }
0x237: {  	s30 =	sadd.s32 $0x4, s30;
	s8 =	sadd.s32 $0x1A100, s4;
	s13 =	sor.u32 $0x30, s7;
	v3 =	vadd.s32 v3, v9;
	v9 =	vld [tilespmem:s0+$0x0]  }
0x238: {  	s14 =	sor.u32 $0x10, s7;
	p0 =	slt.u32 s30, $0x7C;
	v11 =	vld [tilespmem:s29+$0x0];
	s25 =	sor.u32 s13, s8;
	v4 =	vadd.s32 v4, v8  }
0x239: {  	s4 =	sor.u32 s7, s8;
	s26 =	sor.u32 s14, s8;
	s7 =	sor.u32 $0x20, s7;
	v8 =	vld [tilespmem:s25+$0x0];
	v2 =	vadd.s32 v2, v4;
	v4 =	vadd.s32 v5, v6  }
0x23a: {  	s28 =	sor.u32 s7, s8;
	v5 =	vld [tilespmem:s25+$0x80];
	[tilespmem:s2+$0x0] =	vst v2;
	v2 =	vadd.s32 v7, v3;
	s2 =	smov.u32 s29  }
0x23b: {  	v3 =	vld [tilespmem:s25+$0x100];
	v4 =	vadd.s32 v10, v4  }
0x23c: {  	v6 =	vld [tilespmem:s25+$0x180];
	[tilespmem:s31+$0x0] =	vst v4;
	v7 =	vadd.s32 v9, v2  }
0x23d: {  	v4 =	vld [tilespmem:s25+$0x200];
	[tilespmem:s0+$0x0] =	vst v7;
	v2 =	vmov v11  }
0x23e: {  	s0 =	sand.u32 $0x780, s23;
	v7 =	vld [tilespmem:s25+$0x280]  }
0x23f: {  	s8 =	sadd.s32 $0x1E100, s0;
	v5 =	vadd.s32 v8, v5;
	v8 =	vld [tilespmem:s25+$0x300]  }
0x240: {  	s31 =	sor.u32 s14, s8;
	s0 =	sor.u32 s7, s8;
	s7 =	sor.u32 s13, s8;
	v3 =	vadd.s32 v3, v5;
	v5 =	vld [tilespmem:s25+$0x380]  }
0x241: {  	v3 =	vadd.s32 v6, v3;
	v6 =	vld [tilespmem:s7+$0x0]  }
0x242: {  	v9 =	vld [tilespmem:s4+$0x0];
	v3 =	vadd.s32 v4, v3  }
0x243: {  	v4 =	vld [tilespmem:s4+$0x80];
	v3 =	vadd.s32 v7, v3  }
0x244: {  	v7 =	vld [tilespmem:s26+$0x0];
	v3 =	vadd.s32 v8, v3  }
0x245: {  	v8 =	vld [tilespmem:s26+$0x80];
	v3 =	vadd.s32 v5, v3  }
0x246: {  	v5 =	vld [tilespmem:s28+$0x0];
	v3 =	vadd.s32 v6, v3  }
0x247: {  	v6 =	vld [tilespmem:s28+$0x80];
	[tilespmem:s7+$0x0] =	vst v3  }
0x248: {  	v3 =	vadd.s32 v9, v4;
	v4 =	vld [tilespmem:s4+$0x100]  }
0x249: {  	v9 =	vld [tilespmem:s26+$0x100]  }
0x24a: {  	v7 =	vadd.s32 v7, v8;
	v8 =	vld [tilespmem:s28+$0x100]  }
0x24b: {  	v10 =	vld [tilespmem:s4+$0x180]  }
0x24c: {  	v11 =	vld [tilespmem:s26+$0x180];
	v5 =	vadd.s32 v5, v6  }
0x24d: {  	v3 =	vadd.s32 v4, v3;
	v4 =	vld [tilespmem:s28+$0x180]  }
0x24e: {  	v6 =	vld [tilespmem:s4+$0x200];
	v7 =	vadd.s32 v9, v7  }
0x24f: {  	v9 =	vld [tilespmem:s26+$0x200];
	v5 =	vadd.s32 v8, v5  }
0x250: {  	v3 =	vadd.s32 v10, v3;
	v8 =	vld [tilespmem:s28+$0x200]  }
0x251: {  	v10 =	vld [tilespmem:s4+$0x280];
	v7 =	vadd.s32 v11, v7  }
0x252: {  	v11 =	vld [tilespmem:s26+$0x280];
	v4 =	vadd.s32 v4, v5  }
0x253: {  	v3 =	vadd.s32 v6, v3;
	v12 =	vld [tilespmem:s28+$0x280]  }
0x254: {  	v13 =	vld [tilespmem:s4+$0x300];
	v5 =	vadd.s32 v9, v7  }
.Ltmp8:
0x255: {  	v6 =	vld [tilespmem:s26+$0x300];
	v7 =	vadd.s32 v8, v4;
	(pc) =	sbr.rel @p0 .LBB2_17-.Ltmp8, $4  }
0x256: {  	v8 =	vadd.s32 v10, v3;
	v3 =	vld [tilespmem:s28+$0x300]  }
0x257: {  	v4 =	vld [tilespmem:s4+$0x380];
	v10 =	vadd.s32 v11, v5  }
0x258: {  	v5 =	vld [tilespmem:s26+$0x380];
	v9 =	vadd.s32 v12, v7  }
0x259: {  	s15 =	sadd.s32 $0x200, s15;
	s23 =	sadd.s32 $0x40, s23;
	v8 =	vadd.s32 v13, v8;
	v7 =	vld [tilespmem:s28+$0x380]  }
0x25a: {  	v11 =	vld [tilespmem:s31+$0x0]  }
0x25b: {  	v12 =	vld [tilespmem:s0+$0x0];
	_ =	sdelay $0x1  }
0x25c: {  	v6 =	vadd.s32 v6, v10;
	v4 =	vadd.s32 v4, v8  }
0x25d: {  	v3 =	vadd.s32 v3, v9;
	v2 =	vadd.s32 v2, v4;
	v63 =	vadd.s32 v5, v6  }
0x25e: {  	[tilespmem:s2+$0x0] =	vst v2;
	v2 =	vadd.s32 v7, v3;
	v3 =	vadd.s32 v11, v63  }
0x25f: {  	v2 =	vadd.s32 v12, v2;
	[tilespmem:s31+$0x0] =	vst v3  }
0x260: {  	[tilespmem:s0+$0x0] =	vst v2  }
0x261: {  	s30 =	simm.s32 $0x100;
	s4 =	simm.s32 $0x1E100;
	s0 =	rddreg [dreg:$0x8]  }
0x262: {  	[hbm4b:s0+s17] =	stream.strided.scatter [tilespmem:s4], [sflag:$0x3], $0x800, s30, s17, $0x38;
	[tilespmem:$0x1E900] =	vst v63  }
0x263: {  	_ =	swait.ge [sflag:s16], $0x800  }
0x264: {  	s3 =	sadd.s32 $0x1, s3;
	s31 =	rddreg [dreg:$0x9]  }
0x265: {  	p0 =	sne.s32 s3, s31  }
.Ltmp9:
0x266: {  	_ = 	snop;
	(pc) =	sbr.rel @p0 .LBB2_1-.Ltmp9, $3  }
0x267: {  	[sflag:s16] =	ssyncset.done $0x0  }
0x268: {  	[sflag:s16] =	ssyncadd.s32 $0xFFFFF800  }
0x269: {  	[bflag:$0x0] =	sbarrier.arrive $0xFFFF;
	_ =	sdelay $0x1  }
0x26a: {  	_ =	sfence.sel $0x180000  }
0x26b: {  	[bflag:$0x0] =	sbarrier.arrive $0xFFFF  }
0x26c: {  	_ =	strace $0x9000004A  }
0x26d: {  	s0 =	stileid.u32;
	[bflag:$0x2] =	sbarrier.arrive $0xFFFF  }
0x26e: {  	p0 =	sne.s32 s0, $0x0;
	s0 =	rddreg [dreg:$0x4]  }
0x26f: {  	s0 =	sadd.s32 @!p0 $0x100000, s0  }
0x270: {  	[sflag:s0] =	ssyncadd.tile.s32 @!p0 $0x1;
	_ =	shalt  }
.Lfunc_end2:
_tile_overlayer_lowered:
.L_overlay_start_2:
0x271: {  	(tag) =	ssettag $0x2  }
0x272: {  	s0 =	rddreg [dreg:$0x0];
	s2 =	stileid.u32  }
0x273: {  	s1 =	rddreg [dreg:$0x1];
	p0 =	sne.s32 s2, $0x0  }
0x274: {  	s3 =	rddreg [dreg:$0x2];
	[bflag:$0x3] =	sbarrier.arrive $0xFFFF;
	s2 =	simm.s32 @!p0 $0x1C03  }
0x275: {  	[timem:s3], [sflag:s2] =	dma.local @!p0 [hbm:s0], s1  }
0x276: {  	s0 =	simm.s32 @!p0 $0x3  }
0x277: {  	_ =	swait.ge @!p0 [sflag:s0], s1  }
0x278: {  	s1 =	ssub.s32 @!p0 $0x0, s1;
	[sflag:s0] =	ssyncset.done @!p0 $0x0  }
0x279: {  	[sflag:s0] =	ssyncadd.s32 @!p0 s1  }
0x27a: {  	[bflag:$0x3] =	sbarrier.arrive $0xFFFF  }
0x27b: {  	_ =	shalt  }

</sc_bundles>
